<compile_context>
chip_gen: v7x
topology: tpu7x:2x2x1
jax: 0.10.2.dev20260603
libtpu: 0.0.44.dev20260713+nightly
codegen_flags: <defaults>
</compile_context>

<pallas_src>
import functools

import jax
import jax.numpy as jnp
from jax import lax
from jax.experimental import pallas as pl
from jax.experimental.pallas import tpu as pltpu
from jax.experimental.pallas import tpu_sc as plsc

DIM = 33
D3 = DIM * DIM * DIM
NFLAT = 3 * D3
NPAD = NFLAT + 5
NSAMP = 8
NPIX = 512 * 512
NCORES = 2
NSUBC = 16
NW = NCORES * NSUBC
WORKERS_PER_SAMP = NW // NSAMP
INV_BIN = (DIM - 1) / 1.000001
OFFS = (0, 1, DIM, DIM + 1, DIM * DIM, DIM * DIM + 1,
        DIM * DIM + DIM, DIM * DIM + DIM + 1)
MAXBASE = (DIM - 2) * (1 + DIM + DIM * DIM) + 1

ROWS_PER_W = 512 // WORKERS_PER_SAMP
RCHUNK = 8
NRCHUNK = ROWS_PER_W // RCHUNK
VPR = 512 // 16


NSLAB = 3 * DIM * DIM
SLAB_BLK = 33


def _fuse_body(w_ref, lut_ref, out_ref):
    w = w_ref[...]
    for j in range(SLAB_BLK):
        out_ref[j] = jnp.dot(w, lut_ref[j], preferred_element_type=jnp.float32)


def _fuse_luts(weights, luts_t):
    num = weights.shape[1]
    grid = (NSLAB // SLAB_BLK,)
    return pl.pallas_call(
        _fuse_body,
        grid=grid,
        in_specs=[
            pl.BlockSpec((NSAMP, num), lambda n: (0, 0)),
            pl.BlockSpec((SLAB_BLK, num, DIM), lambda n: (n, 0, 0)),
        ],
        out_specs=pl.BlockSpec((SLAB_BLK, NSAMP, DIM), lambda n: (n, 0, 0)),
        out_shape=jax.ShapeDtypeStruct((NSLAB, NSAMP, DIM), jnp.float32),
    )(weights, luts_t)


NCHUNK = ROWS_PER_W // RCHUNK * 4
NOUTER = NCHUNK // 2


def _interp_body(d3lut, x, out, lut_v,
                 ri0, gi0, bi0, ri1, gi1, bi1,
                 ro0, go0, bo0, ro1, go1, bo1,
                 sin0, sin1, sout0, sout1):
    wid = lax.axis_index("s") * NCORES + lax.axis_index("c")
    samp = wid // WORKERS_PER_SAMP
    quarter = wid % WORKERS_PER_SAMP
    row0 = quarter * ROWS_PER_W
    ins = ((ri0, gi0, bi0), (ri1, gi1, bi1))
    outs = ((ro0, go0, bo0), (ro1, go1, bo1))
    sins = (sin0, sin1)
    souts = (sout0, sout1)

    pltpu.sync_copy(d3lut.at[pl.ds(samp * NPAD, NPAD)], lut_v)

    def xslice(c, ch):
        r0 = row0 + (c >> 2) * RCHUNK
        col = (c & 3) * 128
        return (samp, ch, pl.ds(r0, RCHUNK), pl.ds(col, 128))

    for j in range(2):
        for ch in range(3):
            pltpu.async_copy(x.at[xslice(j, ch)], ins[j][ch], sins[j])

    def compute_chunk(inb, outb):
        rb, gb, bb = inb

        def vec_body(i, carry2):
            rr = i >> 3
            sl = pl.ds((i & 7) * 16, 16)
            rs = rb[rr, sl] * INV_BIN
            gs = gb[rr, sl] * INV_BIN
            bs = bb[rr, sl] * INV_BIN
            ri = jnp.minimum(rs.astype(jnp.int32), DIM - 2)
            gi = jnp.minimum(gs.astype(jnp.int32), DIM - 2)
            bi = jnp.minimum(bs.astype(jnp.int32), DIM - 2)
            rd = rs - ri.astype(jnp.float32)
            gd = gs - gi.astype(jnp.float32)
            bd = bs - bi.astype(jnp.float32)
            rd1 = 1.0 - rd
            gd1 = 1.0 - gd
            bd1 = 1.0 - bd
            a00 = rd1 * gd1
            a10 = rd * gd1
            a01 = rd1 * gd
            a11 = rd * gd
            w = (a00 * bd1, a10 * bd1, a01 * bd1, a11 * bd1,
                 a00 * bd, a10 * bd, a01 * bd, a11 * bd)
            base = ri + gi * DIM + bi * (DIM * DIM)
            idxs = tuple(base + d for d in range(6))
            accs = []
            for c in range(3):
                t8 = []
                for k in range(8):
                    off = c * D3 + OFFS[k]
                    rem = off % 8
                    t8.append(w[k] * plsc.load_gather(
                        lut_v.at[pl.ds(off - rem, MAXBASE + 8)],
                        [idxs[rem]]))
                accs.append(((t8[0] + t8[1]) + (t8[2] + t8[3]))
                            + ((t8[4] + t8[5]) + (t8[6] + t8[7])))
            outb[0][rr, sl] = accs[0]
            outb[1][rr, sl] = accs[1]
            outb[2][rr, sl] = accs[2]
            return carry2

        lax.fori_loop(0, RCHUNK * 8, vec_body, 0, unroll=2)

    def outer(t, carry):
        for j in range(2):
            c = t * 2 + j

            @pl.when(t > 0)
            def _wait_out():
                for ch in range(3):
                    pltpu.make_async_copy(
                        outs[j][ch], out.at[xslice(c, ch)], souts[j]).wait()

            for ch in range(3):
                pltpu.make_async_copy(
                    x.at[xslice(c, ch)], ins[j][ch], sins[j]).wait()
            compute_chunk(ins[j], outs[j])
            for ch in range(3):
                pltpu.async_copy(outs[j][ch], out.at[xslice(c, ch)], souts[j])

            @pl.when(t < NOUTER - 1)
            def _prefetch():
                for ch in range(3):
                    pltpu.async_copy(x.at[xslice(c + 2, ch)], ins[j][ch],
                                     sins[j])
        return carry

    lax.fori_loop(0, NOUTER, outer, 0, unroll=False)
    for j in range(2):
        for ch in range(3):
            pltpu.make_async_copy(
                outs[j][ch], out.at[xslice(NCHUNK - 2 + j, ch)],
                souts[j]).wait()


_sc_interp = functools.partial(
    pl.kernel,
    out_type=jax.ShapeDtypeStruct((NSAMP, 3, 512, 512), jnp.float32),
    mesh=plsc.VectorSubcoreMesh(core_axis_name="c", subcore_axis_name="s"),
    compiler_params=pltpu.CompilerParams(needs_layout_passes=False,
                                         use_tc_tiling_on_sc=True),
    scratch_types=(
        [pltpu.VMEM((NPAD,), jnp.float32)]
        + [pltpu.VMEM((RCHUNK, 128), jnp.float32) for _ in range(12)]
        + [pltpu.SemaphoreType.DMA for _ in range(4)]
    ),
)(_interp_body)


def kernel(weights, x, LUTs):
    num = LUTs.shape[0]
    luts_t = jnp.transpose(LUTs, (1, 2, 3, 0, 4)).reshape(NSLAB, num, DIM)
    fused = _fuse_luts(weights, luts_t)
    d3 = fused.transpose(1, 0, 2).reshape(NSAMP, NFLAT)
    d3 = jnp.pad(d3, ((0, 0), (0, NPAD - NFLAT)))
    return _sc_interp(d3.reshape(-1), x)

# --- scband reference (transcript-rebuilt; emitter-appended) ---
"""Pipeline reference for scband-icelut-7808250544313 (READ-ONLY COPY).

The authoritative reference and input builder live on the scoring server;
editing this copy changes nothing except your own understanding.
"""

import jax, jax.numpy as jnp
import numpy as np

DIM = 33
NUM = 20

def setup_inputs(seed: int = 0) -> dict:
    key = jax.random.key(seed)
    k1, k2, k3 = jax.random.split(key, 3)
    weights = jax.random.normal(k1, (8, NUM), dtype=jnp.float32) * 0.1
    x = jax.random.uniform(k2, (8, 3, 512, 512), dtype=jnp.float32)
    # CLUT in '--' mode: LUTs parameter of shape [num, 3, dim, dim, dim]
    LUTs = jax.random.normal(k3, (NUM, 3, DIM, DIM, DIM), dtype=jnp.float32) * 0.01
    return {"weights": weights, "x": x, "LUTs": LUTs}


def _trilinear_one(lut, img):
    # lut: [3, dim, dim, dim]; img: [3, H, W] with values in [0, 1]
    dim = lut.shape[-1]
    binsize = 1.000001 / (dim - 1)
    r = img[0]
    g = img[1]
    b = img[2]
    r_s = r / binsize
    g_s = g / binsize
    b_s = b / binsize
    rid = jnp.clip(jnp.floor(r_s), 0, dim - 2).astype(jnp.int32)
    gid = jnp.clip(jnp.floor(g_s), 0, dim - 2).astype(jnp.int32)
    bid = jnp.clip(jnp.floor(b_s), 0, dim - 2).astype(jnp.int32)
    rd = r_s - rid.astype(r_s.dtype)
    gd = g_s - gid.astype(g_s.dtype)
    bd = b_s - bid.astype(b_s.dtype)
    flat = lut.reshape(3, dim * dim * dim)
    H, W = r.shape

    def corner(dr, dg, db):
        # layout matches trilinear CUDA kernel: id = r + g*dim + b*dim*dim
        idx = (rid + dr) + (gid + dg) * dim + (bid + db) * dim * dim
        vals = jnp.take(flat, idx.reshape(-1), axis=1)  # [3, H*W] gather
        return vals.reshape(3, H, W)

    w000 = (1 - rd) * (1 - gd) * (1 - bd)
    w100 = rd * (1 - gd) * (1 - bd)
    w010 = (1 - rd) * gd * (1 - bd)
    w110 = rd * gd * (1 - bd)
    w001 = (1 - rd) * (1 - gd) * bd
    w101 = rd * (1 - gd) * bd
    w011 = (1 - rd) * gd * bd
    w111 = rd * gd * bd

    out = (w000[None] * corner(0, 0, 0)
           + w100[None] * corner(1, 0, 0)
           + w010[None] * corner(0, 1, 0)
           + w110[None] * corner(1, 1, 0)
           + w001[None] * corner(0, 0, 1)
           + w101[None] * corner(1, 0, 1)
           + w011[None] * corner(0, 1, 1)
           + w111[None] * corner(1, 1, 1))
    return out


def reference(weights, x, LUTs):
    # CLUT '--' mode: D3LUTs = LUTs directly (no cube_to_lut needed)
    num = LUTs.shape[0]
    dim = LUTs.shape[-1]
    # combine: per-sample fused LUT = weights @ LUTs.reshape(num, -1)
    D3LUT = (weights @ LUTs.reshape(num, -1)).reshape(-1, 3, dim, dim, dim)
    # TrilinearInterpolation: lut.shape[0] == x.shape[0] -> per-sample LUT apply
    out = jax.vmap(_trilinear_one)(D3LUT, x)
    return out

if __name__ == "__main__":
    import jax
    _d = setup_inputs()
    print(jax.jit(kernel)(*tuple(_d.values())))

</pallas_src>

<mosaic_0001>
#map = affine_map<(d0, d1) -> (0)>
#map1 = affine_map<(d0, d1) -> (0, 0, 0, 0)>
module attributes {stable_mosaic.version = 14 : i64} {
  func.func @_interp_body(%arg0: i32, %arg1: i32, %arg2: memref<862528xf32, #tpu.memory_space<hbm>>, %arg3: memref<8x3x512x512xf32, #tpu.memory_space<hbm>>, %arg4: memref<8x3x512x512xf32, #tpu.memory_space<hbm>>, %arg5: memref<107816xf32, #tpu.memory_space<vmem>>, %arg6: memref<8x128xf32, #tpu.memory_space<vmem>>, %arg7: memref<8x128xf32, #tpu.memory_space<vmem>>, %arg8: memref<8x128xf32, #tpu.memory_space<vmem>>, %arg9: memref<8x128xf32, #tpu.memory_space<vmem>>, %arg10: memref<8x128xf32, #tpu.memory_space<vmem>>, %arg11: memref<8x128xf32, #tpu.memory_space<vmem>>, %arg12: memref<8x128xf32, #tpu.memory_space<vmem>>, %arg13: memref<8x128xf32, #tpu.memory_space<vmem>>, %arg14: memref<8x128xf32, #tpu.memory_space<vmem>>, %arg15: memref<8x128xf32, #tpu.memory_space<vmem>>, %arg16: memref<8x128xf32, #tpu.memory_space<vmem>>, %arg17: memref<8x128xf32, #tpu.memory_space<vmem>>, %arg18: memref<!tpu.dma_semaphore, #tpu.memory_space<semaphore_mem>>, %arg19: memref<!tpu.dma_semaphore, #tpu.memory_space<semaphore_mem>>, %arg20: memref<!tpu.dma_semaphore, #tpu.memory_space<semaphore_mem>>, %arg21: memref<!tpu.dma_semaphore, #tpu.memory_space<semaphore_mem>>) attributes {dimension_semantics = [#tpu.dimension_semantics<core_parallel>, #tpu.dimension_semantics<subcore_parallel>], iteration_bounds = array<i64: 2, 16>, scalar_prefetch = 0 : i64, scratch_operands = 17 : i64, tpu.core_type = #tpu.core_type<sc_vector_subcore>, window_params = [{transform_indices = #map}, {transform_indices = #map1}, {transform_indices = #map1}]} {
    %mul3A = arith.constant 2 : i32
    %mul3A_0 = arith.muli %arg1, %mul3A : i32
    %add3A = arith.addi %mul3A_0, %arg0 : i32
    %jit3A = arith.constant 4 : i32
    %div3A = arith.divsi %add3A, %jit3A : i32
    %sign3A = arith.constant 0 : i32
    %sign3A_1 = arith.cmpi sgt, %add3A, %sign3A : i32
    %sign3A_2 = arith.extui %sign3A_1 : i1 to i32
    %sign3A_3 = arith.constant 0 : i32
    %sign3A_4 = arith.cmpi slt, %add3A, %sign3A_3 : i32
    %sign3A_5 = arith.extui %sign3A_4 : i1 to i32
    %sign3A_6 = arith.subi %sign3A_2, %sign3A_5 : i32
    %sign3A_7 = arith.constant 0 : i32
    %sign3A_8 = arith.cmpi sgt, %jit3A, %sign3A_7 : i32
    %sign3A_9 = arith.extui %sign3A_8 : i1 to i32
    %sign3A_10 = arith.constant 0 : i32
    %sign3A_11 = arith.cmpi slt, %jit3A, %sign3A_10 : i32
    %sign3A_12 = arith.extui %sign3A_11 : i1 to i32
    %sign3A_13 = arith.subi %sign3A_9, %sign3A_12 : i32
    %ne3A = arith.cmpi ne, %sign3A_6, %sign3A_13 : i32
    %rem3A = arith.remsi %add3A, %jit3A : i32
    %ne3A_14 = arith.constant 0 : i32
    %ne3A_15 = arith.cmpi ne, %rem3A, %ne3A_14 : i32
    %and3A = arith.andi %ne3A, %ne3A_15 : i1
    %sub3A = arith.constant 1 : i32
    %sub3A_16 = arith.subi %div3A, %sub3A : i32
    %select_n3A = arith.select %and3A, %sub3A_16, %div3A : i32
    %jit3A_17 = arith.constant 4 : i32
    %eq3A = arith.constant 0 : i32
    %eq3A_18 = arith.cmpi eq, %jit3A_17, %eq3A : i32
    %jit3A_19 = arith.constant 1 : i32
    %select_n3A_20 = arith.select %eq3A_18, %jit3A_19, %jit3A_17 : i32
    %rem3A_21 = arith.remsi %add3A, %select_n3A_20 : i32
    %ne3A_22 = arith.constant 0 : i32
    %ne3A_23 = arith.cmpi ne, %rem3A_21, %ne3A_22 : i32
    %lt3A = arith.constant 0 : i32
    %lt3A_24 = arith.cmpi slt, %rem3A_21, %lt3A : i32
    %lt3A_25 = arith.constant 0 : i32
    %lt3A_26 = arith.cmpi slt, %select_n3A_20, %lt3A_25 : i32
    %ne3A_27 = arith.xori %lt3A_24, %lt3A_26 : i1
    %and3A_28 = arith.andi %ne3A_27, %ne3A_23 : i1
    %add3A_29 = arith.addi %rem3A_21, %select_n3A_20 : i32
    %select_n3A_30 = arith.select %and3A_28, %add3A_29, %rem3A_21 : i32
    %mul3A_31 = arith.constant 128 : i32
    %mul3A_32 = arith.muli %select_n3A_30, %mul3A_31 : i32
    %mul3A_33 = arith.constant 107816 : i32
    %mul3A_34 = arith.muli %select_n3A, %mul3A_33 : i32
    "tpu.region"() ({
      %run_scoped3A = tpu.sem_alloc : memref<!tpu.dma_semaphore, #tpu.memory_space<semaphore_mem>>
      %dma_start3A_146 = tpu.memref_slice %arg2[%mul3A_34] : memref<862528xf32, #tpu.memory_space<hbm>> -> memref<107816xf32, #tpu.memory_space<hbm>>
      %dma_start3A_147 = tpu.memref_slice %arg2[%mul3A_34] : memref<862528xf32, #tpu.memory_space<hbm>> -> memref<107816xf32, #tpu.memory_space<hbm>>
      tpu.enqueue_dma source(%dma_start3A_147 : memref<107816xf32, #tpu.memory_space<hbm>>) target(%arg5 : memref<107816xf32, #tpu.memory_space<vmem>>) target_semaphore(%run_scoped3A : memref<!tpu.dma_semaphore, #tpu.memory_space<semaphore_mem>>)
      %dma_wait3A_148 = tpu.memref_slice %arg2[%mul3A_34] : memref<862528xf32, #tpu.memory_space<hbm>> -> memref<107816xf32, #tpu.memory_space<hbm>>
      %dma_wait3A_149 = tpu.memref_slice %arg2[%mul3A_34] : memref<862528xf32, #tpu.memory_space<hbm>> -> memref<107816xf32, #tpu.memory_space<hbm>>
      tpu.wait_dma2 semaphore(%run_scoped3A : memref<!tpu.dma_semaphore, #tpu.memory_space<semaphore_mem>>) src(%dma_wait3A_149 : memref<107816xf32, #tpu.memory_space<hbm>>) dst(%arg5 : memref<107816xf32, #tpu.memory_space<vmem>>)
      tpu.yield
    }) : () -> ()
    %add3A_35 = arith.constant 0 : i32
    %add3A_36 = arith.addi %mul3A_32, %add3A_35 : i32
    %dma_start3A = arith.constant 0 : i32
    %dma_start3A_37 = arith.constant 0 : i32
    %dma_start3A_38 = tpu.memref_slice %arg3[%select_n3A, %dma_start3A, %add3A_36, %dma_start3A_37] : memref<8x3x512x512xf32, #tpu.memory_space<hbm>> -> memref<1x1x8x128xf32, #tpu.memory_space<hbm>>
    %dma_start3A_39 = tpu.memref_squeeze %dma_start3A_38 : memref<1x1x8x128xf32, #tpu.memory_space<hbm>> -> memref<8x128xf32, #tpu.memory_space<hbm>>
    %dma_start3A_40 = arith.constant 0 : i32
    %dma_start3A_41 = tpu.memref_slice %arg3[%select_n3A, %dma_start3A, %add3A_36, %dma_start3A_40] : memref<8x3x512x512xf32, #tpu.memory_space<hbm>> -> memref<1x1x8x128xf32, #tpu.memory_space<hbm>>
    %dma_start3A_42 = tpu.memref_squeeze %dma_start3A_41 : memref<1x1x8x128xf32, #tpu.memory_space<hbm>> -> memref<8x128xf32, #tpu.memory_space<hbm>>
    tpu.enqueue_dma source(%dma_start3A_42 : memref<8x128xf32, #tpu.memory_space<hbm>>) target(%arg6 : memref<8x128xf32, #tpu.memory_space<vmem>>) target_semaphore(%arg18 : memref<!tpu.dma_semaphore, #tpu.memory_space<semaphore_mem>>)
    %add3A_43 = arith.constant 0 : i32
    %add3A_44 = arith.addi %mul3A_32, %add3A_43 : i32
    %dma_start3A_45 = arith.constant 1 : i32
    %dma_start3A_46 = arith.constant 0 : i32
    %dma_start3A_47 = tpu.memref_slice %arg3[%select_n3A, %dma_start3A_45, %add3A_44, %dma_start3A_46] : memref<8x3x512x512xf32, #tpu.memory_space<hbm>> -> memref<1x1x8x128xf32, #tpu.memory_space<hbm>>
    %dma_start3A_48 = tpu.memref_squeeze %dma_start3A_47 : memref<1x1x8x128xf32, #tpu.memory_space<hbm>> -> memref<8x128xf32, #tpu.memory_space<hbm>>
    %dma_start3A_49 = arith.constant 0 : i32
    %dma_start3A_50 = tpu.memref_slice %arg3[%select_n3A, %dma_start3A_45, %add3A_44, %dma_start3A_49] : memref<8x3x512x512xf32, #tpu.memory_space<hbm>> -> memref<1x1x8x128xf32, #tpu.memory_space<hbm>>
    %dma_start3A_51 = tpu.memref_squeeze %dma_start3A_50 : memref<1x1x8x128xf32, #tpu.memory_space<hbm>> -> memref<8x128xf32, #tpu.memory_space<hbm>>
    tpu.enqueue_dma source(%dma_start3A_51 : memref<8x128xf32, #tpu.memory_space<hbm>>) target(%arg7 : memref<8x128xf32, #tpu.memory_space<vmem>>) target_semaphore(%arg18 : memref<!tpu.dma_semaphore, #tpu.memory_space<semaphore_mem>>)
    %add3A_52 = arith.constant 0 : i32
    %add3A_53 = arith.addi %mul3A_32, %add3A_52 : i32
    %dma_start3A_54 = arith.constant 2 : i32
    %dma_start3A_55 = arith.constant 0 : i32
    %dma_start3A_56 = tpu.memref_slice %arg3[%select_n3A, %dma_start3A_54, %add3A_53, %dma_start3A_55] : memref<8x3x512x512xf32, #tpu.memory_space<hbm>> -> memref<1x1x8x128xf32, #tpu.memory_space<hbm>>
    %dma_start3A_57 = tpu.memref_squeeze %dma_start3A_56 : memref<1x1x8x128xf32, #tpu.memory_space<hbm>> -> memref<8x128xf32, #tpu.memory_space<hbm>>
    %dma_start3A_58 = arith.constant 0 : i32
    %dma_start3A_59 = tpu.memref_slice %arg3[%select_n3A, %dma_start3A_54, %add3A_53, %dma_start3A_58] : memref<8x3x512x512xf32, #tpu.memory_space<hbm>> -> memref<1x1x8x128xf32, #tpu.memory_space<hbm>>
    %dma_start3A_60 = tpu.memref_squeeze %dma_start3A_59 : memref<1x1x8x128xf32, #tpu.memory_space<hbm>> -> memref<8x128xf32, #tpu.memory_space<hbm>>
    tpu.enqueue_dma source(%dma_start3A_60 : memref<8x128xf32, #tpu.memory_space<hbm>>) target(%arg8 : memref<8x128xf32, #tpu.memory_space<vmem>>) target_semaphore(%arg18 : memref<!tpu.dma_semaphore, #tpu.memory_space<semaphore_mem>>)
    %add3A_61 = arith.constant 0 : i32
    %add3A_62 = arith.addi %mul3A_32, %add3A_61 : i32
    %dma_start3A_63 = arith.constant 0 : i32
    %dma_start3A_64 = arith.constant 128 : i32
    %dma_start3A_65 = tpu.memref_slice %arg3[%select_n3A, %dma_start3A_63, %add3A_62, %dma_start3A_64] : memref<8x3x512x512xf32, #tpu.memory_space<hbm>> -> memref<1x1x8x128xf32, #tpu.memory_space<hbm>>
    %dma_start3A_66 = tpu.memref_squeeze %dma_start3A_65 : memref<1x1x8x128xf32, #tpu.memory_space<hbm>> -> memref<8x128xf32, #tpu.memory_space<hbm>>
    %dma_start3A_67 = arith.constant 128 : i32
    %dma_start3A_68 = tpu.memref_slice %arg3[%select_n3A, %dma_start3A_63, %add3A_62, %dma_start3A_67] : memref<8x3x512x512xf32, #tpu.memory_space<hbm>> -> memref<1x1x8x128xf32, #tpu.memory_space<hbm>>
    %dma_start3A_69 = tpu.memref_squeeze %dma_start3A_68 : memref<1x1x8x128xf32, #tpu.memory_space<hbm>> -> memref<8x128xf32, #tpu.memory_space<hbm>>
    tpu.enqueue_dma source(%dma_start3A_69 : memref<8x128xf32, #tpu.memory_space<hbm>>) target(%arg9 : memref<8x128xf32, #tpu.memory_space<vmem>>) target_semaphore(%arg19 : memref<!tpu.dma_semaphore, #tpu.memory_space<semaphore_mem>>)
    %add3A_70 = arith.constant 0 : i32
    %add3A_71 = arith.addi %mul3A_32, %add3A_70 : i32
    %dma_start3A_72 = arith.constant 1 : i32
    %dma_start3A_73 = arith.constant 128 : i32
    %dma_start3A_74 = tpu.memref_slice %arg3[%select_n3A, %dma_start3A_72, %add3A_71, %dma_start3A_73] : memref<8x3x512x512xf32, #tpu.memory_space<hbm>> -> memref<1x1x8x128xf32, #tpu.memory_space<hbm>>
    %dma_start3A_75 = tpu.memref_squeeze %dma_start3A_74 : memref<1x1x8x128xf32, #tpu.memory_space<hbm>> -> memref<8x128xf32, #tpu.memory_space<hbm>>
    %dma_start3A_76 = arith.constant 128 : i32
    %dma_start3A_77 = tpu.memref_slice %arg3[%select_n3A, %dma_start3A_72, %add3A_71, %dma_start3A_76] : memref<8x3x512x512xf32, #tpu.memory_space<hbm>> -> memref<1x1x8x128xf32, #tpu.memory_space<hbm>>
    %dma_start3A_78 = tpu.memref_squeeze %dma_start3A_77 : memref<1x1x8x128xf32, #tpu.memory_space<hbm>> -> memref<8x128xf32, #tpu.memory_space<hbm>>
    tpu.enqueue_dma source(%dma_start3A_78 : memref<8x128xf32, #tpu.memory_space<hbm>>) target(%arg10 : memref<8x128xf32, #tpu.memory_space<vmem>>) target_semaphore(%arg19 : memref<!tpu.dma_semaphore, #tpu.memory_space<semaphore_mem>>)
    %add3A_79 = arith.constant 0 : i32
    %add3A_80 = arith.addi %mul3A_32, %add3A_79 : i32
    %dma_start3A_81 = arith.constant 2 : i32
    %dma_start3A_82 = arith.constant 128 : i32
    %dma_start3A_83 = tpu.memref_slice %arg3[%select_n3A, %dma_start3A_81, %add3A_80, %dma_start3A_82] : memref<8x3x512x512xf32, #tpu.memory_space<hbm>> -> memref<1x1x8x128xf32, #tpu.memory_space<hbm>>
    %dma_start3A_84 = tpu.memref_squeeze %dma_start3A_83 : memref<1x1x8x128xf32, #tpu.memory_space<hbm>> -> memref<8x128xf32, #tpu.memory_space<hbm>>
    %dma_start3A_85 = arith.constant 128 : i32
    %dma_start3A_86 = tpu.memref_slice %arg3[%select_n3A, %dma_start3A_81, %add3A_80, %dma_start3A_85] : memref<8x3x512x512xf32, #tpu.memory_space<hbm>> -> memref<1x1x8x128xf32, #tpu.memory_space<hbm>>
    %dma_start3A_87 = tpu.memref_squeeze %dma_start3A_86 : memref<1x1x8x128xf32, #tpu.memory_space<hbm>> -> memref<8x128xf32, #tpu.memory_space<hbm>>
    tpu.enqueue_dma source(%dma_start3A_87 : memref<8x128xf32, #tpu.memory_space<hbm>>) target(%arg11 : memref<8x128xf32, #tpu.memory_space<vmem>>) target_semaphore(%arg19 : memref<!tpu.dma_semaphore, #tpu.memory_space<semaphore_mem>>)
    %scan3A = arith.constant 0 : i32
    %scan3A_88 = arith.constant 0 : i32
    %scan3A_89 = arith.constant 32 : i32
    %scan3A_90 = arith.addi %scan3A_88, %scan3A_89 : i32
    %scan3A_91 = arith.constant 1 : i32
    scf.for %scan3A_146 = %scan3A_88 to %scan3A_90 step %scan3A_91  : i32 {
      %mul3A_147 = arith.constant 2 : i32
      %mul3A_148 = arith.muli %scan3A_146, %mul3A_147 : i32
      %add3A_149 = arith.constant 0 : i32
      %add3A_150 = arith.addi %mul3A_148, %add3A_149 : i32
      %gt3A = arith.constant 0 : i32
      %gt3A_151 = arith.cmpi sgt, %scan3A_146, %gt3A : i32
      %convert_element_type3A = arith.extui %gt3A_151 : i1 to i32
      %cond3A = arith.constant 0 : i32
      %cond3A_152 = arith.cmpi ne, %convert_element_type3A, %cond3A : i32
      scf.if %cond3A_152 {
        %shift_right_arithmetic3A_351 = arith.constant 2 : i32
        %shift_right_arithmetic3A_352 = arith.shrsi %add3A_150, %shift_right_arithmetic3A_351 : i32
        %mul3A_353 = arith.constant 8 : i32
        %mul3A_354 = arith.muli %shift_right_arithmetic3A_352, %mul3A_353 : i32
        %add3A_355 = arith.addi %mul3A_32, %mul3A_354 : i32
        %and3A_356 = arith.constant 3 : i32
        %and3A_357 = arith.andi %add3A_150, %and3A_356 : i32
        %mul3A_358 = arith.constant 128 : i32
        %mul3A_359 = arith.muli %and3A_357, %mul3A_358 : i32
        %dma_wait3A_360 = arith.constant 0 : i32
        %dma_wait3A_361 = tpu.memref_slice %arg4[%select_n3A, %dma_wait3A_360, %add3A_355, %mul3A_359] : memref<8x3x512x512xf32, #tpu.memory_space<hbm>> -> memref<1x1x8x128xf32, #tpu.memory_space<hbm>>
        %dma_wait3A_362 = tpu.memref_squeeze %dma_wait3A_361 : memref<1x1x8x128xf32, #tpu.memory_space<hbm>> -> memref<8x128xf32, #tpu.memory_space<hbm>>
        %dma_wait3A_363 = tpu.memref_slice %arg4[%select_n3A, %dma_wait3A_360, %add3A_355, %mul3A_359] : memref<8x3x512x512xf32, #tpu.memory_space<hbm>> -> memref<1x1x8x128xf32, #tpu.memory_space<hbm>>
        %dma_wait3A_364 = tpu.memref_squeeze %dma_wait3A_363 : memref<1x1x8x128xf32, #tpu.memory_space<hbm>> -> memref<8x128xf32, #tpu.memory_space<hbm>>
        tpu.wait_dma2 semaphore(%arg20 : memref<!tpu.dma_semaphore, #tpu.memory_space<semaphore_mem>>) src(%arg12 : memref<8x128xf32, #tpu.memory_space<vmem>>) dst(%dma_wait3A_364 : memref<8x128xf32, #tpu.memory_space<hbm>>)
        %shift_right_arithmetic3A_365 = arith.constant 2 : i32
        %shift_right_arithmetic3A_366 = arith.shrsi %add3A_150, %shift_right_arithmetic3A_365 : i32
        %mul3A_367 = arith.constant 8 : i32
        %mul3A_368 = arith.muli %shift_right_arithmetic3A_366, %mul3A_367 : i32
        %add3A_369 = arith.addi %mul3A_32, %mul3A_368 : i32
        %and3A_370 = arith.constant 3 : i32
        %and3A_371 = arith.andi %add3A_150, %and3A_370 : i32
        %mul3A_372 = arith.constant 128 : i32
        %mul3A_373 = arith.muli %and3A_371, %mul3A_372 : i32
        %dma_wait3A_374 = arith.constant 1 : i32
        %dma_wait3A_375 = tpu.memref_slice %arg4[%select_n3A, %dma_wait3A_374, %add3A_369, %mul3A_373] : memref<8x3x512x512xf32, #tpu.memory_space<hbm>> -> memref<1x1x8x128xf32, #tpu.memory_space<hbm>>
        %dma_wait3A_376 = tpu.memref_squeeze %dma_wait3A_375 : memref<1x1x8x128xf32, #tpu.memory_space<hbm>> -> memref<8x128xf32, #tpu.memory_space<hbm>>
        %dma_wait3A_377 = tpu.memref_slice %arg4[%select_n3A, %dma_wait3A_374, %add3A_369, %mul3A_373] : memref<8x3x512x512xf32, #tpu.memory_space<hbm>> -> memref<1x1x8x128xf32, #tpu.memory_space<hbm>>
        %dma_wait3A_378 = tpu.memref_squeeze %dma_wait3A_377 : memref<1x1x8x128xf32, #tpu.memory_space<hbm>> -> memref<8x128xf32, #tpu.memory_space<hbm>>
        tpu.wait_dma2 semaphore(%arg20 : memref<!tpu.dma_semaphore, #tpu.memory_space<semaphore_mem>>) src(%arg13 : memref<8x128xf32, #tpu.memory_space<vmem>>) dst(%dma_wait3A_378 : memref<8x128xf32, #tpu.memory_space<hbm>>)
        %shift_right_arithmetic3A_379 = arith.constant 2 : i32
        %shift_right_arithmetic3A_380 = arith.shrsi %add3A_150, %shift_right_arithmetic3A_379 : i32
        %mul3A_381 = arith.constant 8 : i32
        %mul3A_382 = arith.muli %shift_right_arithmetic3A_380, %mul3A_381 : i32
        %add3A_383 = arith.addi %mul3A_32, %mul3A_382 : i32
        %and3A_384 = arith.constant 3 : i32
        %and3A_385 = arith.andi %add3A_150, %and3A_384 : i32
        %mul3A_386 = arith.constant 128 : i32
        %mul3A_387 = arith.muli %and3A_385, %mul3A_386 : i32
        %dma_wait3A_388 = arith.constant 2 : i32
        %dma_wait3A_389 = tpu.memref_slice %arg4[%select_n3A, %dma_wait3A_388, %add3A_383, %mul3A_387] : memref<8x3x512x512xf32, #tpu.memory_space<hbm>> -> memref<1x1x8x128xf32, #tpu.memory_space<hbm>>
        %dma_wait3A_390 = tpu.memref_squeeze %dma_wait3A_389 : memref<1x1x8x128xf32, #tpu.memory_space<hbm>> -> memref<8x128xf32, #tpu.memory_space<hbm>>
        %dma_wait3A_391 = tpu.memref_slice %arg4[%select_n3A, %dma_wait3A_388, %add3A_383, %mul3A_387] : memref<8x3x512x512xf32, #tpu.memory_space<hbm>> -> memref<1x1x8x128xf32, #tpu.memory_space<hbm>>
        %dma_wait3A_392 = tpu.memref_squeeze %dma_wait3A_391 : memref<1x1x8x128xf32, #tpu.memory_space<hbm>> -> memref<8x128xf32, #tpu.memory_space<hbm>>
        tpu.wait_dma2 semaphore(%arg20 : memref<!tpu.dma_semaphore, #tpu.memory_space<semaphore_mem>>) src(%arg14 : memref<8x128xf32, #tpu.memory_space<vmem>>) dst(%dma_wait3A_392 : memref<8x128xf32, #tpu.memory_space<hbm>>)
      } else {
      }
      %shift_right_arithmetic3A = arith.constant 2 : i32
      %shift_right_arithmetic3A_153 = arith.shrsi %add3A_150, %shift_right_arithmetic3A : i32
      %mul3A_154 = arith.constant 8 : i32
      %mul3A_155 = arith.muli %shift_right_arithmetic3A_153, %mul3A_154 : i32
      %add3A_156 = arith.addi %mul3A_32, %mul3A_155 : i32
      %and3A_157 = arith.constant 3 : i32
      %and3A_158 = arith.andi %add3A_150, %and3A_157 : i32
      %mul3A_159 = arith.constant 128 : i32
      %mul3A_160 = arith.muli %and3A_158, %mul3A_159 : i32
      %dma_wait3A_161 = arith.constant 0 : i32
      %dma_wait3A_162 = tpu.memref_slice %arg3[%select_n3A, %dma_wait3A_161, %add3A_156, %mul3A_160] : memref<8x3x512x512xf32, #tpu.memory_space<hbm>> -> memref<1x1x8x128xf32, #tpu.memory_space<hbm>>
      %dma_wait3A_163 = tpu.memref_squeeze %dma_wait3A_162 : memref<1x1x8x128xf32, #tpu.memory_space<hbm>> -> memref<8x128xf32, #tpu.memory_space<hbm>>
      %dma_wait3A_164 = tpu.memref_slice %arg3[%select_n3A, %dma_wait3A_161, %add3A_156, %mul3A_160] : memref<8x3x512x512xf32, #tpu.memory_space<hbm>> -> memref<1x1x8x128xf32, #tpu.memory_space<hbm>>
      %dma_wait3A_165 = tpu.memref_squeeze %dma_wait3A_164 : memref<1x1x8x128xf32, #tpu.memory_space<hbm>> -> memref<8x128xf32, #tpu.memory_space<hbm>>
      tpu.wait_dma2 semaphore(%arg18 : memref<!tpu.dma_semaphore, #tpu.memory_space<semaphore_mem>>) src(%dma_wait3A_165 : memref<8x128xf32, #tpu.memory_space<hbm>>) dst(%arg6 : memref<8x128xf32, #tpu.memory_space<vmem>>)
      %shift_right_arithmetic3A_166 = arith.constant 2 : i32
      %shift_right_arithmetic3A_167 = arith.shrsi %add3A_150, %shift_right_arithmetic3A_166 : i32
      %mul3A_168 = arith.constant 8 : i32
      %mul3A_169 = arith.muli %shift_right_arithmetic3A_167, %mul3A_168 : i32
      %add3A_170 = arith.addi %mul3A_32, %mul3A_169 : i32
      %and3A_171 = arith.constant 3 : i32
      %and3A_172 = arith.andi %add3A_150, %and3A_171 : i32
      %mul3A_173 = arith.constant 128 : i32
      %mul3A_174 = arith.muli %and3A_172, %mul3A_173 : i32
      %dma_wait3A_175 = arith.constant 1 : i32
      %dma_wait3A_176 = tpu.memref_slice %arg3[%select_n3A, %dma_wait3A_175, %add3A_170, %mul3A_174] : memref<8x3x512x512xf32, #tpu.memory_space<hbm>> -> memref<1x1x8x128xf32, #tpu.memory_space<hbm>>
      %dma_wait3A_177 = tpu.memref_squeeze %dma_wait3A_176 : memref<1x1x8x128xf32, #tpu.memory_space<hbm>> -> memref<8x128xf32, #tpu.memory_space<hbm>>
      %dma_wait3A_178 = tpu.memref_slice %arg3[%select_n3A, %dma_wait3A_175, %add3A_170, %mul3A_174] : memref<8x3x512x512xf32, #tpu.memory_space<hbm>> -> memref<1x1x8x128xf32, #tpu.memory_space<hbm>>
      %dma_wait3A_179 = tpu.memref_squeeze %dma_wait3A_178 : memref<1x1x8x128xf32, #tpu.memory_space<hbm>> -> memref<8x128xf32, #tpu.memory_space<hbm>>
      tpu.wait_dma2 semaphore(%arg18 : memref<!tpu.dma_semaphore, #tpu.memory_space<semaphore_mem>>) src(%dma_wait3A_179 : memref<8x128xf32, #tpu.memory_space<hbm>>) dst(%arg7 : memref<8x128xf32, #tpu.memory_space<vmem>>)
      %shift_right_arithmetic3A_180 = arith.constant 2 : i32
      %shift_right_arithmetic3A_181 = arith.shrsi %add3A_150, %shift_right_arithmetic3A_180 : i32
      %mul3A_182 = arith.constant 8 : i32
      %mul3A_183 = arith.muli %shift_right_arithmetic3A_181, %mul3A_182 : i32
      %add3A_184 = arith.addi %mul3A_32, %mul3A_183 : i32
      %and3A_185 = arith.constant 3 : i32
      %and3A_186 = arith.andi %add3A_150, %and3A_185 : i32
      %mul3A_187 = arith.constant 128 : i32
      %mul3A_188 = arith.muli %and3A_186, %mul3A_187 : i32
      %dma_wait3A_189 = arith.constant 2 : i32
      %dma_wait3A_190 = tpu.memref_slice %arg3[%select_n3A, %dma_wait3A_189, %add3A_184, %mul3A_188] : memref<8x3x512x512xf32, #tpu.memory_space<hbm>> -> memref<1x1x8x128xf32, #tpu.memory_space<hbm>>
      %dma_wait3A_191 = tpu.memref_squeeze %dma_wait3A_190 : memref<1x1x8x128xf32, #tpu.memory_space<hbm>> -> memref<8x128xf32, #tpu.memory_space<hbm>>
      %dma_wait3A_192 = tpu.memref_slice %arg3[%select_n3A, %dma_wait3A_189, %add3A_184, %mul3A_188] : memref<8x3x512x512xf32, #tpu.memory_space<hbm>> -> memref<1x1x8x128xf32, #tpu.memory_space<hbm>>
      %dma_wait3A_193 = tpu.memref_squeeze %dma_wait3A_192 : memref<1x1x8x128xf32, #tpu.memory_space<hbm>> -> memref<8x128xf32, #tpu.memory_space<hbm>>
      tpu.wait_dma2 semaphore(%arg18 : memref<!tpu.dma_semaphore, #tpu.memory_space<semaphore_mem>>) src(%dma_wait3A_193 : memref<8x128xf32, #tpu.memory_space<hbm>>) dst(%arg8 : memref<8x128xf32, #tpu.memory_space<vmem>>)
      %scan3A_194 = arith.constant 0 : i32
      %scan3A_195 = arith.constant 0 : i32
      %scan3A_196 = arith.constant 64 : i32
      %scan3A_197 = arith.addi %scan3A_195, %scan3A_196 : i32
      %scan3A_198 = arith.constant 2 : i32
      scf.for %scan3A_351 = %scan3A_195 to %scan3A_197 step %scan3A_198  : i32 {
        %shift_right_arithmetic3A_352 = arith.constant 3 : i32
        %shift_right_arithmetic3A_353 = arith.shrsi %scan3A_351, %shift_right_arithmetic3A_352 : i32
        %and3A_354 = arith.constant 7 : i32
        %and3A_355 = arith.andi %scan3A_351, %and3A_354 : i32
        %mul3A_356 = arith.constant 16 : i32
        %mul3A_357 = arith.muli %and3A_355, %mul3A_356 : i32
        %get3A = arith.index_cast %shift_right_arithmetic3A_353 : i32 to index
        %get3A_358 = arith.index_cast %mul3A_357 : i32 to index
        %get3A_359 = tpu.vector_load %arg6[%get3A, %get3A_358] {strides = array<i32>} : memref<8x128xf32, #tpu.memory_space<vmem>>, vector<16xf32>,
        %mul3A_360 = arith.constant 31.9999676 : f32
        %mul3A_361 = vector.broadcast %mul3A_360 : f32 to vector<16xf32>
        %mul3A_362 = arith.mulf %get3A_359, %mul3A_361 : vector<16xf32>
        %get3A_363 = arith.index_cast %shift_right_arithmetic3A_353 : i32 to index
        %get3A_364 = arith.index_cast %mul3A_357 : i32 to index
        %get3A_365 = tpu.vector_load %arg7[%get3A_363, %get3A_364] {strides = array<i32>} : memref<8x128xf32, #tpu.memory_space<vmem>>, vector<16xf32>,
        %mul3A_366 = arith.constant 31.9999676 : f32
        %mul3A_367 = vector.broadcast %mul3A_366 : f32 to vector<16xf32>
        %mul3A_368 = arith.mulf %get3A_365, %mul3A_367 : vector<16xf32>
        %get3A_369 = arith.index_cast %shift_right_arithmetic3A_353 : i32 to index
        %get3A_370 = arith.index_cast %mul3A_357 : i32 to index
        %get3A_371 = tpu.vector_load %arg8[%get3A_369, %get3A_370] {strides = array<i32>} : memref<8x128xf32, #tpu.memory_space<vmem>>, vector<16xf32>,
        %mul3A_372 = arith.constant 31.9999676 : f32
        %mul3A_373 = vector.broadcast %mul3A_372 : f32 to vector<16xf32>
        %mul3A_374 = arith.mulf %get3A_371, %mul3A_373 : vector<16xf32>
        %convert_element_type3A_375 = arith.fptosi %mul3A_362 : vector<16xf32> to vector<16xi32>
        %min3A = arith.constant 31 : i32
        %min3A_376 = vector.broadcast %min3A : i32 to vector<16xi32>
        %min3A_377 = arith.minsi %convert_element_type3A_375, %min3A_376 : vector<16xi32>
        %convert_element_type3A_378 = arith.fptosi %mul3A_368 : vector<16xf32> to vector<16xi32>
        %min3A_379 = arith.constant 31 : i32
        %min3A_380 = vector.broadcast %min3A_379 : i32 to vector<16xi32>
        %min3A_381 = arith.minsi %convert_element_type3A_378, %min3A_380 : vector<16xi32>
        %convert_element_type3A_382 = arith.fptosi %mul3A_374 : vector<16xf32> to vector<16xi32>
        %min3A_383 = arith.constant 31 : i32
        %min3A_384 = vector.broadcast %min3A_383 : i32 to vector<16xi32>
        %min3A_385 = arith.minsi %convert_element_type3A_382, %min3A_384 : vector<16xi32>
        %convert_element_type3A_386 = arith.sitofp %min3A_377 : vector<16xi32> to vector<16xf32>
        %sub3A_387 = arith.subf %mul3A_362, %convert_element_type3A_386 : vector<16xf32>
        %convert_element_type3A_388 = arith.sitofp %min3A_381 : vector<16xi32> to vector<16xf32>
        %sub3A_389 = arith.subf %mul3A_368, %convert_element_type3A_388 : vector<16xf32>
        %convert_element_type3A_390 = arith.sitofp %min3A_385 : vector<16xi32> to vector<16xf32>
        %sub3A_391 = arith.subf %mul3A_374, %convert_element_type3A_390 : vector<16xf32>
        %sub3A_392 = arith.constant 1.000000e+00 : f32
        %sub3A_393 = vector.broadcast %sub3A_392 : f32 to vector<16xf32>
        %sub3A_394 = arith.subf %sub3A_393, %sub3A_387 : vector<16xf32>
        %sub3A_395 = arith.constant 1.000000e+00 : f32
        %sub3A_396 = vector.broadcast %sub3A_395 : f32 to vector<16xf32>
        %sub3A_397 = arith.subf %sub3A_396, %sub3A_389 : vector<16xf32>
        %sub3A_398 = arith.constant 1.000000e+00 : f32
        %sub3A_399 = vector.broadcast %sub3A_398 : f32 to vector<16xf32>
        %sub3A_400 = arith.subf %sub3A_399, %sub3A_391 : vector<16xf32>
        %mul3A_401 = arith.mulf %sub3A_394, %sub3A_397 : vector<16xf32>
        %mul3A_402 = arith.mulf %sub3A_387, %sub3A_397 : vector<16xf32>
        %mul3A_403 = arith.mulf %sub3A_394, %sub3A_389 : vector<16xf32>
        %mul3A_404 = arith.mulf %sub3A_387, %sub3A_389 : vector<16xf32>
        %mul3A_405 = arith.mulf %mul3A_401, %sub3A_400 : vector<16xf32>
        %mul3A_406 = arith.mulf %mul3A_402, %sub3A_400 : vector<16xf32>
        %mul3A_407 = arith.mulf %mul3A_403, %sub3A_400 : vector<16xf32>
        %mul3A_408 = arith.mulf %mul3A_404, %sub3A_400 : vector<16xf32>
        %mul3A_409 = arith.mulf %mul3A_401, %sub3A_391 : vector<16xf32>
        %mul3A_410 = arith.mulf %mul3A_402, %sub3A_391 : vector<16xf32>
        %mul3A_411 = arith.mulf %mul3A_403, %sub3A_391 : vector<16xf32>
        %mul3A_412 = arith.mulf %mul3A_404, %sub3A_391 : vector<16xf32>
        %mul3A_413 = arith.constant 33 : i32
        %mul3A_414 = vector.broadcast %mul3A_413 : i32 to vector<16xi32>
        %mul3A_415 = arith.muli %min3A_381, %mul3A_414 : vector<16xi32>
        %add3A_416 = arith.addi %min3A_377, %mul3A_415 : vector<16xi32>
        %mul3A_417 = arith.constant 1089 : i32
        %mul3A_418 = vector.broadcast %mul3A_417 : i32 to vector<16xi32>
        %mul3A_419 = arith.muli %min3A_385, %mul3A_418 : vector<16xi32>
        %add3A_420 = arith.addi %add3A_416, %mul3A_419 : vector<16xi32>
        %add3A_421 = arith.constant 0 : i32
        %add3A_422 = vector.broadcast %add3A_421 : i32 to vector<16xi32>
        %add3A_423 = arith.addi %add3A_420, %add3A_422 : vector<16xi32>
        %add3A_424 = arith.constant 1 : i32
        %add3A_425 = vector.broadcast %add3A_424 : i32 to vector<16xi32>
        %add3A_426 = arith.addi %add3A_420, %add3A_425 : vector<16xi32>
        %add3A_427 = arith.constant 2 : i32
        %add3A_428 = vector.broadcast %add3A_427 : i32 to vector<16xi32>
        %add3A_429 = arith.addi %add3A_420, %add3A_428 : vector<16xi32>
        %add3A_430 = arith.constant 3 : i32
        %add3A_431 = vector.broadcast %add3A_430 : i32 to vector<16xi32>
        %add3A_432 = arith.addi %add3A_420, %add3A_431 : vector<16xi32>
        %add3A_433 = arith.constant 4 : i32
        %add3A_434 = vector.broadcast %add3A_433 : i32 to vector<16xi32>
        %add3A_435 = arith.addi %add3A_420, %add3A_434 : vector<16xi32>
        %add3A_436 = arith.constant 5 : i32
        %add3A_437 = vector.broadcast %add3A_436 : i32 to vector<16xi32>
        %add3A_438 = arith.addi %add3A_420, %add3A_437 : vector<16xi32>
        %gather3A = arith.constant 0 : i32
        %gather3A_439 = tpu.memref_slice %arg5[%gather3A] : memref<107816xf32, #tpu.memory_space<vmem>> -> memref<34822xf32, #tpu.memory_space<vmem>>
        %gather3A_440 = tpu.vector_load_idx %gather3A_439[%add3A_423] : memref<34822xf32, #tpu.memory_space<vmem>>[vector<16xi32>], vector<16xf32>,
        %mul3A_441 = arith.mulf %mul3A_405, %gather3A_440 : vector<16xf32>
        %gather3A_442 = arith.constant 0 : i32
        %gather3A_443 = tpu.memref_slice %arg5[%gather3A_442] : memref<107816xf32, #tpu.memory_space<vmem>> -> memref<34822xf32, #tpu.memory_space<vmem>>
        %gather3A_444 = tpu.vector_load_idx %gather3A_443[%add3A_426] : memref<34822xf32, #tpu.memory_space<vmem>>[vector<16xi32>], vector<16xf32>,
        %mul3A_445 = arith.mulf %mul3A_406, %gather3A_444 : vector<16xf32>
        %gather3A_446 = arith.constant 32 : i32
        %gather3A_447 = tpu.memref_slice %arg5[%gather3A_446] : memref<107816xf32, #tpu.memory_space<vmem>> -> memref<34822xf32, #tpu.memory_space<vmem>>
        %gather3A_448 = tpu.vector_load_idx %gather3A_447[%add3A_426] : memref<34822xf32, #tpu.memory_space<vmem>>[vector<16xi32>], vector<16xf32>,
        %mul3A_449 = arith.mulf %mul3A_407, %gather3A_448 : vector<16xf32>
        %gather3A_450 = arith.constant 32 : i32
        %gather3A_451 = tpu.memref_slice %arg5[%gather3A_450] : memref<107816xf32, #tpu.memory_space<vmem>> -> memref<34822xf32, #tpu.memory_space<vmem>>
        %gather3A_452 = tpu.vector_load_idx %gather3A_451[%add3A_429] : memref<34822xf32, #tpu.memory_space<vmem>>[vector<16xi32>], vector<16xf32>,
        %mul3A_453 = arith.mulf %mul3A_408, %gather3A_452 : vector<16xf32>
        %gather3A_454 = arith.constant 1088 : i32
        %gather3A_455 = tpu.memref_slice %arg5[%gather3A_454] : memref<107816xf32, #tpu.memory_space<vmem>> -> memref<34822xf32, #tpu.memory_space<vmem>>
        %gather3A_456 = tpu.vector_load_idx %gather3A_455[%add3A_426] : memref<34822xf32, #tpu.memory_space<vmem>>[vector<16xi32>], vector<16xf32>,
        %mul3A_457 = arith.mulf %mul3A_409, %gather3A_456 : vector<16xf32>
        %gather3A_458 = arith.constant 1088 : i32
        %gather3A_459 = tpu.memref_slice %arg5[%gather3A_458] : memref<107816xf32, #tpu.memory_space<vmem>> -> memref<34822xf32, #tpu.memory_space<vmem>>
        %gather3A_460 = tpu.vector_load_idx %gather3A_459[%add3A_429] : memref<34822xf32, #tpu.memory_space<vmem>>[vector<16xi32>], vector<16xf32>,
        %mul3A_461 = arith.mulf %mul3A_410, %gather3A_460 : vector<16xf32>
        %gather3A_462 = arith.constant 1120 : i32
        %gather3A_463 = tpu.memref_slice %arg5[%gather3A_462] : memref<107816xf32, #tpu.memory_space<vmem>> -> memref<34822xf32, #tpu.memory_space<vmem>>
        %gather3A_464 = tpu.vector_load_idx %gather3A_463[%add3A_429] : memref<34822xf32, #tpu.memory_space<vmem>>[vector<16xi32>], vector<16xf32>,
        %mul3A_465 = arith.mulf %mul3A_411, %gather3A_464 : vector<16xf32>
        %gather3A_466 = arith.constant 1120 : i32
        %gather3A_467 = tpu.memref_slice %arg5[%gather3A_466] : memref<107816xf32, #tpu.memory_space<vmem>> -> memref<34822xf32, #tpu.memory_space<vmem>>
        %gather3A_468 = tpu.vector_load_idx %gather3A_467[%add3A_432] : memref<34822xf32, #tpu.memory_space<vmem>>[vector<16xi32>], vector<16xf32>,
        %mul3A_469 = arith.mulf %mul3A_412, %gather3A_468 : vector<16xf32>
        %add3A_470 = arith.addf %mul3A_441, %mul3A_445 : vector<16xf32>
        %add3A_471 = arith.addf %mul3A_449, %mul3A_453 : vector<16xf32>
        %add3A_472 = arith.addf %add3A_470, %add3A_471 : vector<16xf32>
        %add3A_473 = arith.addf %mul3A_457, %mul3A_461 : vector<16xf32>
        %add3A_474 = arith.addf %mul3A_465, %mul3A_469 : vector<16xf32>
        %add3A_475 = arith.addf %add3A_473, %add3A_474 : vector<16xf32>
        %add3A_476 = arith.addf %add3A_472, %add3A_475 : vector<16xf32>
        %gather3A_477 = arith.constant 35936 : i32
        %gather3A_478 = tpu.memref_slice %arg5[%gather3A_477] : memref<107816xf32, #tpu.memory_space<vmem>> -> memref<34822xf32, #tpu.memory_space<vmem>>
        %gather3A_479 = tpu.vector_load_idx %gather3A_478[%add3A_426] : memref<34822xf32, #tpu.memory_space<vmem>>[vector<16xi32>], vector<16xf32>,
        %mul3A_480 = arith.mulf %mul3A_405, %gather3A_479 : vector<16xf32>
        %gather3A_481 = arith.constant 35936 : i32
        %gather3A_482 = tpu.memref_slice %arg5[%gather3A_481] : memref<107816xf32, #tpu.memory_space<vmem>> -> memref<34822xf32, #tpu.memory_space<vmem>>
        %gather3A_483 = tpu.vector_load_idx %gather3A_482[%add3A_429] : memref<34822xf32, #tpu.memory_space<vmem>>[vector<16xi32>], vector<16xf32>,
        %mul3A_484 = arith.mulf %mul3A_406, %gather3A_483 : vector<16xf32>
        %gather3A_485 = arith.constant 35968 : i32
        %gather3A_486 = tpu.memref_slice %arg5[%gather3A_485] : memref<107816xf32, #tpu.memory_space<vmem>> -> memref<34822xf32, #tpu.memory_space<vmem>>
        %gather3A_487 = tpu.vector_load_idx %gather3A_486[%add3A_429] : memref<34822xf32, #tpu.memory_space<vmem>>[vector<16xi32>], vector<16xf32>,
        %mul3A_488 = arith.mulf %mul3A_407, %gather3A_487 : vector<16xf32>
        %gather3A_489 = arith.constant 35968 : i32
        %gather3A_490 = tpu.memref_slice %arg5[%gather3A_489] : memref<107816xf32, #tpu.memory_space<vmem>> -> memref<34822xf32, #tpu.memory_space<vmem>>
        %gather3A_491 = tpu.vector_load_idx %gather3A_490[%add3A_432] : memref<34822xf32, #tpu.memory_space<vmem>>[vector<16xi32>], vector<16xf32>,
        %mul3A_492 = arith.mulf %mul3A_408, %gather3A_491 : vector<16xf32>
        %gather3A_493 = arith.constant 37024 : i32
        %gather3A_494 = tpu.memref_slice %arg5[%gather3A_493] : memref<107816xf32, #tpu.memory_space<vmem>> -> memref<34822xf32, #tpu.memory_space<vmem>>
        %gather3A_495 = tpu.vector_load_idx %gather3A_494[%add3A_429] : memref<34822xf32, #tpu.memory_space<vmem>>[vector<16xi32>], vector<16xf32>,
        %mul3A_496 = arith.mulf %mul3A_409, %gather3A_495 : vector<16xf32>
        %gather3A_497 = arith.constant 37024 : i32
        %gather3A_498 = tpu.memref_slice %arg5[%gather3A_497] : memref<107816xf32, #tpu.memory_space<vmem>> -> memref<34822xf32, #tpu.memory_space<vmem>>
        %gather3A_499 = tpu.vector_load_idx %gather3A_498[%add3A_432] : memref<34822xf32, #tpu.memory_space<vmem>>[vector<16xi32>], vector<16xf32>,
        %mul3A_500 = arith.mulf %mul3A_410, %gather3A_499 : vector<16xf32>
        %gather3A_501 = arith.constant 37056 : i32
        %gather3A_502 = tpu.memref_slice %arg5[%gather3A_501] : memref<107816xf32, #tpu.memory_space<vmem>> -> memref<34822xf32, #tpu.memory_space<vmem>>
        %gather3A_503 = tpu.vector_load_idx %gather3A_502[%add3A_432] : memref<34822xf32, #tpu.memory_space<vmem>>[vector<16xi32>], vector<16xf32>,
        %mul3A_504 = arith.mulf %mul3A_411, %gather3A_503 : vector<16xf32>
        %gather3A_505 = arith.constant 37056 : i32
        %gather3A_506 = tpu.memref_slice %arg5[%gather3A_505] : memref<107816xf32, #tpu.memory_space<vmem>> -> memref<34822xf32, #tpu.memory_space<vmem>>
        %gather3A_507 = tpu.vector_load_idx %gather3A_506[%add3A_435] : memref<34822xf32, #tpu.memory_space<vmem>>[vector<16xi32>], vector<16xf32>,
        %mul3A_508 = arith.mulf %mul3A_412, %gather3A_507 : vector<16xf32>
        %add3A_509 = arith.addf %mul3A_480, %mul3A_484 : vector<16xf32>
        %add3A_510 = arith.addf %mul3A_488, %mul3A_492 : vector<16xf32>
        %add3A_511 = arith.addf %add3A_509, %add3A_510 : vector<16xf32>
        %add3A_512 = arith.addf %mul3A_496, %mul3A_500 : vector<16xf32>
        %add3A_513 = arith.addf %mul3A_504, %mul3A_508 : vector<16xf32>
        %add3A_514 = arith.addf %add3A_512, %add3A_513 : vector<16xf32>
        %add3A_515 = arith.addf %add3A_511, %add3A_514 : vector<16xf32>
        %gather3A_516 = arith.constant 71872 : i32
        %gather3A_517 = tpu.memref_slice %arg5[%gather3A_516] : memref<107816xf32, #tpu.memory_space<vmem>> -> memref<34822xf32, #tpu.memory_space<vmem>>
        %gather3A_518 = tpu.vector_load_idx %gather3A_517[%add3A_429] : memref<34822xf32, #tpu.memory_space<vmem>>[vector<16xi32>], vector<16xf32>,
        %mul3A_519 = arith.mulf %mul3A_405, %gather3A_518 : vector<16xf32>
        %gather3A_520 = arith.constant 71872 : i32
        %gather3A_521 = tpu.memref_slice %arg5[%gather3A_520] : memref<107816xf32, #tpu.memory_space<vmem>> -> memref<34822xf32, #tpu.memory_space<vmem>>
        %gather3A_522 = tpu.vector_load_idx %gather3A_521[%add3A_432] : memref<34822xf32, #tpu.memory_space<vmem>>[vector<16xi32>], vector<16xf32>,
        %mul3A_523 = arith.mulf %mul3A_406, %gather3A_522 : vector<16xf32>
        %gather3A_524 = arith.constant 71904 : i32
        %gather3A_525 = tpu.memref_slice %arg5[%gather3A_524] : memref<107816xf32, #tpu.memory_space<vmem>> -> memref<34822xf32, #tpu.memory_space<vmem>>
        %gather3A_526 = tpu.vector_load_idx %gather3A_525[%add3A_432] : memref<34822xf32, #tpu.memory_space<vmem>>[vector<16xi32>], vector<16xf32>,
        %mul3A_527 = arith.mulf %mul3A_407, %gather3A_526 : vector<16xf32>
        %gather3A_528 = arith.constant 71904 : i32
        %gather3A_529 = tpu.memref_slice %arg5[%gather3A_528] : memref<107816xf32, #tpu.memory_space<vmem>> -> memref<34822xf32, #tpu.memory_space<vmem>>
        %gather3A_530 = tpu.vector_load_idx %gather3A_529[%add3A_435] : memref<34822xf32, #tpu.memory_space<vmem>>[vector<16xi32>], vector<16xf32>,
        %mul3A_531 = arith.mulf %mul3A_408, %gather3A_530 : vector<16xf32>
        %gather3A_532 = arith.constant 72960 : i32
        %gather3A_533 = tpu.memref_slice %arg5[%gather3A_532] : memref<107816xf32, #tpu.memory_space<vmem>> -> memref<34822xf32, #tpu.memory_space<vmem>>
        %gather3A_534 = tpu.vector_load_idx %gather3A_533[%add3A_432] : memref<34822xf32, #tpu.memory_space<vmem>>[vector<16xi32>], vector<16xf32>,
        %mul3A_535 = arith.mulf %mul3A_409, %gather3A_534 : vector<16xf32>
        %gather3A_536 = arith.constant 72960 : i32
        %gather3A_537 = tpu.memref_slice %arg5[%gather3A_536] : memref<107816xf32, #tpu.memory_space<vmem>> -> memref<34822xf32, #tpu.memory_space<vmem>>
        %gather3A_538 = tpu.vector_load_idx %gather3A_537[%add3A_435] : memref<34822xf32, #tpu.memory_space<vmem>>[vector<16xi32>], vector<16xf32>,
        %mul3A_539 = arith.mulf %mul3A_410, %gather3A_538 : vector<16xf32>
        %gather3A_540 = arith.constant 72992 : i32
        %gather3A_541 = tpu.memref_slice %arg5[%gather3A_540] : memref<107816xf32, #tpu.memory_space<vmem>> -> memref<34822xf32, #tpu.memory_space<vmem>>
        %gather3A_542 = tpu.vector_load_idx %gather3A_541[%add3A_435] : memref<34822xf32, #tpu.memory_space<vmem>>[vector<16xi32>], vector<16xf32>,
        %mul3A_543 = arith.mulf %mul3A_411, %gather3A_542 : vector<16xf32>
        %gather3A_544 = arith.constant 72992 : i32
        %gather3A_545 = tpu.memref_slice %arg5[%gather3A_544] : memref<107816xf32, #tpu.memory_space<vmem>> -> memref<34822xf32, #tpu.memory_space<vmem>>
        %gather3A_546 = tpu.vector_load_idx %gather3A_545[%add3A_438] : memref<34822xf32, #tpu.memory_space<vmem>>[vector<16xi32>], vector<16xf32>,
        %mul3A_547 = arith.mulf %mul3A_412, %gather3A_546 : vector<16xf32>
        %add3A_548 = arith.addf %mul3A_519, %mul3A_523 : vector<16xf32>
        %add3A_549 = arith.addf %mul3A_527, %mul3A_531 : vector<16xf32>
        %add3A_550 = arith.addf %add3A_548, %add3A_549 : vector<16xf32>
        %add3A_551 = arith.addf %mul3A_535, %mul3A_539 : vector<16xf32>
        %add3A_552 = arith.addf %mul3A_543, %mul3A_547 : vector<16xf32>
        %add3A_553 = arith.addf %add3A_551, %add3A_552 : vector<16xf32>
        %add3A_554 = arith.addf %add3A_550, %add3A_553 : vector<16xf32>
        %swap3A = arith.index_cast %shift_right_arithmetic3A_353 : i32 to index
        %swap3A_555 = arith.index_cast %mul3A_357 : i32 to index
        %swap3A_556 = tpu.vector_load %arg12[%swap3A, %swap3A_555] {strides = array<i32>} : memref<8x128xf32, #tpu.memory_space<vmem>>, vector<16xf32>,
        tpu.vector_store %arg12[%swap3A, %swap3A_555], %add3A_476 {strides = array<i32>} : memref<8x128xf32, #tpu.memory_space<vmem>>, vector<16xf32>,
        %swap3A_557 = arith.index_cast %shift_right_arithmetic3A_353 : i32 to index
        %swap3A_558 = arith.index_cast %mul3A_357 : i32 to index
        %swap3A_559 = tpu.vector_load %arg13[%swap3A_557, %swap3A_558] {strides = array<i32>} : memref<8x128xf32, #tpu.memory_space<vmem>>, vector<16xf32>,
        tpu.vector_store %arg13[%swap3A_557, %swap3A_558], %add3A_515 {strides = array<i32>} : memref<8x128xf32, #tpu.memory_space<vmem>>, vector<16xf32>,
        %swap3A_560 = arith.index_cast %shift_right_arithmetic3A_353 : i32 to index
        %swap3A_561 = arith.index_cast %mul3A_357 : i32 to index
        %swap3A_562 = tpu.vector_load %arg14[%swap3A_560, %swap3A_561] {strides = array<i32>} : memref<8x128xf32, #tpu.memory_space<vmem>>, vector<16xf32>,
        tpu.vector_store %arg14[%swap3A_560, %swap3A_561], %add3A_554 {strides = array<i32>} : memref<8x128xf32, #tpu.memory_space<vmem>>, vector<16xf32>,
        %scan3A_563 = arith.constant 1 : i32
        %scan3A_564 = arith.addi %scan3A_351, %scan3A_563 : i32
        %shift_right_arithmetic3A_565 = arith.constant 3 : i32
        %shift_right_arithmetic3A_566 = arith.shrsi %scan3A_564, %shift_right_arithmetic3A_565 : i32
        %and3A_567 = arith.constant 7 : i32
        %and3A_568 = arith.andi %scan3A_564, %and3A_567 : i32
        %mul3A_569 = arith.constant 16 : i32
        %mul3A_570 = arith.muli %and3A_568, %mul3A_569 : i32
        %get3A_571 = arith.index_cast %shift_right_arithmetic3A_566 : i32 to index
        %get3A_572 = arith.index_cast %mul3A_570 : i32 to index
        %get3A_573 = tpu.vector_load %arg6[%get3A_571, %get3A_572] {strides = array<i32>} : memref<8x128xf32, #tpu.memory_space<vmem>>, vector<16xf32>,
        %mul3A_574 = arith.constant 31.9999676 : f32
        %mul3A_575 = vector.broadcast %mul3A_574 : f32 to vector<16xf32>
        %mul3A_576 = arith.mulf %get3A_573, %mul3A_575 : vector<16xf32>
        %get3A_577 = arith.index_cast %shift_right_arithmetic3A_566 : i32 to index
        %get3A_578 = arith.index_cast %mul3A_570 : i32 to index
        %get3A_579 = tpu.vector_load %arg7[%get3A_577, %get3A_578] {strides = array<i32>} : memref<8x128xf32, #tpu.memory_space<vmem>>, vector<16xf32>,
        %mul3A_580 = arith.constant 31.9999676 : f32
        %mul3A_581 = vector.broadcast %mul3A_580 : f32 to vector<16xf32>
        %mul3A_582 = arith.mulf %get3A_579, %mul3A_581 : vector<16xf32>
        %get3A_583 = arith.index_cast %shift_right_arithmetic3A_566 : i32 to index
        %get3A_584 = arith.index_cast %mul3A_570 : i32 to index
        %get3A_585 = tpu.vector_load %arg8[%get3A_583, %get3A_584] {strides = array<i32>} : memref<8x128xf32, #tpu.memory_space<vmem>>, vector<16xf32>,
        %mul3A_586 = arith.constant 31.9999676 : f32
        %mul3A_587 = vector.broadcast %mul3A_586 : f32 to vector<16xf32>
        %mul3A_588 = arith.mulf %get3A_585, %mul3A_587 : vector<16xf32>
        %convert_element_type3A_589 = arith.fptosi %mul3A_576 : vector<16xf32> to vector<16xi32>
        %min3A_590 = arith.constant 31 : i32
        %min3A_591 = vector.broadcast %min3A_590 : i32 to vector<16xi32>
        %min3A_592 = arith.minsi %convert_element_type3A_589, %min3A_591 : vector<16xi32>
        %convert_element_type3A_593 = arith.fptosi %mul3A_582 : vector<16xf32> to vector<16xi32>
        %min3A_594 = arith.constant 31 : i32
        %min3A_595 = vector.broadcast %min3A_594 : i32 to vector<16xi32>
        %min3A_596 = arith.minsi %convert_element_type3A_593, %min3A_595 : vector<16xi32>
        %convert_element_type3A_597 = arith.fptosi %mul3A_588 : vector<16xf32> to vector<16xi32>
        %min3A_598 = arith.constant 31 : i32
        %min3A_599 = vector.broadcast %min3A_598 : i32 to vector<16xi32>
        %min3A_600 = arith.minsi %convert_element_type3A_597, %min3A_599 : vector<16xi32>
        %convert_element_type3A_601 = arith.sitofp %min3A_592 : vector<16xi32> to vector<16xf32>
        %sub3A_602 = arith.subf %mul3A_576, %convert_element_type3A_601 : vector<16xf32>
        %convert_element_type3A_603 = arith.sitofp %min3A_596 : vector<16xi32> to vector<16xf32>
        %sub3A_604 = arith.subf %mul3A_582, %convert_element_type3A_603 : vector<16xf32>
        %convert_element_type3A_605 = arith.sitofp %min3A_600 : vector<16xi32> to vector<16xf32>
        %sub3A_606 = arith.subf %mul3A_588, %convert_element_type3A_605 : vector<16xf32>
        %sub3A_607 = arith.constant 1.000000e+00 : f32
        %sub3A_608 = vector.broadcast %sub3A_607 : f32 to vector<16xf32>
        %sub3A_609 = arith.subf %sub3A_608, %sub3A_602 : vector<16xf32>
        %sub3A_610 = arith.constant 1.000000e+00 : f32
        %sub3A_611 = vector.broadcast %sub3A_610 : f32 to vector<16xf32>
        %sub3A_612 = arith.subf %sub3A_611, %sub3A_604 : vector<16xf32>
        %sub3A_613 = arith.constant 1.000000e+00 : f32
        %sub3A_614 = vector.broadcast %sub3A_613 : f32 to vector<16xf32>
        %sub3A_615 = arith.subf %sub3A_614, %sub3A_606 : vector<16xf32>
        %mul3A_616 = arith.mulf %sub3A_609, %sub3A_612 : vector<16xf32>
        %mul3A_617 = arith.mulf %sub3A_602, %sub3A_612 : vector<16xf32>
        %mul3A_618 = arith.mulf %sub3A_609, %sub3A_604 : vector<16xf32>
        %mul3A_619 = arith.mulf %sub3A_602, %sub3A_604 : vector<16xf32>
        %mul3A_620 = arith.mulf %mul3A_616, %sub3A_615 : vector<16xf32>
        %mul3A_621 = arith.mulf %mul3A_617, %sub3A_615 : vector<16xf32>
        %mul3A_622 = arith.mulf %mul3A_618, %sub3A_615 : vector<16xf32>
        %mul3A_623 = arith.mulf %mul3A_619, %sub3A_615 : vector<16xf32>
        %mul3A_624 = arith.mulf %mul3A_616, %sub3A_606 : vector<16xf32>
        %mul3A_625 = arith.mulf %mul3A_617, %sub3A_606 : vector<16xf32>
        %mul3A_626 = arith.mulf %mul3A_618, %sub3A_606 : vector<16xf32>
        %mul3A_627 = arith.mulf %mul3A_619, %sub3A_606 : vector<16xf32>
        %mul3A_628 = arith.constant 33 : i32
        %mul3A_629 = vector.broadcast %mul3A_628 : i32 to vector<16xi32>
        %mul3A_630 = arith.muli %min3A_596, %mul3A_629 : vector<16xi32>
        %add3A_631 = arith.addi %min3A_592, %mul3A_630 : vector<16xi32>
        %mul3A_632 = arith.constant 1089 : i32
        %mul3A_633 = vector.broadcast %mul3A_632 : i32 to vector<16xi32>
        %mul3A_634 = arith.muli %min3A_600, %mul3A_633 : vector<16xi32>
        %add3A_635 = arith.addi %add3A_631, %mul3A_634 : vector<16xi32>
        %add3A_636 = arith.constant 0 : i32
        %add3A_637 = vector.broadcast %add3A_636 : i32 to vector<16xi32>
        %add3A_638 = arith.addi %add3A_635, %add3A_637 : vector<16xi32>
        %add3A_639 = arith.constant 1 : i32
        %add3A_640 = vector.broadcast %add3A_639 : i32 to vector<16xi32>
        %add3A_641 = arith.addi %add3A_635, %add3A_640 : vector<16xi32>
        %add3A_642 = arith.constant 2 : i32
        %add3A_643 = vector.broadcast %add3A_642 : i32 to vector<16xi32>
        %add3A_644 = arith.addi %add3A_635, %add3A_643 : vector<16xi32>
        %add3A_645 = arith.constant 3 : i32
        %add3A_646 = vector.broadcast %add3A_645 : i32 to vector<16xi32>
        %add3A_647 = arith.addi %add3A_635, %add3A_646 : vector<16xi32>
        %add3A_648 = arith.constant 4 : i32
        %add3A_649 = vector.broadcast %add3A_648 : i32 to vector<16xi32>
        %add3A_650 = arith.addi %add3A_635, %add3A_649 : vector<16xi32>
        %add3A_651 = arith.constant 5 : i32
        %add3A_652 = vector.broadcast %add3A_651 : i32 to vector<16xi32>
        %add3A_653 = arith.addi %add3A_635, %add3A_652 : vector<16xi32>
        %gather3A_654 = arith.constant 0 : i32
        %gather3A_655 = tpu.memref_slice %arg5[%gather3A_654] : memref<107816xf32, #tpu.memory_space<vmem>> -> memref<34822xf32, #tpu.memory_space<vmem>>
        %gather3A_656 = tpu.vector_load_idx %gather3A_655[%add3A_638] : memref<34822xf32, #tpu.memory_space<vmem>>[vector<16xi32>], vector<16xf32>,
        %mul3A_657 = arith.mulf %mul3A_620, %gather3A_656 : vector<16xf32>
        %gather3A_658 = arith.constant 0 : i32
        %gather3A_659 = tpu.memref_slice %arg5[%gather3A_658] : memref<107816xf32, #tpu.memory_space<vmem>> -> memref<34822xf32, #tpu.memory_space<vmem>>
        %gather3A_660 = tpu.vector_load_idx %gather3A_659[%add3A_641] : memref<34822xf32, #tpu.memory_space<vmem>>[vector<16xi32>], vector<16xf32>,
        %mul3A_661 = arith.mulf %mul3A_621, %gather3A_660 : vector<16xf32>
        %gather3A_662 = arith.constant 32 : i32
        %gather3A_663 = tpu.memref_slice %arg5[%gather3A_662] : memref<107816xf32, #tpu.memory_space<vmem>> -> memref<34822xf32, #tpu.memory_space<vmem>>
        %gather3A_664 = tpu.vector_load_idx %gather3A_663[%add3A_641] : memref<34822xf32, #tpu.memory_space<vmem>>[vector<16xi32>], vector<16xf32>,
        %mul3A_665 = arith.mulf %mul3A_622, %gather3A_664 : vector<16xf32>
        %gather3A_666 = arith.constant 32 : i32
        %gather3A_667 = tpu.memref_slice %arg5[%gather3A_666] : memref<107816xf32, #tpu.memory_space<vmem>> -> memref<34822xf32, #tpu.memory_space<vmem>>
        %gather3A_668 = tpu.vector_load_idx %gather3A_667[%add3A_644] : memref<34822xf32, #tpu.memory_space<vmem>>[vector<16xi32>], vector<16xf32>,
        %mul3A_669 = arith.mulf %mul3A_623, %gather3A_668 : vector<16xf32>
        %gather3A_670 = arith.constant 1088 : i32
        %gather3A_671 = tpu.memref_slice %arg5[%gather3A_670] : memref<107816xf32, #tpu.memory_space<vmem>> -> memref<34822xf32, #tpu.memory_space<vmem>>
        %gather3A_672 = tpu.vector_load_idx %gather3A_671[%add3A_641] : memref<34822xf32, #tpu.memory_space<vmem>>[vector<16xi32>], vector<16xf32>,
        %mul3A_673 = arith.mulf %mul3A_624, %gather3A_672 : vector<16xf32>
        %gather3A_674 = arith.constant 1088 : i32
        %gather3A_675 = tpu.memref_slice %arg5[%gather3A_674] : memref<107816xf32, #tpu.memory_space<vmem>> -> memref<34822xf32, #tpu.memory_space<vmem>>
        %gather3A_676 = tpu.vector_load_idx %gather3A_675[%add3A_644] : memref<34822xf32, #tpu.memory_space<vmem>>[vector<16xi32>], vector<16xf32>,
        %mul3A_677 = arith.mulf %mul3A_625, %gather3A_676 : vector<16xf32>
        %gather3A_678 = arith.constant 1120 : i32
        %gather3A_679 = tpu.memref_slice %arg5[%gather3A_678] : memref<107816xf32, #tpu.memory_space<vmem>> -> memref<34822xf32, #tpu.memory_space<vmem>>
        %gather3A_680 = tpu.vector_load_idx %gather3A_679[%add3A_644] : memref<34822xf32, #tpu.memory_space<vmem>>[vector<16xi32>], vector<16xf32>,
        %mul3A_681 = arith.mulf %mul3A_626, %gather3A_680 : vector<16xf32>
        %gather3A_682 = arith.constant 1120 : i32
        %gather3A_683 = tpu.memref_slice %arg5[%gather3A_682] : memref<107816xf32, #tpu.memory_space<vmem>> -> memref<34822xf32, #tpu.memory_space<vmem>>
        %gather3A_684 = tpu.vector_load_idx %gather3A_683[%add3A_647] : memref<34822xf32, #tpu.memory_space<vmem>>[vector<16xi32>], vector<16xf32>,
        %mul3A_685 = arith.mulf %mul3A_627, %gather3A_684 : vector<16xf32>
        %add3A_686 = arith.addf %mul3A_657, %mul3A_661 : vector<16xf32>
        %add3A_687 = arith.addf %mul3A_665, %mul3A_669 : vector<16xf32>
        %add3A_688 = arith.addf %add3A_686, %add3A_687 : vector<16xf32>
        %add3A_689 = arith.addf %mul3A_673, %mul3A_677 : vector<16xf32>
        %add3A_690 = arith.addf %mul3A_681, %mul3A_685 : vector<16xf32>
        %add3A_691 = arith.addf %add3A_689, %add3A_690 : vector<16xf32>
        %add3A_692 = arith.addf %add3A_688, %add3A_691 : vector<16xf32>
        %gather3A_693 = arith.constant 35936 : i32
        %gather3A_694 = tpu.memref_slice %arg5[%gather3A_693] : memref<107816xf32, #tpu.memory_space<vmem>> -> memref<34822xf32, #tpu.memory_space<vmem>>
        %gather3A_695 = tpu.vector_load_idx %gather3A_694[%add3A_641] : memref<34822xf32, #tpu.memory_space<vmem>>[vector<16xi32>], vector<16xf32>,
        %mul3A_696 = arith.mulf %mul3A_620, %gather3A_695 : vector<16xf32>
        %gather3A_697 = arith.constant 35936 : i32
        %gather3A_698 = tpu.memref_slice %arg5[%gather3A_697] : memref<107816xf32, #tpu.memory_space<vmem>> -> memref<34822xf32, #tpu.memory_space<vmem>>
        %gather3A_699 = tpu.vector_load_idx %gather3A_698[%add3A_644] : memref<34822xf32, #tpu.memory_space<vmem>>[vector<16xi32>], vector<16xf32>,
        %mul3A_700 = arith.mulf %mul3A_621, %gather3A_699 : vector<16xf32>
        %gather3A_701 = arith.constant 35968 : i32
        %gather3A_702 = tpu.memref_slice %arg5[%gather3A_701] : memref<107816xf32, #tpu.memory_space<vmem>> -> memref<34822xf32, #tpu.memory_space<vmem>>
        %gather3A_703 = tpu.vector_load_idx %gather3A_702[%add3A_644] : memref<34822xf32, #tpu.memory_space<vmem>>[vector<16xi32>], vector<16xf32>,
        %mul3A_704 = arith.mulf %mul3A_622, %gather3A_703 : vector<16xf32>
        %gather3A_705 = arith.constant 35968 : i32
        %gather3A_706 = tpu.memref_slice %arg5[%gather3A_705] : memref<107816xf32, #tpu.memory_space<vmem>> -> memref<34822xf32, #tpu.memory_space<vmem>>
        %gather3A_707 = tpu.vector_load_idx %gather3A_706[%add3A_647] : memref<34822xf32, #tpu.memory_space<vmem>>[vector<16xi32>], vector<16xf32>,
        %mul3A_708 = arith.mulf %mul3A_623, %gather3A_707 : vector<16xf32>
        %gather3A_709 = arith.constant 37024 : i32
        %gather3A_710 = tpu.memref_slice %arg5[%gather3A_709] : memref<107816xf32, #tpu.memory_space<vmem>> -> memref<34822xf32, #tpu.memory_space<vmem>>
        %gather3A_711 = tpu.vector_load_idx %gather3A_710[%add3A_644] : memref<34822xf32, #tpu.memory_space<vmem>>[vector<16xi32>], vector<16xf32>,
        %mul3A_712 = arith.mulf %mul3A_624, %gather3A_711 : vector<16xf32>
        %gather3A_713 = arith.constant 37024 : i32
        %gather3A_714 = tpu.memref_slice %arg5[%gather3A_713] : memref<107816xf32, #tpu.memory_space<vmem>> -> memref<34822xf32, #tpu.memory_space<vmem>>
        %gather3A_715 = tpu.vector_load_idx %gather3A_714[%add3A_647] : memref<34822xf32, #tpu.memory_space<vmem>>[vector<16xi32>], vector<16xf32>,
        %mul3A_716 = arith.mulf %mul3A_625, %gather3A_715 : vector<16xf32>
        %gather3A_717 = arith.constant 37056 : i32
        %gather3A_718 = tpu.memref_slice %arg5[%gather3A_717] : memref<107816xf32, #tpu.memory_space<vmem>> -> memref<34822xf32, #tpu.memory_space<vmem>>
        %gather3A_719 = tpu.vector_load_idx %gather3A_718[%add3A_647] : memref<34822xf32, #tpu.memory_space<vmem>>[vector<16xi32>], vector<16xf32>,
        %mul3A_720 = arith.mulf %mul3A_626, %gather3A_719 : vector<16xf32>
        %gather3A_721 = arith.constant 37056 : i32
        %gather3A_722 = tpu.memref_slice %arg5[%gather3A_721] : memref<107816xf32, #tpu.memory_space<vmem>> -> memref<34822xf32, #tpu.memory_space<vmem>>
        %gather3A_723 = tpu.vector_load_idx %gather3A_722[%add3A_650] : memref<34822xf32, #tpu.memory_space<vmem>>[vector<16xi32>], vector<16xf32>,
        %mul3A_724 = arith.mulf %mul3A_627, %gather3A_723 : vector<16xf32>
        %add3A_725 = arith.addf %mul3A_696, %mul3A_700 : vector<16xf32>
        %add3A_726 = arith.addf %mul3A_704, %mul3A_708 : vector<16xf32>
        %add3A_727 = arith.addf %add3A_725, %add3A_726 : vector<16xf32>
        %add3A_728 = arith.addf %mul3A_712, %mul3A_716 : vector<16xf32>
        %add3A_729 = arith.addf %mul3A_720, %mul3A_724 : vector<16xf32>
        %add3A_730 = arith.addf %add3A_728, %add3A_729 : vector<16xf32>
        %add3A_731 = arith.addf %add3A_727, %add3A_730 : vector<16xf32>
        %gather3A_732 = arith.constant 71872 : i32
        %gather3A_733 = tpu.memref_slice %arg5[%gather3A_732] : memref<107816xf32, #tpu.memory_space<vmem>> -> memref<34822xf32, #tpu.memory_space<vmem>>
        %gather3A_734 = tpu.vector_load_idx %gather3A_733[%add3A_644] : memref<34822xf32, #tpu.memory_space<vmem>>[vector<16xi32>], vector<16xf32>,
        %mul3A_735 = arith.mulf %mul3A_620, %gather3A_734 : vector<16xf32>
        %gather3A_736 = arith.constant 71872 : i32
        %gather3A_737 = tpu.memref_slice %arg5[%gather3A_736] : memref<107816xf32, #tpu.memory_space<vmem>> -> memref<34822xf32, #tpu.memory_space<vmem>>
        %gather3A_738 = tpu.vector_load_idx %gather3A_737[%add3A_647] : memref<34822xf32, #tpu.memory_space<vmem>>[vector<16xi32>], vector<16xf32>,
        %mul3A_739 = arith.mulf %mul3A_621, %gather3A_738 : vector<16xf32>
        %gather3A_740 = arith.constant 71904 : i32
        %gather3A_741 = tpu.memref_slice %arg5[%gather3A_740] : memref<107816xf32, #tpu.memory_space<vmem>> -> memref<34822xf32, #tpu.memory_space<vmem>>
        %gather3A_742 = tpu.vector_load_idx %gather3A_741[%add3A_647] : memref<34822xf32, #tpu.memory_space<vmem>>[vector<16xi32>], vector<16xf32>,
        %mul3A_743 = arith.mulf %mul3A_622, %gather3A_742 : vector<16xf32>
        %gather3A_744 = arith.constant 71904 : i32
        %gather3A_745 = tpu.memref_slice %arg5[%gather3A_744] : memref<107816xf32, #tpu.memory_space<vmem>> -> memref<34822xf32, #tpu.memory_space<vmem>>
        %gather3A_746 = tpu.vector_load_idx %gather3A_745[%add3A_650] : memref<34822xf32, #tpu.memory_space<vmem>>[vector<16xi32>], vector<16xf32>,
        %mul3A_747 = arith.mulf %mul3A_623, %gather3A_746 : vector<16xf32>
        %gather3A_748 = arith.constant 72960 : i32
        %gather3A_749 = tpu.memref_slice %arg5[%gather3A_748] : memref<107816xf32, #tpu.memory_space<vmem>> -> memref<34822xf32, #tpu.memory_space<vmem>>
        %gather3A_750 = tpu.vector_load_idx %gather3A_749[%add3A_647] : memref<34822xf32, #tpu.memory_space<vmem>>[vector<16xi32>], vector<16xf32>,
        %mul3A_751 = arith.mulf %mul3A_624, %gather3A_750 : vector<16xf32>
        %gather3A_752 = arith.constant 72960 : i32
        %gather3A_753 = tpu.memref_slice %arg5[%gather3A_752] : memref<107816xf32, #tpu.memory_space<vmem>> -> memref<34822xf32, #tpu.memory_space<vmem>>
        %gather3A_754 = tpu.vector_load_idx %gather3A_753[%add3A_650] : memref<34822xf32, #tpu.memory_space<vmem>>[vector<16xi32>], vector<16xf32>,
        %mul3A_755 = arith.mulf %mul3A_625, %gather3A_754 : vector<16xf32>
        %gather3A_756 = arith.constant 72992 : i32
        %gather3A_757 = tpu.memref_slice %arg5[%gather3A_756] : memref<107816xf32, #tpu.memory_space<vmem>> -> memref<34822xf32, #tpu.memory_space<vmem>>
        %gather3A_758 = tpu.vector_load_idx %gather3A_757[%add3A_650] : memref<34822xf32, #tpu.memory_space<vmem>>[vector<16xi32>], vector<16xf32>,
        %mul3A_759 = arith.mulf %mul3A_626, %gather3A_758 : vector<16xf32>
        %gather3A_760 = arith.constant 72992 : i32
        %gather3A_761 = tpu.memref_slice %arg5[%gather3A_760] : memref<107816xf32, #tpu.memory_space<vmem>> -> memref<34822xf32, #tpu.memory_space<vmem>>
        %gather3A_762 = tpu.vector_load_idx %gather3A_761[%add3A_653] : memref<34822xf32, #tpu.memory_space<vmem>>[vector<16xi32>], vector<16xf32>,
        %mul3A_763 = arith.mulf %mul3A_627, %gather3A_762 : vector<16xf32>
        %add3A_764 = arith.addf %mul3A_735, %mul3A_739 : vector<16xf32>
        %add3A_765 = arith.addf %mul3A_743, %mul3A_747 : vector<16xf32>
        %add3A_766 = arith.addf %add3A_764, %add3A_765 : vector<16xf32>
        %add3A_767 = arith.addf %mul3A_751, %mul3A_755 : vector<16xf32>
        %add3A_768 = arith.addf %mul3A_759, %mul3A_763 : vector<16xf32>
        %add3A_769 = arith.addf %add3A_767, %add3A_768 : vector<16xf32>
        %add3A_770 = arith.addf %add3A_766, %add3A_769 : vector<16xf32>
        %swap3A_771 = arith.index_cast %shift_right_arithmetic3A_566 : i32 to index
        %swap3A_772 = arith.index_cast %mul3A_570 : i32 to index
        %swap3A_773 = tpu.vector_load %arg12[%swap3A_771, %swap3A_772] {strides = array<i32>} : memref<8x128xf32, #tpu.memory_space<vmem>>, vector<16xf32>,
        tpu.vector_store %arg12[%swap3A_771, %swap3A_772], %add3A_692 {strides = array<i32>} : memref<8x128xf32, #tpu.memory_space<vmem>>, vector<16xf32>,
        %swap3A_774 = arith.index_cast %shift_right_arithmetic3A_566 : i32 to index
        %swap3A_775 = arith.index_cast %mul3A_570 : i32 to index
        %swap3A_776 = tpu.vector_load %arg13[%swap3A_774, %swap3A_775] {strides = array<i32>} : memref<8x128xf32, #tpu.memory_space<vmem>>, vector<16xf32>,
        tpu.vector_store %arg13[%swap3A_774, %swap3A_775], %add3A_731 {strides = array<i32>} : memref<8x128xf32, #tpu.memory_space<vmem>>, vector<16xf32>,
        %swap3A_777 = arith.index_cast %shift_right_arithmetic3A_566 : i32 to index
        %swap3A_778 = arith.index_cast %mul3A_570 : i32 to index
        %swap3A_779 = tpu.vector_load %arg14[%swap3A_777, %swap3A_778] {strides = array<i32>} : memref<8x128xf32, #tpu.memory_space<vmem>>, vector<16xf32>,
        tpu.vector_store %arg14[%swap3A_777, %swap3A_778], %add3A_770 {strides = array<i32>} : memref<8x128xf32, #tpu.memory_space<vmem>>, vector<16xf32>,
      }
      %scan3A_199 = arith.constant 64 : i32
      %shift_right_arithmetic3A_200 = arith.constant 2 : i32
      %shift_right_arithmetic3A_201 = arith.shrsi %add3A_150, %shift_right_arithmetic3A_200 : i32
      %mul3A_202 = arith.constant 8 : i32
      %mul3A_203 = arith.muli %shift_right_arithmetic3A_201, %mul3A_202 : i32
      %add3A_204 = arith.addi %mul3A_32, %mul3A_203 : i32
      %and3A_205 = arith.constant 3 : i32
      %and3A_206 = arith.andi %add3A_150, %and3A_205 : i32
      %mul3A_207 = arith.constant 128 : i32
      %mul3A_208 = arith.muli %and3A_206, %mul3A_207 : i32
      %dma_start3A_209 = arith.constant 0 : i32
      %dma_start3A_210 = tpu.memref_slice %arg4[%select_n3A, %dma_start3A_209, %add3A_204, %mul3A_208] : memref<8x3x512x512xf32, #tpu.memory_space<hbm>> -> memref<1x1x8x128xf32, #tpu.memory_space<hbm>>
      %dma_start3A_211 = tpu.memref_squeeze %dma_start3A_210 : memref<1x1x8x128xf32, #tpu.memory_space<hbm>> -> memref<8x128xf32, #tpu.memory_space<hbm>>
      %dma_start3A_212 = tpu.memref_slice %arg4[%select_n3A, %dma_start3A_209, %add3A_204, %mul3A_208] : memref<8x3x512x512xf32, #tpu.memory_space<hbm>> -> memref<1x1x8x128xf32, #tpu.memory_space<hbm>>
      %dma_start3A_213 = tpu.memref_squeeze %dma_start3A_212 : memref<1x1x8x128xf32, #tpu.memory_space<hbm>> -> memref<8x128xf32, #tpu.memory_space<hbm>>
      tpu.enqueue_dma source(%arg12 : memref<8x128xf32, #tpu.memory_space<vmem>>) target(%dma_start3A_213 : memref<8x128xf32, #tpu.memory_space<hbm>>) target_semaphore(%arg20 : memref<!tpu.dma_semaphore, #tpu.memory_space<semaphore_mem>>)
      %shift_right_arithmetic3A_214 = arith.constant 2 : i32
      %shift_right_arithmetic3A_215 = arith.shrsi %add3A_150, %shift_right_arithmetic3A_214 : i32
      %mul3A_216 = arith.constant 8 : i32
      %mul3A_217 = arith.muli %shift_right_arithmetic3A_215, %mul3A_216 : i32
      %add3A_218 = arith.addi %mul3A_32, %mul3A_217 : i32
      %and3A_219 = arith.constant 3 : i32
      %and3A_220 = arith.andi %add3A_150, %and3A_219 : i32
      %mul3A_221 = arith.constant 128 : i32
      %mul3A_222 = arith.muli %and3A_220, %mul3A_221 : i32
      %dma_start3A_223 = arith.constant 1 : i32
      %dma_start3A_224 = tpu.memref_slice %arg4[%select_n3A, %dma_start3A_223, %add3A_218, %mul3A_222] : memref<8x3x512x512xf32, #tpu.memory_space<hbm>> -> memref<1x1x8x128xf32, #tpu.memory_space<hbm>>
      %dma_start3A_225 = tpu.memref_squeeze %dma_start3A_224 : memref<1x1x8x128xf32, #tpu.memory_space<hbm>> -> memref<8x128xf32, #tpu.memory_space<hbm>>
      %dma_start3A_226 = tpu.memref_slice %arg4[%select_n3A, %dma_start3A_223, %add3A_218, %mul3A_222] : memref<8x3x512x512xf32, #tpu.memory_space<hbm>> -> memref<1x1x8x128xf32, #tpu.memory_space<hbm>>
      %dma_start3A_227 = tpu.memref_squeeze %dma_start3A_226 : memref<1x1x8x128xf32, #tpu.memory_space<hbm>> -> memref<8x128xf32, #tpu.memory_space<hbm>>
      tpu.enqueue_dma source(%arg13 : memref<8x128xf32, #tpu.memory_space<vmem>>) target(%dma_start3A_227 : memref<8x128xf32, #tpu.memory_space<hbm>>) target_semaphore(%arg20 : memref<!tpu.dma_semaphore, #tpu.memory_space<semaphore_mem>>)
      %shift_right_arithmetic3A_228 = arith.constant 2 : i32
      %shift_right_arithmetic3A_229 = arith.shrsi %add3A_150, %shift_right_arithmetic3A_228 : i32
      %mul3A_230 = arith.constant 8 : i32
      %mul3A_231 = arith.muli %shift_right_arithmetic3A_229, %mul3A_230 : i32
      %add3A_232 = arith.addi %mul3A_32, %mul3A_231 : i32
      %and3A_233 = arith.constant 3 : i32
      %and3A_234 = arith.andi %add3A_150, %and3A_233 : i32
      %mul3A_235 = arith.constant 128 : i32
      %mul3A_236 = arith.muli %and3A_234, %mul3A_235 : i32
      %dma_start3A_237 = arith.constant 2 : i32
      %dma_start3A_238 = tpu.memref_slice %arg4[%select_n3A, %dma_start3A_237, %add3A_232, %mul3A_236] : memref<8x3x512x512xf32, #tpu.memory_space<hbm>> -> memref<1x1x8x128xf32, #tpu.memory_space<hbm>>
      %dma_start3A_239 = tpu.memref_squeeze %dma_start3A_238 : memref<1x1x8x128xf32, #tpu.memory_space<hbm>> -> memref<8x128xf32, #tpu.memory_space<hbm>>
      %dma_start3A_240 = tpu.memref_slice %arg4[%select_n3A, %dma_start3A_237, %add3A_232, %mul3A_236] : memref<8x3x512x512xf32, #tpu.memory_space<hbm>> -> memref<1x1x8x128xf32, #tpu.memory_space<hbm>>
      %dma_start3A_241 = tpu.memref_squeeze %dma_start3A_240 : memref<1x1x8x128xf32, #tpu.memory_space<hbm>> -> memref<8x128xf32, #tpu.memory_space<hbm>>
      tpu.enqueue_dma source(%arg14 : memref<8x128xf32, #tpu.memory_space<vmem>>) target(%dma_start3A_241 : memref<8x128xf32, #tpu.memory_space<hbm>>) target_semaphore(%arg20 : memref<!tpu.dma_semaphore, #tpu.memory_space<semaphore_mem>>)
      %lt3A_242 = arith.constant 31 : i32
      %lt3A_243 = arith.cmpi slt, %scan3A_146, %lt3A_242 : i32
      %convert_element_type3A_244 = arith.extui %lt3A_243 : i1 to i32
      %cond3A_245 = arith.constant 0 : i32
      %cond3A_246 = arith.cmpi ne, %convert_element_type3A_244, %cond3A_245 : i32
      scf.if %cond3A_246 {
        %add3A_351 = arith.constant 2 : i32
        %add3A_352 = arith.addi %add3A_150, %add3A_351 : i32
        %shift_right_arithmetic3A_353 = arith.constant 2 : i32
        %shift_right_arithmetic3A_354 = arith.shrsi %add3A_352, %shift_right_arithmetic3A_353 : i32
        %mul3A_355 = arith.constant 8 : i32
        %mul3A_356 = arith.muli %shift_right_arithmetic3A_354, %mul3A_355 : i32
        %add3A_357 = arith.addi %mul3A_32, %mul3A_356 : i32
        %and3A_358 = arith.constant 3 : i32
        %and3A_359 = arith.andi %add3A_352, %and3A_358 : i32
        %mul3A_360 = arith.constant 128 : i32
        %mul3A_361 = arith.muli %and3A_359, %mul3A_360 : i32
        %dma_start3A_362 = arith.constant 0 : i32
        %dma_start3A_363 = tpu.memref_slice %arg3[%select_n3A, %dma_start3A_362, %add3A_357, %mul3A_361] : memref<8x3x512x512xf32, #tpu.memory_space<hbm>> -> memref<1x1x8x128xf32, #tpu.memory_space<hbm>>
        %dma_start3A_364 = tpu.memref_squeeze %dma_start3A_363 : memref<1x1x8x128xf32, #tpu.memory_space<hbm>> -> memref<8x128xf32, #tpu.memory_space<hbm>>
        %dma_start3A_365 = tpu.memref_slice %arg3[%select_n3A, %dma_start3A_362, %add3A_357, %mul3A_361] : memref<8x3x512x512xf32, #tpu.memory_space<hbm>> -> memref<1x1x8x128xf32, #tpu.memory_space<hbm>>
        %dma_start3A_366 = tpu.memref_squeeze %dma_start3A_365 : memref<1x1x8x128xf32, #tpu.memory_space<hbm>> -> memref<8x128xf32, #tpu.memory_space<hbm>>
        tpu.enqueue_dma source(%dma_start3A_366 : memref<8x128xf32, #tpu.memory_space<hbm>>) target(%arg6 : memref<8x128xf32, #tpu.memory_space<vmem>>) target_semaphore(%arg18 : memref<!tpu.dma_semaphore, #tpu.memory_space<semaphore_mem>>)
        %add3A_367 = arith.constant 2 : i32
        %add3A_368 = arith.addi %add3A_150, %add3A_367 : i32
        %shift_right_arithmetic3A_369 = arith.constant 2 : i32
        %shift_right_arithmetic3A_370 = arith.shrsi %add3A_368, %shift_right_arithmetic3A_369 : i32
        %mul3A_371 = arith.constant 8 : i32
        %mul3A_372 = arith.muli %shift_right_arithmetic3A_370, %mul3A_371 : i32
        %add3A_373 = arith.addi %mul3A_32, %mul3A_372 : i32
        %and3A_374 = arith.constant 3 : i32
        %and3A_375 = arith.andi %add3A_368, %and3A_374 : i32
        %mul3A_376 = arith.constant 128 : i32
        %mul3A_377 = arith.muli %and3A_375, %mul3A_376 : i32
        %dma_start3A_378 = arith.constant 1 : i32
        %dma_start3A_379 = tpu.memref_slice %arg3[%select_n3A, %dma_start3A_378, %add3A_373, %mul3A_377] : memref<8x3x512x512xf32, #tpu.memory_space<hbm>> -> memref<1x1x8x128xf32, #tpu.memory_space<hbm>>
        %dma_start3A_380 = tpu.memref_squeeze %dma_start3A_379 : memref<1x1x8x128xf32, #tpu.memory_space<hbm>> -> memref<8x128xf32, #tpu.memory_space<hbm>>
        %dma_start3A_381 = tpu.memref_slice %arg3[%select_n3A, %dma_start3A_378, %add3A_373, %mul3A_377] : memref<8x3x512x512xf32, #tpu.memory_space<hbm>> -> memref<1x1x8x128xf32, #tpu.memory_space<hbm>>
        %dma_start3A_382 = tpu.memref_squeeze %dma_start3A_381 : memref<1x1x8x128xf32, #tpu.memory_space<hbm>> -> memref<8x128xf32, #tpu.memory_space<hbm>>
        tpu.enqueue_dma source(%dma_start3A_382 : memref<8x128xf32, #tpu.memory_space<hbm>>) target(%arg7 : memref<8x128xf32, #tpu.memory_space<vmem>>) target_semaphore(%arg18 : memref<!tpu.dma_semaphore, #tpu.memory_space<semaphore_mem>>)
        %add3A_383 = arith.constant 2 : i32
        %add3A_384 = arith.addi %add3A_150, %add3A_383 : i32
        %shift_right_arithmetic3A_385 = arith.constant 2 : i32
        %shift_right_arithmetic3A_386 = arith.shrsi %add3A_384, %shift_right_arithmetic3A_385 : i32
        %mul3A_387 = arith.constant 8 : i32
        %mul3A_388 = arith.muli %shift_right_arithmetic3A_386, %mul3A_387 : i32
        %add3A_389 = arith.addi %mul3A_32, %mul3A_388 : i32
        %and3A_390 = arith.constant 3 : i32
        %and3A_391 = arith.andi %add3A_384, %and3A_390 : i32
        %mul3A_392 = arith.constant 128 : i32
        %mul3A_393 = arith.muli %and3A_391, %mul3A_392 : i32
        %dma_start3A_394 = arith.constant 2 : i32
        %dma_start3A_395 = tpu.memref_slice %arg3[%select_n3A, %dma_start3A_394, %add3A_389, %mul3A_393] : memref<8x3x512x512xf32, #tpu.memory_space<hbm>> -> memref<1x1x8x128xf32, #tpu.memory_space<hbm>>
        %dma_start3A_396 = tpu.memref_squeeze %dma_start3A_395 : memref<1x1x8x128xf32, #tpu.memory_space<hbm>> -> memref<8x128xf32, #tpu.memory_space<hbm>>
        %dma_start3A_397 = tpu.memref_slice %arg3[%select_n3A, %dma_start3A_394, %add3A_389, %mul3A_393] : memref<8x3x512x512xf32, #tpu.memory_space<hbm>> -> memref<1x1x8x128xf32, #tpu.memory_space<hbm>>
        %dma_start3A_398 = tpu.memref_squeeze %dma_start3A_397 : memref<1x1x8x128xf32, #tpu.memory_space<hbm>> -> memref<8x128xf32, #tpu.memory_space<hbm>>
        tpu.enqueue_dma source(%dma_start3A_398 : memref<8x128xf32, #tpu.memory_space<hbm>>) target(%arg8 : memref<8x128xf32, #tpu.memory_space<vmem>>) target_semaphore(%arg18 : memref<!tpu.dma_semaphore, #tpu.memory_space<semaphore_mem>>)
      } else {
      }
      %mul3A_247 = arith.constant 2 : i32
      %mul3A_248 = arith.muli %scan3A_146, %mul3A_247 : i32
      %add3A_249 = arith.constant 1 : i32
      %add3A_250 = arith.addi %mul3A_248, %add3A_249 : i32
      %gt3A_251 = arith.constant 0 : i32
      %gt3A_252 = arith.cmpi sgt, %scan3A_146, %gt3A_251 : i32
      %convert_element_type3A_253 = arith.extui %gt3A_252 : i1 to i32
      %cond3A_254 = arith.constant 0 : i32
      %cond3A_255 = arith.cmpi ne, %convert_element_type3A_253, %cond3A_254 : i32
      scf.if %cond3A_255 {
        %shift_right_arithmetic3A_351 = arith.constant 2 : i32
        %shift_right_arithmetic3A_352 = arith.shrsi %add3A_250, %shift_right_arithmetic3A_351 : i32
        %mul3A_353 = arith.constant 8 : i32
        %mul3A_354 = arith.muli %shift_right_arithmetic3A_352, %mul3A_353 : i32
        %add3A_355 = arith.addi %mul3A_32, %mul3A_354 : i32
        %and3A_356 = arith.constant 3 : i32
        %and3A_357 = arith.andi %add3A_250, %and3A_356 : i32
        %mul3A_358 = arith.constant 128 : i32
        %mul3A_359 = arith.muli %and3A_357, %mul3A_358 : i32
        %dma_wait3A_360 = arith.constant 0 : i32
        %dma_wait3A_361 = tpu.memref_slice %arg4[%select_n3A, %dma_wait3A_360, %add3A_355, %mul3A_359] : memref<8x3x512x512xf32, #tpu.memory_space<hbm>> -> memref<1x1x8x128xf32, #tpu.memory_space<hbm>>
        %dma_wait3A_362 = tpu.memref_squeeze %dma_wait3A_361 : memref<1x1x8x128xf32, #tpu.memory_space<hbm>> -> memref<8x128xf32, #tpu.memory_space<hbm>>
        %dma_wait3A_363 = tpu.memref_slice %arg4[%select_n3A, %dma_wait3A_360, %add3A_355, %mul3A_359] : memref<8x3x512x512xf32, #tpu.memory_space<hbm>> -> memref<1x1x8x128xf32, #tpu.memory_space<hbm>>
        %dma_wait3A_364 = tpu.memref_squeeze %dma_wait3A_363 : memref<1x1x8x128xf32, #tpu.memory_space<hbm>> -> memref<8x128xf32, #tpu.memory_space<hbm>>
        tpu.wait_dma2 semaphore(%arg21 : memref<!tpu.dma_semaphore, #tpu.memory_space<semaphore_mem>>) src(%arg15 : memref<8x128xf32, #tpu.memory_space<vmem>>) dst(%dma_wait3A_364 : memref<8x128xf32, #tpu.memory_space<hbm>>)
        %shift_right_arithmetic3A_365 = arith.constant 2 : i32
        %shift_right_arithmetic3A_366 = arith.shrsi %add3A_250, %shift_right_arithmetic3A_365 : i32
        %mul3A_367 = arith.constant 8 : i32
        %mul3A_368 = arith.muli %shift_right_arithmetic3A_366, %mul3A_367 : i32
        %add3A_369 = arith.addi %mul3A_32, %mul3A_368 : i32
        %and3A_370 = arith.constant 3 : i32
        %and3A_371 = arith.andi %add3A_250, %and3A_370 : i32
        %mul3A_372 = arith.constant 128 : i32
        %mul3A_373 = arith.muli %and3A_371, %mul3A_372 : i32
        %dma_wait3A_374 = arith.constant 1 : i32
        %dma_wait3A_375 = tpu.memref_slice %arg4[%select_n3A, %dma_wait3A_374, %add3A_369, %mul3A_373] : memref<8x3x512x512xf32, #tpu.memory_space<hbm>> -> memref<1x1x8x128xf32, #tpu.memory_space<hbm>>
        %dma_wait3A_376 = tpu.memref_squeeze %dma_wait3A_375 : memref<1x1x8x128xf32, #tpu.memory_space<hbm>> -> memref<8x128xf32, #tpu.memory_space<hbm>>
        %dma_wait3A_377 = tpu.memref_slice %arg4[%select_n3A, %dma_wait3A_374, %add3A_369, %mul3A_373] : memref<8x3x512x512xf32, #tpu.memory_space<hbm>> -> memref<1x1x8x128xf32, #tpu.memory_space<hbm>>
        %dma_wait3A_378 = tpu.memref_squeeze %dma_wait3A_377 : memref<1x1x8x128xf32, #tpu.memory_space<hbm>> -> memref<8x128xf32, #tpu.memory_space<hbm>>
        tpu.wait_dma2 semaphore(%arg21 : memref<!tpu.dma_semaphore, #tpu.memory_space<semaphore_mem>>) src(%arg16 : memref<8x128xf32, #tpu.memory_space<vmem>>) dst(%dma_wait3A_378 : memref<8x128xf32, #tpu.memory_space<hbm>>)
        %shift_right_arithmetic3A_379 = arith.constant 2 : i32
        %shift_right_arithmetic3A_380 = arith.shrsi %add3A_250, %shift_right_arithmetic3A_379 : i32
        %mul3A_381 = arith.constant 8 : i32
        %mul3A_382 = arith.muli %shift_right_arithmetic3A_380, %mul3A_381 : i32
        %add3A_383 = arith.addi %mul3A_32, %mul3A_382 : i32
        %and3A_384 = arith.constant 3 : i32
        %and3A_385 = arith.andi %add3A_250, %and3A_384 : i32
        %mul3A_386 = arith.constant 128 : i32
        %mul3A_387 = arith.muli %and3A_385, %mul3A_386 : i32
        %dma_wait3A_388 = arith.constant 2 : i32
        %dma_wait3A_389 = tpu.memref_slice %arg4[%select_n3A, %dma_wait3A_388, %add3A_383, %mul3A_387] : memref<8x3x512x512xf32, #tpu.memory_space<hbm>> -> memref<1x1x8x128xf32, #tpu.memory_space<hbm>>
        %dma_wait3A_390 = tpu.memref_squeeze %dma_wait3A_389 : memref<1x1x8x128xf32, #tpu.memory_space<hbm>> -> memref<8x128xf32, #tpu.memory_space<hbm>>
        %dma_wait3A_391 = tpu.memref_slice %arg4[%select_n3A, %dma_wait3A_388, %add3A_383, %mul3A_387] : memref<8x3x512x512xf32, #tpu.memory_space<hbm>> -> memref<1x1x8x128xf32, #tpu.memory_space<hbm>>
        %dma_wait3A_392 = tpu.memref_squeeze %dma_wait3A_391 : memref<1x1x8x128xf32, #tpu.memory_space<hbm>> -> memref<8x128xf32, #tpu.memory_space<hbm>>
        tpu.wait_dma2 semaphore(%arg21 : memref<!tpu.dma_semaphore, #tpu.memory_space<semaphore_mem>>) src(%arg17 : memref<8x128xf32, #tpu.memory_space<vmem>>) dst(%dma_wait3A_392 : memref<8x128xf32, #tpu.memory_space<hbm>>)
      } else {
      }
      %shift_right_arithmetic3A_256 = arith.constant 2 : i32
      %shift_right_arithmetic3A_257 = arith.shrsi %add3A_250, %shift_right_arithmetic3A_256 : i32
      %mul3A_258 = arith.constant 8 : i32
      %mul3A_259 = arith.muli %shift_right_arithmetic3A_257, %mul3A_258 : i32
      %add3A_260 = arith.addi %mul3A_32, %mul3A_259 : i32
      %and3A_261 = arith.constant 3 : i32
      %and3A_262 = arith.andi %add3A_250, %and3A_261 : i32
      %mul3A_263 = arith.constant 128 : i32
      %mul3A_264 = arith.muli %and3A_262, %mul3A_263 : i32
      %dma_wait3A_265 = arith.constant 0 : i32
      %dma_wait3A_266 = tpu.memref_slice %arg3[%select_n3A, %dma_wait3A_265, %add3A_260, %mul3A_264] : memref<8x3x512x512xf32, #tpu.memory_space<hbm>> -> memref<1x1x8x128xf32, #tpu.memory_space<hbm>>
      %dma_wait3A_267 = tpu.memref_squeeze %dma_wait3A_266 : memref<1x1x8x128xf32, #tpu.memory_space<hbm>> -> memref<8x128xf32, #tpu.memory_space<hbm>>
      %dma_wait3A_268 = tpu.memref_slice %arg3[%select_n3A, %dma_wait3A_265, %add3A_260, %mul3A_264] : memref<8x3x512x512xf32, #tpu.memory_space<hbm>> -> memref<1x1x8x128xf32, #tpu.memory_space<hbm>>
      %dma_wait3A_269 = tpu.memref_squeeze %dma_wait3A_268 : memref<1x1x8x128xf32, #tpu.memory_space<hbm>> -> memref<8x128xf32, #tpu.memory_space<hbm>>
      tpu.wait_dma2 semaphore(%arg19 : memref<!tpu.dma_semaphore, #tpu.memory_space<semaphore_mem>>) src(%dma_wait3A_269 : memref<8x128xf32, #tpu.memory_space<hbm>>) dst(%arg9 : memref<8x128xf32, #tpu.memory_space<vmem>>)
      %shift_right_arithmetic3A_270 = arith.constant 2 : i32
      %shift_right_arithmetic3A_271 = arith.shrsi %add3A_250, %shift_right_arithmetic3A_270 : i32
      %mul3A_272 = arith.constant 8 : i32
      %mul3A_273 = arith.muli %shift_right_arithmetic3A_271, %mul3A_272 : i32
      %add3A_274 = arith.addi %mul3A_32, %mul3A_273 : i32
      %and3A_275 = arith.constant 3 : i32
      %and3A_276 = arith.andi %add3A_250, %and3A_275 : i32
      %mul3A_277 = arith.constant 128 : i32
      %mul3A_278 = arith.muli %and3A_276, %mul3A_277 : i32
      %dma_wait3A_279 = arith.constant 1 : i32
      %dma_wait3A_280 = tpu.memref_slice %arg3[%select_n3A, %dma_wait3A_279, %add3A_274, %mul3A_278] : memref<8x3x512x512xf32, #tpu.memory_space<hbm>> -> memref<1x1x8x128xf32, #tpu.memory_space<hbm>>
      %dma_wait3A_281 = tpu.memref_squeeze %dma_wait3A_280 : memref<1x1x8x128xf32, #tpu.memory_space<hbm>> -> memref<8x128xf32, #tpu.memory_space<hbm>>
      %dma_wait3A_282 = tpu.memref_slice %arg3[%select_n3A, %dma_wait3A_279, %add3A_274, %mul3A_278] : memref<8x3x512x512xf32, #tpu.memory_space<hbm>> -> memref<1x1x8x128xf32, #tpu.memory_space<hbm>>
      %dma_wait3A_283 = tpu.memref_squeeze %dma_wait3A_282 : memref<1x1x8x128xf32, #tpu.memory_space<hbm>> -> memref<8x128xf32, #tpu.memory_space<hbm>>
      tpu.wait_dma2 semaphore(%arg19 : memref<!tpu.dma_semaphore, #tpu.memory_space<semaphore_mem>>) src(%dma_wait3A_283 : memref<8x128xf32, #tpu.memory_space<hbm>>) dst(%arg10 : memref<8x128xf32, #tpu.memory_space<vmem>>)
      %shift_right_arithmetic3A_284 = arith.constant 2 : i32
      %shift_right_arithmetic3A_285 = arith.shrsi %add3A_250, %shift_right_arithmetic3A_284 : i32
      %mul3A_286 = arith.constant 8 : i32
      %mul3A_287 = arith.muli %shift_right_arithmetic3A_285, %mul3A_286 : i32
      %add3A_288 = arith.addi %mul3A_32, %mul3A_287 : i32
      %and3A_289 = arith.constant 3 : i32
      %and3A_290 = arith.andi %add3A_250, %and3A_289 : i32
      %mul3A_291 = arith.constant 128 : i32
      %mul3A_292 = arith.muli %and3A_290, %mul3A_291 : i32
      %dma_wait3A_293 = arith.constant 2 : i32
      %dma_wait3A_294 = tpu.memref_slice %arg3[%select_n3A, %dma_wait3A_293, %add3A_288, %mul3A_292] : memref<8x3x512x512xf32, #tpu.memory_space<hbm>> -> memref<1x1x8x128xf32, #tpu.memory_space<hbm>>
      %dma_wait3A_295 = tpu.memref_squeeze %dma_wait3A_294 : memref<1x1x8x128xf32, #tpu.memory_space<hbm>> -> memref<8x128xf32, #tpu.memory_space<hbm>>
      %dma_wait3A_296 = tpu.memref_slice %arg3[%select_n3A, %dma_wait3A_293, %add3A_288, %mul3A_292] : memref<8x3x512x512xf32, #tpu.memory_space<hbm>> -> memref<1x1x8x128xf32, #tpu.memory_space<hbm>>
      %dma_wait3A_297 = tpu.memref_squeeze %dma_wait3A_296 : memref<1x1x8x128xf32, #tpu.memory_space<hbm>> -> memref<8x128xf32, #tpu.memory_space<hbm>>
      tpu.wait_dma2 semaphore(%arg19 : memref<!tpu.dma_semaphore, #tpu.memory_space<semaphore_mem>>) src(%dma_wait3A_297 : memref<8x128xf32, #tpu.memory_space<hbm>>) dst(%arg11 : memref<8x128xf32, #tpu.memory_space<vmem>>)
      %scan3A_298 = arith.constant 0 : i32
      %scan3A_299 = arith.constant 0 : i32
      %scan3A_300 = arith.constant 64 : i32
      %scan3A_301 = arith.addi %scan3A_299, %scan3A_300 : i32
      %scan3A_302 = arith.constant 2 : i32
      scf.for %scan3A_351 = %scan3A_299 to %scan3A_301 step %scan3A_302  : i32 {
        %shift_right_arithmetic3A_352 = arith.constant 3 : i32
        %shift_right_arithmetic3A_353 = arith.shrsi %scan3A_351, %shift_right_arithmetic3A_352 : i32
        %and3A_354 = arith.constant 7 : i32
        %and3A_355 = arith.andi %scan3A_351, %and3A_354 : i32
        %mul3A_356 = arith.constant 16 : i32
        %mul3A_357 = arith.muli %and3A_355, %mul3A_356 : i32
        %get3A = arith.index_cast %shift_right_arithmetic3A_353 : i32 to index
        %get3A_358 = arith.index_cast %mul3A_357 : i32 to index
        %get3A_359 = tpu.vector_load %arg9[%get3A, %get3A_358] {strides = array<i32>} : memref<8x128xf32, #tpu.memory_space<vmem>>, vector<16xf32>,
        %mul3A_360 = arith.constant 31.9999676 : f32
        %mul3A_361 = vector.broadcast %mul3A_360 : f32 to vector<16xf32>
        %mul3A_362 = arith.mulf %get3A_359, %mul3A_361 : vector<16xf32>
        %get3A_363 = arith.index_cast %shift_right_arithmetic3A_353 : i32 to index
        %get3A_364 = arith.index_cast %mul3A_357 : i32 to index
        %get3A_365 = tpu.vector_load %arg10[%get3A_363, %get3A_364] {strides = array<i32>} : memref<8x128xf32, #tpu.memory_space<vmem>>, vector<16xf32>,
        %mul3A_366 = arith.constant 31.9999676 : f32
        %mul3A_367 = vector.broadcast %mul3A_366 : f32 to vector<16xf32>
        %mul3A_368 = arith.mulf %get3A_365, %mul3A_367 : vector<16xf32>
        %get3A_369 = arith.index_cast %shift_right_arithmetic3A_353 : i32 to index
        %get3A_370 = arith.index_cast %mul3A_357 : i32 to index
        %get3A_371 = tpu.vector_load %arg11[%get3A_369, %get3A_370] {strides = array<i32>} : memref<8x128xf32, #tpu.memory_space<vmem>>, vector<16xf32>,
        %mul3A_372 = arith.constant 31.9999676 : f32
        %mul3A_373 = vector.broadcast %mul3A_372 : f32 to vector<16xf32>
        %mul3A_374 = arith.mulf %get3A_371, %mul3A_373 : vector<16xf32>
        %convert_element_type3A_375 = arith.fptosi %mul3A_362 : vector<16xf32> to vector<16xi32>
        %min3A = arith.constant 31 : i32
        %min3A_376 = vector.broadcast %min3A : i32 to vector<16xi32>
        %min3A_377 = arith.minsi %convert_element_type3A_375, %min3A_376 : vector<16xi32>
        %convert_element_type3A_378 = arith.fptosi %mul3A_368 : vector<16xf32> to vector<16xi32>
        %min3A_379 = arith.constant 31 : i32
        %min3A_380 = vector.broadcast %min3A_379 : i32 to vector<16xi32>
        %min3A_381 = arith.minsi %convert_element_type3A_378, %min3A_380 : vector<16xi32>
        %convert_element_type3A_382 = arith.fptosi %mul3A_374 : vector<16xf32> to vector<16xi32>
        %min3A_383 = arith.constant 31 : i32
        %min3A_384 = vector.broadcast %min3A_383 : i32 to vector<16xi32>
        %min3A_385 = arith.minsi %convert_element_type3A_382, %min3A_384 : vector<16xi32>
        %convert_element_type3A_386 = arith.sitofp %min3A_377 : vector<16xi32> to vector<16xf32>
        %sub3A_387 = arith.subf %mul3A_362, %convert_element_type3A_386 : vector<16xf32>
        %convert_element_type3A_388 = arith.sitofp %min3A_381 : vector<16xi32> to vector<16xf32>
        %sub3A_389 = arith.subf %mul3A_368, %convert_element_type3A_388 : vector<16xf32>
        %convert_element_type3A_390 = arith.sitofp %min3A_385 : vector<16xi32> to vector<16xf32>
        %sub3A_391 = arith.subf %mul3A_374, %convert_element_type3A_390 : vector<16xf32>
        %sub3A_392 = arith.constant 1.000000e+00 : f32
        %sub3A_393 = vector.broadcast %sub3A_392 : f32 to vector<16xf32>
        %sub3A_394 = arith.subf %sub3A_393, %sub3A_387 : vector<16xf32>
        %sub3A_395 = arith.constant 1.000000e+00 : f32
        %sub3A_396 = vector.broadcast %sub3A_395 : f32 to vector<16xf32>
        %sub3A_397 = arith.subf %sub3A_396, %sub3A_389 : vector<16xf32>
        %sub3A_398 = arith.constant 1.000000e+00 : f32
        %sub3A_399 = vector.broadcast %sub3A_398 : f32 to vector<16xf32>
        %sub3A_400 = arith.subf %sub3A_399, %sub3A_391 : vector<16xf32>
        %mul3A_401 = arith.mulf %sub3A_394, %sub3A_397 : vector<16xf32>
        %mul3A_402 = arith.mulf %sub3A_387, %sub3A_397 : vector<16xf32>
        %mul3A_403 = arith.mulf %sub3A_394, %sub3A_389 : vector<16xf32>
        %mul3A_404 = arith.mulf %sub3A_387, %sub3A_389 : vector<16xf32>
        %mul3A_405 = arith.mulf %mul3A_401, %sub3A_400 : vector<16xf32>
        %mul3A_406 = arith.mulf %mul3A_402, %sub3A_400 : vector<16xf32>
        %mul3A_407 = arith.mulf %mul3A_403, %sub3A_400 : vector<16xf32>
        %mul3A_408 = arith.mulf %mul3A_404, %sub3A_400 : vector<16xf32>
        %mul3A_409 = arith.mulf %mul3A_401, %sub3A_391 : vector<16xf32>
        %mul3A_410 = arith.mulf %mul3A_402, %sub3A_391 : vector<16xf32>
        %mul3A_411 = arith.mulf %mul3A_403, %sub3A_391 : vector<16xf32>
        %mul3A_412 = arith.mulf %mul3A_404, %sub3A_391 : vector<16xf32>
        %mul3A_413 = arith.constant 33 : i32
        %mul3A_414 = vector.broadcast %mul3A_413 : i32 to vector<16xi32>
        %mul3A_415 = arith.muli %min3A_381, %mul3A_414 : vector<16xi32>
        %add3A_416 = arith.addi %min3A_377, %mul3A_415 : vector<16xi32>
        %mul3A_417 = arith.constant 1089 : i32
        %mul3A_418 = vector.broadcast %mul3A_417 : i32 to vector<16xi32>
        %mul3A_419 = arith.muli %min3A_385, %mul3A_418 : vector<16xi32>
        %add3A_420 = arith.addi %add3A_416, %mul3A_419 : vector<16xi32>
        %add3A_421 = arith.constant 0 : i32
        %add3A_422 = vector.broadcast %add3A_421 : i32 to vector<16xi32>
        %add3A_423 = arith.addi %add3A_420, %add3A_422 : vector<16xi32>
        %add3A_424 = arith.constant 1 : i32
        %add3A_425 = vector.broadcast %add3A_424 : i32 to vector<16xi32>
        %add3A_426 = arith.addi %add3A_420, %add3A_425 : vector<16xi32>
        %add3A_427 = arith.constant 2 : i32
        %add3A_428 = vector.broadcast %add3A_427 : i32 to vector<16xi32>
        %add3A_429 = arith.addi %add3A_420, %add3A_428 : vector<16xi32>
        %add3A_430 = arith.constant 3 : i32
        %add3A_431 = vector.broadcast %add3A_430 : i32 to vector<16xi32>
        %add3A_432 = arith.addi %add3A_420, %add3A_431 : vector<16xi32>
        %add3A_433 = arith.constant 4 : i32
        %add3A_434 = vector.broadcast %add3A_433 : i32 to vector<16xi32>
        %add3A_435 = arith.addi %add3A_420, %add3A_434 : vector<16xi32>
        %add3A_436 = arith.constant 5 : i32
        %add3A_437 = vector.broadcast %add3A_436 : i32 to vector<16xi32>
        %add3A_438 = arith.addi %add3A_420, %add3A_437 : vector<16xi32>
        %gather3A = arith.constant 0 : i32
        %gather3A_439 = tpu.memref_slice %arg5[%gather3A] : memref<107816xf32, #tpu.memory_space<vmem>> -> memref<34822xf32, #tpu.memory_space<vmem>>
        %gather3A_440 = tpu.vector_load_idx %gather3A_439[%add3A_423] : memref<34822xf32, #tpu.memory_space<vmem>>[vector<16xi32>], vector<16xf32>,
        %mul3A_441 = arith.mulf %mul3A_405, %gather3A_440 : vector<16xf32>
        %gather3A_442 = arith.constant 0 : i32
        %gather3A_443 = tpu.memref_slice %arg5[%gather3A_442] : memref<107816xf32, #tpu.memory_space<vmem>> -> memref<34822xf32, #tpu.memory_space<vmem>>
        %gather3A_444 = tpu.vector_load_idx %gather3A_443[%add3A_426] : memref<34822xf32, #tpu.memory_space<vmem>>[vector<16xi32>], vector<16xf32>,
        %mul3A_445 = arith.mulf %mul3A_406, %gather3A_444 : vector<16xf32>
        %gather3A_446 = arith.constant 32 : i32
        %gather3A_447 = tpu.memref_slice %arg5[%gather3A_446] : memref<107816xf32, #tpu.memory_space<vmem>> -> memref<34822xf32, #tpu.memory_space<vmem>>
        %gather3A_448 = tpu.vector_load_idx %gather3A_447[%add3A_426] : memref<34822xf32, #tpu.memory_space<vmem>>[vector<16xi32>], vector<16xf32>,
        %mul3A_449 = arith.mulf %mul3A_407, %gather3A_448 : vector<16xf32>
        %gather3A_450 = arith.constant 32 : i32
        %gather3A_451 = tpu.memref_slice %arg5[%gather3A_450] : memref<107816xf32, #tpu.memory_space<vmem>> -> memref<34822xf32, #tpu.memory_space<vmem>>
        %gather3A_452 = tpu.vector_load_idx %gather3A_451[%add3A_429] : memref<34822xf32, #tpu.memory_space<vmem>>[vector<16xi32>], vector<16xf32>,
        %mul3A_453 = arith.mulf %mul3A_408, %gather3A_452 : vector<16xf32>
        %gather3A_454 = arith.constant 1088 : i32
        %gather3A_455 = tpu.memref_slice %arg5[%gather3A_454] : memref<107816xf32, #tpu.memory_space<vmem>> -> memref<34822xf32, #tpu.memory_space<vmem>>
        %gather3A_456 = tpu.vector_load_idx %gather3A_455[%add3A_426] : memref<34822xf32, #tpu.memory_space<vmem>>[vector<16xi32>], vector<16xf32>,
        %mul3A_457 = arith.mulf %mul3A_409, %gather3A_456 : vector<16xf32>
        %gather3A_458 = arith.constant 1088 : i32
        %gather3A_459 = tpu.memref_slice %arg5[%gather3A_458] : memref<107816xf32, #tpu.memory_space<vmem>> -> memref<34822xf32, #tpu.memory_space<vmem>>
        %gather3A_460 = tpu.vector_load_idx %gather3A_459[%add3A_429] : memref<34822xf32, #tpu.memory_space<vmem>>[vector<16xi32>], vector<16xf32>,
        %mul3A_461 = arith.mulf %mul3A_410, %gather3A_460 : vector<16xf32>
        %gather3A_462 = arith.constant 1120 : i32
        %gather3A_463 = tpu.memref_slice %arg5[%gather3A_462] : memref<107816xf32, #tpu.memory_space<vmem>> -> memref<34822xf32, #tpu.memory_space<vmem>>
        %gather3A_464 = tpu.vector_load_idx %gather3A_463[%add3A_429] : memref<34822xf32, #tpu.memory_space<vmem>>[vector<16xi32>], vector<16xf32>,
        %mul3A_465 = arith.mulf %mul3A_411, %gather3A_464 : vector<16xf32>
        %gather3A_466 = arith.constant 1120 : i32
        %gather3A_467 = tpu.memref_slice %arg5[%gather3A_466] : memref<107816xf32, #tpu.memory_space<vmem>> -> memref<34822xf32, #tpu.memory_space<vmem>>
        %gather3A_468 = tpu.vector_load_idx %gather3A_467[%add3A_432] : memref<34822xf32, #tpu.memory_space<vmem>>[vector<16xi32>], vector<16xf32>,
        %mul3A_469 = arith.mulf %mul3A_412, %gather3A_468 : vector<16xf32>
        %add3A_470 = arith.addf %mul3A_441, %mul3A_445 : vector<16xf32>
        %add3A_471 = arith.addf %mul3A_449, %mul3A_453 : vector<16xf32>
        %add3A_472 = arith.addf %add3A_470, %add3A_471 : vector<16xf32>
        %add3A_473 = arith.addf %mul3A_457, %mul3A_461 : vector<16xf32>
        %add3A_474 = arith.addf %mul3A_465, %mul3A_469 : vector<16xf32>
        %add3A_475 = arith.addf %add3A_473, %add3A_474 : vector<16xf32>
        %add3A_476 = arith.addf %add3A_472, %add3A_475 : vector<16xf32>
        %gather3A_477 = arith.constant 35936 : i32
        %gather3A_478 = tpu.memref_slice %arg5[%gather3A_477] : memref<107816xf32, #tpu.memory_space<vmem>> -> memref<34822xf32, #tpu.memory_space<vmem>>
        %gather3A_479 = tpu.vector_load_idx %gather3A_478[%add3A_426] : memref<34822xf32, #tpu.memory_space<vmem>>[vector<16xi32>], vector<16xf32>,
        %mul3A_480 = arith.mulf %mul3A_405, %gather3A_479 : vector<16xf32>
        %gather3A_481 = arith.constant 35936 : i32
        %gather3A_482 = tpu.memref_slice %arg5[%gather3A_481] : memref<107816xf32, #tpu.memory_space<vmem>> -> memref<34822xf32, #tpu.memory_space<vmem>>
        %gather3A_483 = tpu.vector_load_idx %gather3A_482[%add3A_429] : memref<34822xf32, #tpu.memory_space<vmem>>[vector<16xi32>], vector<16xf32>,
        %mul3A_484 = arith.mulf %mul3A_406, %gather3A_483 : vector<16xf32>
        %gather3A_485 = arith.constant 35968 : i32
        %gather3A_486 = tpu.memref_slice %arg5[%gather3A_485] : memref<107816xf32, #tpu.memory_space<vmem>> -> memref<34822xf32, #tpu.memory_space<vmem>>
        %gather3A_487 = tpu.vector_load_idx %gather3A_486[%add3A_429] : memref<34822xf32, #tpu.memory_space<vmem>>[vector<16xi32>], vector<16xf32>,
        %mul3A_488 = arith.mulf %mul3A_407, %gather3A_487 : vector<16xf32>
        %gather3A_489 = arith.constant 35968 : i32
        %gather3A_490 = tpu.memref_slice %arg5[%gather3A_489] : memref<107816xf32, #tpu.memory_space<vmem>> -> memref<34822xf32, #tpu.memory_space<vmem>>
        %gather3A_491 = tpu.vector_load_idx %gather3A_490[%add3A_432] : memref<34822xf32, #tpu.memory_space<vmem>>[vector<16xi32>], vector<16xf32>,
        %mul3A_492 = arith.mulf %mul3A_408, %gather3A_491 : vector<16xf32>
        %gather3A_493 = arith.constant 37024 : i32
        %gather3A_494 = tpu.memref_slice %arg5[%gather3A_493] : memref<107816xf32, #tpu.memory_space<vmem>> -> memref<34822xf32, #tpu.memory_space<vmem>>
        %gather3A_495 = tpu.vector_load_idx %gather3A_494[%add3A_429] : memref<34822xf32, #tpu.memory_space<vmem>>[vector<16xi32>], vector<16xf32>,
        %mul3A_496 = arith.mulf %mul3A_409, %gather3A_495 : vector<16xf32>
        %gather3A_497 = arith.constant 37024 : i32
        %gather3A_498 = tpu.memref_slice %arg5[%gather3A_497] : memref<107816xf32, #tpu.memory_space<vmem>> -> memref<34822xf32, #tpu.memory_space<vmem>>
        %gather3A_499 = tpu.vector_load_idx %gather3A_498[%add3A_432] : memref<34822xf32, #tpu.memory_space<vmem>>[vector<16xi32>], vector<16xf32>,
        %mul3A_500 = arith.mulf %mul3A_410, %gather3A_499 : vector<16xf32>
        %gather3A_501 = arith.constant 37056 : i32
        %gather3A_502 = tpu.memref_slice %arg5[%gather3A_501] : memref<107816xf32, #tpu.memory_space<vmem>> -> memref<34822xf32, #tpu.memory_space<vmem>>
        %gather3A_503 = tpu.vector_load_idx %gather3A_502[%add3A_432] : memref<34822xf32, #tpu.memory_space<vmem>>[vector<16xi32>], vector<16xf32>,
        %mul3A_504 = arith.mulf %mul3A_411, %gather3A_503 : vector<16xf32>
        %gather3A_505 = arith.constant 37056 : i32
        %gather3A_506 = tpu.memref_slice %arg5[%gather3A_505] : memref<107816xf32, #tpu.memory_space<vmem>> -> memref<34822xf32, #tpu.memory_space<vmem>>
        %gather3A_507 = tpu.vector_load_idx %gather3A_506[%add3A_435] : memref<34822xf32, #tpu.memory_space<vmem>>[vector<16xi32>], vector<16xf32>,
        %mul3A_508 = arith.mulf %mul3A_412, %gather3A_507 : vector<16xf32>
        %add3A_509 = arith.addf %mul3A_480, %mul3A_484 : vector<16xf32>
        %add3A_510 = arith.addf %mul3A_488, %mul3A_492 : vector<16xf32>
        %add3A_511 = arith.addf %add3A_509, %add3A_510 : vector<16xf32>
        %add3A_512 = arith.addf %mul3A_496, %mul3A_500 : vector<16xf32>
        %add3A_513 = arith.addf %mul3A_504, %mul3A_508 : vector<16xf32>
        %add3A_514 = arith.addf %add3A_512, %add3A_513 : vector<16xf32>
        %add3A_515 = arith.addf %add3A_511, %add3A_514 : vector<16xf32>
        %gather3A_516 = arith.constant 71872 : i32
        %gather3A_517 = tpu.memref_slice %arg5[%gather3A_516] : memref<107816xf32, #tpu.memory_space<vmem>> -> memref<34822xf32, #tpu.memory_space<vmem>>
        %gather3A_518 = tpu.vector_load_idx %gather3A_517[%add3A_429] : memref<34822xf32, #tpu.memory_space<vmem>>[vector<16xi32>], vector<16xf32>,
        %mul3A_519 = arith.mulf %mul3A_405, %gather3A_518 : vector<16xf32>
        %gather3A_520 = arith.constant 71872 : i32
        %gather3A_521 = tpu.memref_slice %arg5[%gather3A_520] : memref<107816xf32, #tpu.memory_space<vmem>> -> memref<34822xf32, #tpu.memory_space<vmem>>
        %gather3A_522 = tpu.vector_load_idx %gather3A_521[%add3A_432] : memref<34822xf32, #tpu.memory_space<vmem>>[vector<16xi32>], vector<16xf32>,
        %mul3A_523 = arith.mulf %mul3A_406, %gather3A_522 : vector<16xf32>
        %gather3A_524 = arith.constant 71904 : i32
        %gather3A_525 = tpu.memref_slice %arg5[%gather3A_524] : memref<107816xf32, #tpu.memory_space<vmem>> -> memref<34822xf32, #tpu.memory_space<vmem>>
        %gather3A_526 = tpu.vector_load_idx %gather3A_525[%add3A_432] : memref<34822xf32, #tpu.memory_space<vmem>>[vector<16xi32>], vector<16xf32>,
        %mul3A_527 = arith.mulf %mul3A_407, %gather3A_526 : vector<16xf32>
        %gather3A_528 = arith.constant 71904 : i32
        %gather3A_529 = tpu.memref_slice %arg5[%gather3A_528] : memref<107816xf32, #tpu.memory_space<vmem>> -> memref<34822xf32, #tpu.memory_space<vmem>>
        %gather3A_530 = tpu.vector_load_idx %gather3A_529[%add3A_435] : memref<34822xf32, #tpu.memory_space<vmem>>[vector<16xi32>], vector<16xf32>,
        %mul3A_531 = arith.mulf %mul3A_408, %gather3A_530 : vector<16xf32>
        %gather3A_532 = arith.constant 72960 : i32
        %gather3A_533 = tpu.memref_slice %arg5[%gather3A_532] : memref<107816xf32, #tpu.memory_space<vmem>> -> memref<34822xf32, #tpu.memory_space<vmem>>
        %gather3A_534 = tpu.vector_load_idx %gather3A_533[%add3A_432] : memref<34822xf32, #tpu.memory_space<vmem>>[vector<16xi32>], vector<16xf32>,
        %mul3A_535 = arith.mulf %mul3A_409, %gather3A_534 : vector<16xf32>
        %gather3A_536 = arith.constant 72960 : i32
        %gather3A_537 = tpu.memref_slice %arg5[%gather3A_536] : memref<107816xf32, #tpu.memory_space<vmem>> -> memref<34822xf32, #tpu.memory_space<vmem>>
        %gather3A_538 = tpu.vector_load_idx %gather3A_537[%add3A_435] : memref<34822xf32, #tpu.memory_space<vmem>>[vector<16xi32>], vector<16xf32>,
        %mul3A_539 = arith.mulf %mul3A_410, %gather3A_538 : vector<16xf32>
        %gather3A_540 = arith.constant 72992 : i32
        %gather3A_541 = tpu.memref_slice %arg5[%gather3A_540] : memref<107816xf32, #tpu.memory_space<vmem>> -> memref<34822xf32, #tpu.memory_space<vmem>>
        %gather3A_542 = tpu.vector_load_idx %gather3A_541[%add3A_435] : memref<34822xf32, #tpu.memory_space<vmem>>[vector<16xi32>], vector<16xf32>,
        %mul3A_543 = arith.mulf %mul3A_411, %gather3A_542 : vector<16xf32>
        %gather3A_544 = arith.constant 72992 : i32
        %gather3A_545 = tpu.memref_slice %arg5[%gather3A_544] : memref<107816xf32, #tpu.memory_space<vmem>> -> memref<34822xf32, #tpu.memory_space<vmem>>
        %gather3A_546 = tpu.vector_load_idx %gather3A_545[%add3A_438] : memref<34822xf32, #tpu.memory_space<vmem>>[vector<16xi32>], vector<16xf32>,
        %mul3A_547 = arith.mulf %mul3A_412, %gather3A_546 : vector<16xf32>
        %add3A_548 = arith.addf %mul3A_519, %mul3A_523 : vector<16xf32>
        %add3A_549 = arith.addf %mul3A_527, %mul3A_531 : vector<16xf32>
        %add3A_550 = arith.addf %add3A_548, %add3A_549 : vector<16xf32>
        %add3A_551 = arith.addf %mul3A_535, %mul3A_539 : vector<16xf32>
        %add3A_552 = arith.addf %mul3A_543, %mul3A_547 : vector<16xf32>
        %add3A_553 = arith.addf %add3A_551, %add3A_552 : vector<16xf32>
        %add3A_554 = arith.addf %add3A_550, %add3A_553 : vector<16xf32>
        %swap3A = arith.index_cast %shift_right_arithmetic3A_353 : i32 to index
        %swap3A_555 = arith.index_cast %mul3A_357 : i32 to index
        %swap3A_556 = tpu.vector_load %arg15[%swap3A, %swap3A_555] {strides = array<i32>} : memref<8x128xf32, #tpu.memory_space<vmem>>, vector<16xf32>,
        tpu.vector_store %arg15[%swap3A, %swap3A_555], %add3A_476 {strides = array<i32>} : memref<8x128xf32, #tpu.memory_space<vmem>>, vector<16xf32>,
        %swap3A_557 = arith.index_cast %shift_right_arithmetic3A_353 : i32 to index
        %swap3A_558 = arith.index_cast %mul3A_357 : i32 to index
        %swap3A_559 = tpu.vector_load %arg16[%swap3A_557, %swap3A_558] {strides = array<i32>} : memref<8x128xf32, #tpu.memory_space<vmem>>, vector<16xf32>,
        tpu.vector_store %arg16[%swap3A_557, %swap3A_558], %add3A_515 {strides = array<i32>} : memref<8x128xf32, #tpu.memory_space<vmem>>, vector<16xf32>,
        %swap3A_560 = arith.index_cast %shift_right_arithmetic3A_353 : i32 to index
        %swap3A_561 = arith.index_cast %mul3A_357 : i32 to index
        %swap3A_562 = tpu.vector_load %arg17[%swap3A_560, %swap3A_561] {strides = array<i32>} : memref<8x128xf32, #tpu.memory_space<vmem>>, vector<16xf32>,
        tpu.vector_store %arg17[%swap3A_560, %swap3A_561], %add3A_554 {strides = array<i32>} : memref<8x128xf32, #tpu.memory_space<vmem>>, vector<16xf32>,
        %scan3A_563 = arith.constant 1 : i32
        %scan3A_564 = arith.addi %scan3A_351, %scan3A_563 : i32
        %shift_right_arithmetic3A_565 = arith.constant 3 : i32
        %shift_right_arithmetic3A_566 = arith.shrsi %scan3A_564, %shift_right_arithmetic3A_565 : i32
        %and3A_567 = arith.constant 7 : i32
        %and3A_568 = arith.andi %scan3A_564, %and3A_567 : i32
        %mul3A_569 = arith.constant 16 : i32
        %mul3A_570 = arith.muli %and3A_568, %mul3A_569 : i32
        %get3A_571 = arith.index_cast %shift_right_arithmetic3A_566 : i32 to index
        %get3A_572 = arith.index_cast %mul3A_570 : i32 to index
        %get3A_573 = tpu.vector_load %arg9[%get3A_571, %get3A_572] {strides = array<i32>} : memref<8x128xf32, #tpu.memory_space<vmem>>, vector<16xf32>,
        %mul3A_574 = arith.constant 31.9999676 : f32
        %mul3A_575 = vector.broadcast %mul3A_574 : f32 to vector<16xf32>
        %mul3A_576 = arith.mulf %get3A_573, %mul3A_575 : vector<16xf32>
        %get3A_577 = arith.index_cast %shift_right_arithmetic3A_566 : i32 to index
        %get3A_578 = arith.index_cast %mul3A_570 : i32 to index
        %get3A_579 = tpu.vector_load %arg10[%get3A_577, %get3A_578] {strides = array<i32>} : memref<8x128xf32, #tpu.memory_space<vmem>>, vector<16xf32>,
        %mul3A_580 = arith.constant 31.9999676 : f32
        %mul3A_581 = vector.broadcast %mul3A_580 : f32 to vector<16xf32>
        %mul3A_582 = arith.mulf %get3A_579, %mul3A_581 : vector<16xf32>
        %get3A_583 = arith.index_cast %shift_right_arithmetic3A_566 : i32 to index
        %get3A_584 = arith.index_cast %mul3A_570 : i32 to index
        %get3A_585 = tpu.vector_load %arg11[%get3A_583, %get3A_584] {strides = array<i32>} : memref<8x128xf32, #tpu.memory_space<vmem>>, vector<16xf32>,
        %mul3A_586 = arith.constant 31.9999676 : f32
        %mul3A_587 = vector.broadcast %mul3A_586 : f32 to vector<16xf32>
        %mul3A_588 = arith.mulf %get3A_585, %mul3A_587 : vector<16xf32>
        %convert_element_type3A_589 = arith.fptosi %mul3A_576 : vector<16xf32> to vector<16xi32>
        %min3A_590 = arith.constant 31 : i32
        %min3A_591 = vector.broadcast %min3A_590 : i32 to vector<16xi32>
        %min3A_592 = arith.minsi %convert_element_type3A_589, %min3A_591 : vector<16xi32>
        %convert_element_type3A_593 = arith.fptosi %mul3A_582 : vector<16xf32> to vector<16xi32>
        %min3A_594 = arith.constant 31 : i32
        %min3A_595 = vector.broadcast %min3A_594 : i32 to vector<16xi32>
        %min3A_596 = arith.minsi %convert_element_type3A_593, %min3A_595 : vector<16xi32>
        %convert_element_type3A_597 = arith.fptosi %mul3A_588 : vector<16xf32> to vector<16xi32>
        %min3A_598 = arith.constant 31 : i32
        %min3A_599 = vector.broadcast %min3A_598 : i32 to vector<16xi32>
        %min3A_600 = arith.minsi %convert_element_type3A_597, %min3A_599 : vector<16xi32>
        %convert_element_type3A_601 = arith.sitofp %min3A_592 : vector<16xi32> to vector<16xf32>
        %sub3A_602 = arith.subf %mul3A_576, %convert_element_type3A_601 : vector<16xf32>
        %convert_element_type3A_603 = arith.sitofp %min3A_596 : vector<16xi32> to vector<16xf32>
        %sub3A_604 = arith.subf %mul3A_582, %convert_element_type3A_603 : vector<16xf32>
        %convert_element_type3A_605 = arith.sitofp %min3A_600 : vector<16xi32> to vector<16xf32>
        %sub3A_606 = arith.subf %mul3A_588, %convert_element_type3A_605 : vector<16xf32>
        %sub3A_607 = arith.constant 1.000000e+00 : f32
        %sub3A_608 = vector.broadcast %sub3A_607 : f32 to vector<16xf32>
        %sub3A_609 = arith.subf %sub3A_608, %sub3A_602 : vector<16xf32>
        %sub3A_610 = arith.constant 1.000000e+00 : f32
        %sub3A_611 = vector.broadcast %sub3A_610 : f32 to vector<16xf32>
        %sub3A_612 = arith.subf %sub3A_611, %sub3A_604 : vector<16xf32>
        %sub3A_613 = arith.constant 1.000000e+00 : f32
        %sub3A_614 = vector.broadcast %sub3A_613 : f32 to vector<16xf32>
        %sub3A_615 = arith.subf %sub3A_614, %sub3A_606 : vector<16xf32>
        %mul3A_616 = arith.mulf %sub3A_609, %sub3A_612 : vector<16xf32>
        %mul3A_617 = arith.mulf %sub3A_602, %sub3A_612 : vector<16xf32>
        %mul3A_618 = arith.mulf %sub3A_609, %sub3A_604 : vector<16xf32>
        %mul3A_619 = arith.mulf %sub3A_602, %sub3A_604 : vector<16xf32>
        %mul3A_620 = arith.mulf %mul3A_616, %sub3A_615 : vector<16xf32>
        %mul3A_621 = arith.mulf %mul3A_617, %sub3A_615 : vector<16xf32>
        %mul3A_622 = arith.mulf %mul3A_618, %sub3A_615 : vector<16xf32>
        %mul3A_623 = arith.mulf %mul3A_619, %sub3A_615 : vector<16xf32>
        %mul3A_624 = arith.mulf %mul3A_616, %sub3A_606 : vector<16xf32>
        %mul3A_625 = arith.mulf %mul3A_617, %sub3A_606 : vector<16xf32>
        %mul3A_626 = arith.mulf %mul3A_618, %sub3A_606 : vector<16xf32>
        %mul3A_627 = arith.mulf %mul3A_619, %sub3A_606 : vector<16xf32>
        %mul3A_628 = arith.constant 33 : i32
        %mul3A_629 = vector.broadcast %mul3A_628 : i32 to vector<16xi32>
        %mul3A_630 = arith.muli %min3A_596, %mul3A_629 : vector<16xi32>
        %add3A_631 = arith.addi %min3A_592, %mul3A_630 : vector<16xi32>
        %mul3A_632 = arith.constant 1089 : i32
        %mul3A_633 = vector.broadcast %mul3A_632 : i32 to vector<16xi32>
        %mul3A_634 = arith.muli %min3A_600, %mul3A_633 : vector<16xi32>
        %add3A_635 = arith.addi %add3A_631, %mul3A_634 : vector<16xi32>
        %add3A_636 = arith.constant 0 : i32
        %add3A_637 = vector.broadcast %add3A_636 : i32 to vector<16xi32>
        %add3A_638 = arith.addi %add3A_635, %add3A_637 : vector<16xi32>
        %add3A_639 = arith.constant 1 : i32
        %add3A_640 = vector.broadcast %add3A_639 : i32 to vector<16xi32>
        %add3A_641 = arith.addi %add3A_635, %add3A_640 : vector<16xi32>
        %add3A_642 = arith.constant 2 : i32
        %add3A_643 = vector.broadcast %add3A_642 : i32 to vector<16xi32>
        %add3A_644 = arith.addi %add3A_635, %add3A_643 : vector<16xi32>
        %add3A_645 = arith.constant 3 : i32
        %add3A_646 = vector.broadcast %add3A_645 : i32 to vector<16xi32>
        %add3A_647 = arith.addi %add3A_635, %add3A_646 : vector<16xi32>
        %add3A_648 = arith.constant 4 : i32
        %add3A_649 = vector.broadcast %add3A_648 : i32 to vector<16xi32>
        %add3A_650 = arith.addi %add3A_635, %add3A_649 : vector<16xi32>
        %add3A_651 = arith.constant 5 : i32
        %add3A_652 = vector.broadcast %add3A_651 : i32 to vector<16xi32>
        %add3A_653 = arith.addi %add3A_635, %add3A_652 : vector<16xi32>
        %gather3A_654 = arith.constant 0 : i32
        %gather3A_655 = tpu.memref_slice %arg5[%gather3A_654] : memref<107816xf32, #tpu.memory_space<vmem>> -> memref<34822xf32, #tpu.memory_space<vmem>>
        %gather3A_656 = tpu.vector_load_idx %gather3A_655[%add3A_638] : memref<34822xf32, #tpu.memory_space<vmem>>[vector<16xi32>], vector<16xf32>,
        %mul3A_657 = arith.mulf %mul3A_620, %gather3A_656 : vector<16xf32>
        %gather3A_658 = arith.constant 0 : i32
        %gather3A_659 = tpu.memref_slice %arg5[%gather3A_658] : memref<107816xf32, #tpu.memory_space<vmem>> -> memref<34822xf32, #tpu.memory_space<vmem>>
        %gather3A_660 = tpu.vector_load_idx %gather3A_659[%add3A_641] : memref<34822xf32, #tpu.memory_space<vmem>>[vector<16xi32>], vector<16xf32>,
        %mul3A_661 = arith.mulf %mul3A_621, %gather3A_660 : vector<16xf32>
        %gather3A_662 = arith.constant 32 : i32
        %gather3A_663 = tpu.memref_slice %arg5[%gather3A_662] : memref<107816xf32, #tpu.memory_space<vmem>> -> memref<34822xf32, #tpu.memory_space<vmem>>
        %gather3A_664 = tpu.vector_load_idx %gather3A_663[%add3A_641] : memref<34822xf32, #tpu.memory_space<vmem>>[vector<16xi32>], vector<16xf32>,
        %mul3A_665 = arith.mulf %mul3A_622, %gather3A_664 : vector<16xf32>
        %gather3A_666 = arith.constant 32 : i32
        %gather3A_667 = tpu.memref_slice %arg5[%gather3A_666] : memref<107816xf32, #tpu.memory_space<vmem>> -> memref<34822xf32, #tpu.memory_space<vmem>>
        %gather3A_668 = tpu.vector_load_idx %gather3A_667[%add3A_644] : memref<34822xf32, #tpu.memory_space<vmem>>[vector<16xi32>], vector<16xf32>,
        %mul3A_669 = arith.mulf %mul3A_623, %gather3A_668 : vector<16xf32>
        %gather3A_670 = arith.constant 1088 : i32
        %gather3A_671 = tpu.memref_slice %arg5[%gather3A_670] : memref<107816xf32, #tpu.memory_space<vmem>> -> memref<34822xf32, #tpu.memory_space<vmem>>
        %gather3A_672 = tpu.vector_load_idx %gather3A_671[%add3A_641] : memref<34822xf32, #tpu.memory_space<vmem>>[vector<16xi32>], vector<16xf32>,
        %mul3A_673 = arith.mulf %mul3A_624, %gather3A_672 : vector<16xf32>
        %gather3A_674 = arith.constant 1088 : i32
        %gather3A_675 = tpu.memref_slice %arg5[%gather3A_674] : memref<107816xf32, #tpu.memory_space<vmem>> -> memref<34822xf32, #tpu.memory_space<vmem>>
        %gather3A_676 = tpu.vector_load_idx %gather3A_675[%add3A_644] : memref<34822xf32, #tpu.memory_space<vmem>>[vector<16xi32>], vector<16xf32>,
        %mul3A_677 = arith.mulf %mul3A_625, %gather3A_676 : vector<16xf32>
        %gather3A_678 = arith.constant 1120 : i32
        %gather3A_679 = tpu.memref_slice %arg5[%gather3A_678] : memref<107816xf32, #tpu.memory_space<vmem>> -> memref<34822xf32, #tpu.memory_space<vmem>>
        %gather3A_680 = tpu.vector_load_idx %gather3A_679[%add3A_644] : memref<34822xf32, #tpu.memory_space<vmem>>[vector<16xi32>], vector<16xf32>,
        %mul3A_681 = arith.mulf %mul3A_626, %gather3A_680 : vector<16xf32>
        %gather3A_682 = arith.constant 1120 : i32
        %gather3A_683 = tpu.memref_slice %arg5[%gather3A_682] : memref<107816xf32, #tpu.memory_space<vmem>> -> memref<34822xf32, #tpu.memory_space<vmem>>
        %gather3A_684 = tpu.vector_load_idx %gather3A_683[%add3A_647] : memref<34822xf32, #tpu.memory_space<vmem>>[vector<16xi32>], vector<16xf32>,
        %mul3A_685 = arith.mulf %mul3A_627, %gather3A_684 : vector<16xf32>
        %add3A_686 = arith.addf %mul3A_657, %mul3A_661 : vector<16xf32>
        %add3A_687 = arith.addf %mul3A_665, %mul3A_669 : vector<16xf32>
        %add3A_688 = arith.addf %add3A_686, %add3A_687 : vector<16xf32>
        %add3A_689 = arith.addf %mul3A_673, %mul3A_677 : vector<16xf32>
        %add3A_690 = arith.addf %mul3A_681, %mul3A_685 : vector<16xf32>
        %add3A_691 = arith.addf %add3A_689, %add3A_690 : vector<16xf32>
        %add3A_692 = arith.addf %add3A_688, %add3A_691 : vector<16xf32>
        %gather3A_693 = arith.constant 35936 : i32
        %gather3A_694 = tpu.memref_slice %arg5[%gather3A_693] : memref<107816xf32, #tpu.memory_space<vmem>> -> memref<34822xf32, #tpu.memory_space<vmem>>
        %gather3A_695 = tpu.vector_load_idx %gather3A_694[%add3A_641] : memref<34822xf32, #tpu.memory_space<vmem>>[vector<16xi32>], vector<16xf32>,
        %mul3A_696 = arith.mulf %mul3A_620, %gather3A_695 : vector<16xf32>
        %gather3A_697 = arith.constant 35936 : i32
        %gather3A_698 = tpu.memref_slice %arg5[%gather3A_697] : memref<107816xf32, #tpu.memory_space<vmem>> -> memref<34822xf32, #tpu.memory_space<vmem>>
        %gather3A_699 = tpu.vector_load_idx %gather3A_698[%add3A_644] : memref<34822xf32, #tpu.memory_space<vmem>>[vector<16xi32>], vector<16xf32>,
        %mul3A_700 = arith.mulf %mul3A_621, %gather3A_699 : vector<16xf32>
        %gather3A_701 = arith.constant 35968 : i32
        %gather3A_702 = tpu.memref_slice %arg5[%gather3A_701] : memref<107816xf32, #tpu.memory_space<vmem>> -> memref<34822xf32, #tpu.memory_space<vmem>>
        %gather3A_703 = tpu.vector_load_idx %gather3A_702[%add3A_644] : memref<34822xf32, #tpu.memory_space<vmem>>[vector<16xi32>], vector<16xf32>,
        %mul3A_704 = arith.mulf %mul3A_622, %gather3A_703 : vector<16xf32>
        %gather3A_705 = arith.constant 35968 : i32
        %gather3A_706 = tpu.memref_slice %arg5[%gather3A_705] : memref<107816xf32, #tpu.memory_space<vmem>> -> memref<34822xf32, #tpu.memory_space<vmem>>
        %gather3A_707 = tpu.vector_load_idx %gather3A_706[%add3A_647] : memref<34822xf32, #tpu.memory_space<vmem>>[vector<16xi32>], vector<16xf32>,
        %mul3A_708 = arith.mulf %mul3A_623, %gather3A_707 : vector<16xf32>
        %gather3A_709 = arith.constant 37024 : i32
        %gather3A_710 = tpu.memref_slice %arg5[%gather3A_709] : memref<107816xf32, #tpu.memory_space<vmem>> -> memref<34822xf32, #tpu.memory_space<vmem>>
        %gather3A_711 = tpu.vector_load_idx %gather3A_710[%add3A_644] : memref<34822xf32, #tpu.memory_space<vmem>>[vector<16xi32>], vector<16xf32>,
        %mul3A_712 = arith.mulf %mul3A_624, %gather3A_711 : vector<16xf32>
        %gather3A_713 = arith.constant 37024 : i32
        %gather3A_714 = tpu.memref_slice %arg5[%gather3A_713] : memref<107816xf32, #tpu.memory_space<vmem>> -> memref<34822xf32, #tpu.memory_space<vmem>>
        %gather3A_715 = tpu.vector_load_idx %gather3A_714[%add3A_647] : memref<34822xf32, #tpu.memory_space<vmem>>[vector<16xi32>], vector<16xf32>,
        %mul3A_716 = arith.mulf %mul3A_625, %gather3A_715 : vector<16xf32>
        %gather3A_717 = arith.constant 37056 : i32
        %gather3A_718 = tpu.memref_slice %arg5[%gather3A_717] : memref<107816xf32, #tpu.memory_space<vmem>> -> memref<34822xf32, #tpu.memory_space<vmem>>
        %gather3A_719 = tpu.vector_load_idx %gather3A_718[%add3A_647] : memref<34822xf32, #tpu.memory_space<vmem>>[vector<16xi32>], vector<16xf32>,
        %mul3A_720 = arith.mulf %mul3A_626, %gather3A_719 : vector<16xf32>
        %gather3A_721 = arith.constant 37056 : i32
        %gather3A_722 = tpu.memref_slice %arg5[%gather3A_721] : memref<107816xf32, #tpu.memory_space<vmem>> -> memref<34822xf32, #tpu.memory_space<vmem>>
        %gather3A_723 = tpu.vector_load_idx %gather3A_722[%add3A_650] : memref<34822xf32, #tpu.memory_space<vmem>>[vector<16xi32>], vector<16xf32>,
        %mul3A_724 = arith.mulf %mul3A_627, %gather3A_723 : vector<16xf32>
        %add3A_725 = arith.addf %mul3A_696, %mul3A_700 : vector<16xf32>
        %add3A_726 = arith.addf %mul3A_704, %mul3A_708 : vector<16xf32>
        %add3A_727 = arith.addf %add3A_725, %add3A_726 : vector<16xf32>
        %add3A_728 = arith.addf %mul3A_712, %mul3A_716 : vector<16xf32>
        %add3A_729 = arith.addf %mul3A_720, %mul3A_724 : vector<16xf32>
        %add3A_730 = arith.addf %add3A_728, %add3A_729 : vector<16xf32>
        %add3A_731 = arith.addf %add3A_727, %add3A_730 : vector<16xf32>
        %gather3A_732 = arith.constant 71872 : i32
        %gather3A_733 = tpu.memref_slice %arg5[%gather3A_732] : memref<107816xf32, #tpu.memory_space<vmem>> -> memref<34822xf32, #tpu.memory_space<vmem>>
        %gather3A_734 = tpu.vector_load_idx %gather3A_733[%add3A_644] : memref<34822xf32, #tpu.memory_space<vmem>>[vector<16xi32>], vector<16xf32>,
        %mul3A_735 = arith.mulf %mul3A_620, %gather3A_734 : vector<16xf32>
        %gather3A_736 = arith.constant 71872 : i32
        %gather3A_737 = tpu.memref_slice %arg5[%gather3A_736] : memref<107816xf32, #tpu.memory_space<vmem>> -> memref<34822xf32, #tpu.memory_space<vmem>>
        %gather3A_738 = tpu.vector_load_idx %gather3A_737[%add3A_647] : memref<34822xf32, #tpu.memory_space<vmem>>[vector<16xi32>], vector<16xf32>,
        %mul3A_739 = arith.mulf %mul3A_621, %gather3A_738 : vector<16xf32>
        %gather3A_740 = arith.constant 71904 : i32
        %gather3A_741 = tpu.memref_slice %arg5[%gather3A_740] : memref<107816xf32, #tpu.memory_space<vmem>> -> memref<34822xf32, #tpu.memory_space<vmem>>
        %gather3A_742 = tpu.vector_load_idx %gather3A_741[%add3A_647] : memref<34822xf32, #tpu.memory_space<vmem>>[vector<16xi32>], vector<16xf32>,
        %mul3A_743 = arith.mulf %mul3A_622, %gather3A_742 : vector<16xf32>
        %gather3A_744 = arith.constant 71904 : i32
        %gather3A_745 = tpu.memref_slice %arg5[%gather3A_744] : memref<107816xf32, #tpu.memory_space<vmem>> -> memref<34822xf32, #tpu.memory_space<vmem>>
        %gather3A_746 = tpu.vector_load_idx %gather3A_745[%add3A_650] : memref<34822xf32, #tpu.memory_space<vmem>>[vector<16xi32>], vector<16xf32>,
        %mul3A_747 = arith.mulf %mul3A_623, %gather3A_746 : vector<16xf32>
        %gather3A_748 = arith.constant 72960 : i32
        %gather3A_749 = tpu.memref_slice %arg5[%gather3A_748] : memref<107816xf32, #tpu.memory_space<vmem>> -> memref<34822xf32, #tpu.memory_space<vmem>>
        %gather3A_750 = tpu.vector_load_idx %gather3A_749[%add3A_647] : memref<34822xf32, #tpu.memory_space<vmem>>[vector<16xi32>], vector<16xf32>,
        %mul3A_751 = arith.mulf %mul3A_624, %gather3A_750 : vector<16xf32>
        %gather3A_752 = arith.constant 72960 : i32
        %gather3A_753 = tpu.memref_slice %arg5[%gather3A_752] : memref<107816xf32, #tpu.memory_space<vmem>> -> memref<34822xf32, #tpu.memory_space<vmem>>
        %gather3A_754 = tpu.vector_load_idx %gather3A_753[%add3A_650] : memref<34822xf32, #tpu.memory_space<vmem>>[vector<16xi32>], vector<16xf32>,
        %mul3A_755 = arith.mulf %mul3A_625, %gather3A_754 : vector<16xf32>
        %gather3A_756 = arith.constant 72992 : i32
        %gather3A_757 = tpu.memref_slice %arg5[%gather3A_756] : memref<107816xf32, #tpu.memory_space<vmem>> -> memref<34822xf32, #tpu.memory_space<vmem>>
        %gather3A_758 = tpu.vector_load_idx %gather3A_757[%add3A_650] : memref<34822xf32, #tpu.memory_space<vmem>>[vector<16xi32>], vector<16xf32>,
        %mul3A_759 = arith.mulf %mul3A_626, %gather3A_758 : vector<16xf32>
        %gather3A_760 = arith.constant 72992 : i32
        %gather3A_761 = tpu.memref_slice %arg5[%gather3A_760] : memref<107816xf32, #tpu.memory_space<vmem>> -> memref<34822xf32, #tpu.memory_space<vmem>>
        %gather3A_762 = tpu.vector_load_idx %gather3A_761[%add3A_653] : memref<34822xf32, #tpu.memory_space<vmem>>[vector<16xi32>], vector<16xf32>,
        %mul3A_763 = arith.mulf %mul3A_627, %gather3A_762 : vector<16xf32>
        %add3A_764 = arith.addf %mul3A_735, %mul3A_739 : vector<16xf32>
        %add3A_765 = arith.addf %mul3A_743, %mul3A_747 : vector<16xf32>
        %add3A_766 = arith.addf %add3A_764, %add3A_765 : vector<16xf32>
        %add3A_767 = arith.addf %mul3A_751, %mul3A_755 : vector<16xf32>
        %add3A_768 = arith.addf %mul3A_759, %mul3A_763 : vector<16xf32>
        %add3A_769 = arith.addf %add3A_767, %add3A_768 : vector<16xf32>
        %add3A_770 = arith.addf %add3A_766, %add3A_769 : vector<16xf32>
        %swap3A_771 = arith.index_cast %shift_right_arithmetic3A_566 : i32 to index
        %swap3A_772 = arith.index_cast %mul3A_570 : i32 to index
        %swap3A_773 = tpu.vector_load %arg15[%swap3A_771, %swap3A_772] {strides = array<i32>} : memref<8x128xf32, #tpu.memory_space<vmem>>, vector<16xf32>,
        tpu.vector_store %arg15[%swap3A_771, %swap3A_772], %add3A_692 {strides = array<i32>} : memref<8x128xf32, #tpu.memory_space<vmem>>, vector<16xf32>,
        %swap3A_774 = arith.index_cast %shift_right_arithmetic3A_566 : i32 to index
        %swap3A_775 = arith.index_cast %mul3A_570 : i32 to index
        %swap3A_776 = tpu.vector_load %arg16[%swap3A_774, %swap3A_775] {strides = array<i32>} : memref<8x128xf32, #tpu.memory_space<vmem>>, vector<16xf32>,
        tpu.vector_store %arg16[%swap3A_774, %swap3A_775], %add3A_731 {strides = array<i32>} : memref<8x128xf32, #tpu.memory_space<vmem>>, vector<16xf32>,
        %swap3A_777 = arith.index_cast %shift_right_arithmetic3A_566 : i32 to index
        %swap3A_778 = arith.index_cast %mul3A_570 : i32 to index
        %swap3A_779 = tpu.vector_load %arg17[%swap3A_777, %swap3A_778] {strides = array<i32>} : memref<8x128xf32, #tpu.memory_space<vmem>>, vector<16xf32>,
        tpu.vector_store %arg17[%swap3A_777, %swap3A_778], %add3A_770 {strides = array<i32>} : memref<8x128xf32, #tpu.memory_space<vmem>>, vector<16xf32>,
      }
      %scan3A_303 = arith.constant 64 : i32
      %shift_right_arithmetic3A_304 = arith.constant 2 : i32
      %shift_right_arithmetic3A_305 = arith.shrsi %add3A_250, %shift_right_arithmetic3A_304 : i32
      %mul3A_306 = arith.constant 8 : i32
      %mul3A_307 = arith.muli %shift_right_arithmetic3A_305, %mul3A_306 : i32
      %add3A_308 = arith.addi %mul3A_32, %mul3A_307 : i32
      %and3A_309 = arith.constant 3 : i32
      %and3A_310 = arith.andi %add3A_250, %and3A_309 : i32
      %mul3A_311 = arith.constant 128 : i32
      %mul3A_312 = arith.muli %and3A_310, %mul3A_311 : i32
      %dma_start3A_313 = arith.constant 0 : i32
      %dma_start3A_314 = tpu.memref_slice %arg4[%select_n3A, %dma_start3A_313, %add3A_308, %mul3A_312] : memref<8x3x512x512xf32, #tpu.memory_space<hbm>> -> memref<1x1x8x128xf32, #tpu.memory_space<hbm>>
      %dma_start3A_315 = tpu.memref_squeeze %dma_start3A_314 : memref<1x1x8x128xf32, #tpu.memory_space<hbm>> -> memref<8x128xf32, #tpu.memory_space<hbm>>
      %dma_start3A_316 = tpu.memref_slice %arg4[%select_n3A, %dma_start3A_313, %add3A_308, %mul3A_312] : memref<8x3x512x512xf32, #tpu.memory_space<hbm>> -> memref<1x1x8x128xf32, #tpu.memory_space<hbm>>
      %dma_start3A_317 = tpu.memref_squeeze %dma_start3A_316 : memref<1x1x8x128xf32, #tpu.memory_space<hbm>> -> memref<8x128xf32, #tpu.memory_space<hbm>>
      tpu.enqueue_dma source(%arg15 : memref<8x128xf32, #tpu.memory_space<vmem>>) target(%dma_start3A_317 : memref<8x128xf32, #tpu.memory_space<hbm>>) target_semaphore(%arg21 : memref<!tpu.dma_semaphore, #tpu.memory_space<semaphore_mem>>)
      %shift_right_arithmetic3A_318 = arith.constant 2 : i32
      %shift_right_arithmetic3A_319 = arith.shrsi %add3A_250, %shift_right_arithmetic3A_318 : i32
      %mul3A_320 = arith.constant 8 : i32
      %mul3A_321 = arith.muli %shift_right_arithmetic3A_319, %mul3A_320 : i32
      %add3A_322 = arith.addi %mul3A_32, %mul3A_321 : i32
      %and3A_323 = arith.constant 3 : i32
      %and3A_324 = arith.andi %add3A_250, %and3A_323 : i32
      %mul3A_325 = arith.constant 128 : i32
      %mul3A_326 = arith.muli %and3A_324, %mul3A_325 : i32
      %dma_start3A_327 = arith.constant 1 : i32
      %dma_start3A_328 = tpu.memref_slice %arg4[%select_n3A, %dma_start3A_327, %add3A_322, %mul3A_326] : memref<8x3x512x512xf32, #tpu.memory_space<hbm>> -> memref<1x1x8x128xf32, #tpu.memory_space<hbm>>
      %dma_start3A_329 = tpu.memref_squeeze %dma_start3A_328 : memref<1x1x8x128xf32, #tpu.memory_space<hbm>> -> memref<8x128xf32, #tpu.memory_space<hbm>>
      %dma_start3A_330 = tpu.memref_slice %arg4[%select_n3A, %dma_start3A_327, %add3A_322, %mul3A_326] : memref<8x3x512x512xf32, #tpu.memory_space<hbm>> -> memref<1x1x8x128xf32, #tpu.memory_space<hbm>>
      %dma_start3A_331 = tpu.memref_squeeze %dma_start3A_330 : memref<1x1x8x128xf32, #tpu.memory_space<hbm>> -> memref<8x128xf32, #tpu.memory_space<hbm>>
      tpu.enqueue_dma source(%arg16 : memref<8x128xf32, #tpu.memory_space<vmem>>) target(%dma_start3A_331 : memref<8x128xf32, #tpu.memory_space<hbm>>) target_semaphore(%arg21 : memref<!tpu.dma_semaphore, #tpu.memory_space<semaphore_mem>>)
      %shift_right_arithmetic3A_332 = arith.constant 2 : i32
      %shift_right_arithmetic3A_333 = arith.shrsi %add3A_250, %shift_right_arithmetic3A_332 : i32
      %mul3A_334 = arith.constant 8 : i32
      %mul3A_335 = arith.muli %shift_right_arithmetic3A_333, %mul3A_334 : i32
      %add3A_336 = arith.addi %mul3A_32, %mul3A_335 : i32
      %and3A_337 = arith.constant 3 : i32
      %and3A_338 = arith.andi %add3A_250, %and3A_337 : i32
      %mul3A_339 = arith.constant 128 : i32
      %mul3A_340 = arith.muli %and3A_338, %mul3A_339 : i32
      %dma_start3A_341 = arith.constant 2 : i32
      %dma_start3A_342 = tpu.memref_slice %arg4[%select_n3A, %dma_start3A_341, %add3A_336, %mul3A_340] : memref<8x3x512x512xf32, #tpu.memory_space<hbm>> -> memref<1x1x8x128xf32, #tpu.memory_space<hbm>>
      %dma_start3A_343 = tpu.memref_squeeze %dma_start3A_342 : memref<1x1x8x128xf32, #tpu.memory_space<hbm>> -> memref<8x128xf32, #tpu.memory_space<hbm>>
      %dma_start3A_344 = tpu.memref_slice %arg4[%select_n3A, %dma_start3A_341, %add3A_336, %mul3A_340] : memref<8x3x512x512xf32, #tpu.memory_space<hbm>> -> memref<1x1x8x128xf32, #tpu.memory_space<hbm>>
      %dma_start3A_345 = tpu.memref_squeeze %dma_start3A_344 : memref<1x1x8x128xf32, #tpu.memory_space<hbm>> -> memref<8x128xf32, #tpu.memory_space<hbm>>
      tpu.enqueue_dma source(%arg17 : memref<8x128xf32, #tpu.memory_space<vmem>>) target(%dma_start3A_345 : memref<8x128xf32, #tpu.memory_space<hbm>>) target_semaphore(%arg21 : memref<!tpu.dma_semaphore, #tpu.memory_space<semaphore_mem>>)
      %lt3A_346 = arith.constant 31 : i32
      %lt3A_347 = arith.cmpi slt, %scan3A_146, %lt3A_346 : i32
      %convert_element_type3A_348 = arith.extui %lt3A_347 : i1 to i32
      %cond3A_349 = arith.constant 0 : i32
      %cond3A_350 = arith.cmpi ne, %convert_element_type3A_348, %cond3A_349 : i32
      scf.if %cond3A_350 {
        %add3A_351 = arith.constant 2 : i32
        %add3A_352 = arith.addi %add3A_250, %add3A_351 : i32
        %shift_right_arithmetic3A_353 = arith.constant 2 : i32
        %shift_right_arithmetic3A_354 = arith.shrsi %add3A_352, %shift_right_arithmetic3A_353 : i32
        %mul3A_355 = arith.constant 8 : i32
        %mul3A_356 = arith.muli %shift_right_arithmetic3A_354, %mul3A_355 : i32
        %add3A_357 = arith.addi %mul3A_32, %mul3A_356 : i32
        %and3A_358 = arith.constant 3 : i32
        %and3A_359 = arith.andi %add3A_352, %and3A_358 : i32
        %mul3A_360 = arith.constant 128 : i32
        %mul3A_361 = arith.muli %and3A_359, %mul3A_360 : i32
        %dma_start3A_362 = arith.constant 0 : i32
        %dma_start3A_363 = tpu.memref_slice %arg3[%select_n3A, %dma_start3A_362, %add3A_357, %mul3A_361] : memref<8x3x512x512xf32, #tpu.memory_space<hbm>> -> memref<1x1x8x128xf32, #tpu.memory_space<hbm>>
        %dma_start3A_364 = tpu.memref_squeeze %dma_start3A_363 : memref<1x1x8x128xf32, #tpu.memory_space<hbm>> -> memref<8x128xf32, #tpu.memory_space<hbm>>
        %dma_start3A_365 = tpu.memref_slice %arg3[%select_n3A, %dma_start3A_362, %add3A_357, %mul3A_361] : memref<8x3x512x512xf32, #tpu.memory_space<hbm>> -> memref<1x1x8x128xf32, #tpu.memory_space<hbm>>
        %dma_start3A_366 = tpu.memref_squeeze %dma_start3A_365 : memref<1x1x8x128xf32, #tpu.memory_space<hbm>> -> memref<8x128xf32, #tpu.memory_space<hbm>>
        tpu.enqueue_dma source(%dma_start3A_366 : memref<8x128xf32, #tpu.memory_space<hbm>>) target(%arg9 : memref<8x128xf32, #tpu.memory_space<vmem>>) target_semaphore(%arg19 : memref<!tpu.dma_semaphore, #tpu.memory_space<semaphore_mem>>)
        %add3A_367 = arith.constant 2 : i32
        %add3A_368 = arith.addi %add3A_250, %add3A_367 : i32
        %shift_right_arithmetic3A_369 = arith.constant 2 : i32
        %shift_right_arithmetic3A_370 = arith.shrsi %add3A_368, %shift_right_arithmetic3A_369 : i32
        %mul3A_371 = arith.constant 8 : i32
        %mul3A_372 = arith.muli %shift_right_arithmetic3A_370, %mul3A_371 : i32
        %add3A_373 = arith.addi %mul3A_32, %mul3A_372 : i32
        %and3A_374 = arith.constant 3 : i32
        %and3A_375 = arith.andi %add3A_368, %and3A_374 : i32
        %mul3A_376 = arith.constant 128 : i32
        %mul3A_377 = arith.muli %and3A_375, %mul3A_376 : i32
        %dma_start3A_378 = arith.constant 1 : i32
        %dma_start3A_379 = tpu.memref_slice %arg3[%select_n3A, %dma_start3A_378, %add3A_373, %mul3A_377] : memref<8x3x512x512xf32, #tpu.memory_space<hbm>> -> memref<1x1x8x128xf32, #tpu.memory_space<hbm>>
        %dma_start3A_380 = tpu.memref_squeeze %dma_start3A_379 : memref<1x1x8x128xf32, #tpu.memory_space<hbm>> -> memref<8x128xf32, #tpu.memory_space<hbm>>
        %dma_start3A_381 = tpu.memref_slice %arg3[%select_n3A, %dma_start3A_378, %add3A_373, %mul3A_377] : memref<8x3x512x512xf32, #tpu.memory_space<hbm>> -> memref<1x1x8x128xf32, #tpu.memory_space<hbm>>
        %dma_start3A_382 = tpu.memref_squeeze %dma_start3A_381 : memref<1x1x8x128xf32, #tpu.memory_space<hbm>> -> memref<8x128xf32, #tpu.memory_space<hbm>>
        tpu.enqueue_dma source(%dma_start3A_382 : memref<8x128xf32, #tpu.memory_space<hbm>>) target(%arg10 : memref<8x128xf32, #tpu.memory_space<vmem>>) target_semaphore(%arg19 : memref<!tpu.dma_semaphore, #tpu.memory_space<semaphore_mem>>)
        %add3A_383 = arith.constant 2 : i32
        %add3A_384 = arith.addi %add3A_250, %add3A_383 : i32
        %shift_right_arithmetic3A_385 = arith.constant 2 : i32
        %shift_right_arithmetic3A_386 = arith.shrsi %add3A_384, %shift_right_arithmetic3A_385 : i32
        %mul3A_387 = arith.constant 8 : i32
        %mul3A_388 = arith.muli %shift_right_arithmetic3A_386, %mul3A_387 : i32
        %add3A_389 = arith.addi %mul3A_32, %mul3A_388 : i32
        %and3A_390 = arith.constant 3 : i32
        %and3A_391 = arith.andi %add3A_384, %and3A_390 : i32
        %mul3A_392 = arith.constant 128 : i32
        %mul3A_393 = arith.muli %and3A_391, %mul3A_392 : i32
        %dma_start3A_394 = arith.constant 2 : i32
        %dma_start3A_395 = tpu.memref_slice %arg3[%select_n3A, %dma_start3A_394, %add3A_389, %mul3A_393] : memref<8x3x512x512xf32, #tpu.memory_space<hbm>> -> memref<1x1x8x128xf32, #tpu.memory_space<hbm>>
        %dma_start3A_396 = tpu.memref_squeeze %dma_start3A_395 : memref<1x1x8x128xf32, #tpu.memory_space<hbm>> -> memref<8x128xf32, #tpu.memory_space<hbm>>
        %dma_start3A_397 = tpu.memref_slice %arg3[%select_n3A, %dma_start3A_394, %add3A_389, %mul3A_393] : memref<8x3x512x512xf32, #tpu.memory_space<hbm>> -> memref<1x1x8x128xf32, #tpu.memory_space<hbm>>
        %dma_start3A_398 = tpu.memref_squeeze %dma_start3A_397 : memref<1x1x8x128xf32, #tpu.memory_space<hbm>> -> memref<8x128xf32, #tpu.memory_space<hbm>>
        tpu.enqueue_dma source(%dma_start3A_398 : memref<8x128xf32, #tpu.memory_space<hbm>>) target(%arg11 : memref<8x128xf32, #tpu.memory_space<vmem>>) target_semaphore(%arg19 : memref<!tpu.dma_semaphore, #tpu.memory_space<semaphore_mem>>)
      } else {
      }
    }
    %scan3A_92 = arith.constant 32 : i32
    %add3A_93 = arith.constant 120 : i32
    %add3A_94 = arith.addi %mul3A_32, %add3A_93 : i32
    %dma_wait3A = arith.constant 0 : i32
    %dma_wait3A_95 = arith.constant 256 : i32
    %dma_wait3A_96 = tpu.memref_slice %arg4[%select_n3A, %dma_wait3A, %add3A_94, %dma_wait3A_95] : memref<8x3x512x512xf32, #tpu.memory_space<hbm>> -> memref<1x1x8x128xf32, #tpu.memory_space<hbm>>
    %dma_wait3A_97 = tpu.memref_squeeze %dma_wait3A_96 : memref<1x1x8x128xf32, #tpu.memory_space<hbm>> -> memref<8x128xf32, #tpu.memory_space<hbm>>
    %dma_wait3A_98 = arith.constant 256 : i32
    %dma_wait3A_99 = tpu.memref_slice %arg4[%select_n3A, %dma_wait3A, %add3A_94, %dma_wait3A_98] : memref<8x3x512x512xf32, #tpu.memory_space<hbm>> -> memref<1x1x8x128xf32, #tpu.memory_space<hbm>>
    %dma_wait3A_100 = tpu.memref_squeeze %dma_wait3A_99 : memref<1x1x8x128xf32, #tpu.memory_space<hbm>> -> memref<8x128xf32, #tpu.memory_space<hbm>>
    tpu.wait_dma2 semaphore(%arg20 : memref<!tpu.dma_semaphore, #tpu.memory_space<semaphore_mem>>) src(%arg12 : memref<8x128xf32, #tpu.memory_space<vmem>>) dst(%dma_wait3A_100 : memref<8x128xf32, #tpu.memory_space<hbm>>)
    %add3A_101 = arith.constant 120 : i32
    %add3A_102 = arith.addi %mul3A_32, %add3A_101 : i32
    %dma_wait3A_103 = arith.constant 1 : i32
    %dma_wait3A_104 = arith.constant 256 : i32
    %dma_wait3A_105 = tpu.memref_slice %arg4[%select_n3A, %dma_wait3A_103, %add3A_102, %dma_wait3A_104] : memref<8x3x512x512xf32, #tpu.memory_space<hbm>> -> memref<1x1x8x128xf32, #tpu.memory_space<hbm>>
    %dma_wait3A_106 = tpu.memref_squeeze %dma_wait3A_105 : memref<1x1x8x128xf32, #tpu.memory_space<hbm>> -> memref<8x128xf32, #tpu.memory_space<hbm>>
    %dma_wait3A_107 = arith.constant 256 : i32
    %dma_wait3A_108 = tpu.memref_slice %arg4[%select_n3A, %dma_wait3A_103, %add3A_102, %dma_wait3A_107] : memref<8x3x512x512xf32, #tpu.memory_space<hbm>> -> memref<1x1x8x128xf32, #tpu.memory_space<hbm>>
    %dma_wait3A_109 = tpu.memref_squeeze %dma_wait3A_108 : memref<1x1x8x128xf32, #tpu.memory_space<hbm>> -> memref<8x128xf32, #tpu.memory_space<hbm>>
    tpu.wait_dma2 semaphore(%arg20 : memref<!tpu.dma_semaphore, #tpu.memory_space<semaphore_mem>>) src(%arg13 : memref<8x128xf32, #tpu.memory_space<vmem>>) dst(%dma_wait3A_109 : memref<8x128xf32, #tpu.memory_space<hbm>>)
    %add3A_110 = arith.constant 120 : i32
    %add3A_111 = arith.addi %mul3A_32, %add3A_110 : i32
    %dma_wait3A_112 = arith.constant 2 : i32
    %dma_wait3A_113 = arith.constant 256 : i32
    %dma_wait3A_114 = tpu.memref_slice %arg4[%select_n3A, %dma_wait3A_112, %add3A_111, %dma_wait3A_113] : memref<8x3x512x512xf32, #tpu.memory_space<hbm>> -> memref<1x1x8x128xf32, #tpu.memory_space<hbm>>
    %dma_wait3A_115 = tpu.memref_squeeze %dma_wait3A_114 : memref<1x1x8x128xf32, #tpu.memory_space<hbm>> -> memref<8x128xf32, #tpu.memory_space<hbm>>
    %dma_wait3A_116 = arith.constant 256 : i32
    %dma_wait3A_117 = tpu.memref_slice %arg4[%select_n3A, %dma_wait3A_112, %add3A_111, %dma_wait3A_116] : memref<8x3x512x512xf32, #tpu.memory_space<hbm>> -> memref<1x1x8x128xf32, #tpu.memory_space<hbm>>
    %dma_wait3A_118 = tpu.memref_squeeze %dma_wait3A_117 : memref<1x1x8x128xf32, #tpu.memory_space<hbm>> -> memref<8x128xf32, #tpu.memory_space<hbm>>
    tpu.wait_dma2 semaphore(%arg20 : memref<!tpu.dma_semaphore, #tpu.memory_space<semaphore_mem>>) src(%arg14 : memref<8x128xf32, #tpu.memory_space<vmem>>) dst(%dma_wait3A_118 : memref<8x128xf32, #tpu.memory_space<hbm>>)
    %add3A_119 = arith.constant 120 : i32
    %add3A_120 = arith.addi %mul3A_32, %add3A_119 : i32
    %dma_wait3A_121 = arith.constant 0 : i32
    %dma_wait3A_122 = arith.constant 384 : i32
    %dma_wait3A_123 = tpu.memref_slice %arg4[%select_n3A, %dma_wait3A_121, %add3A_120, %dma_wait3A_122] : memref<8x3x512x512xf32, #tpu.memory_space<hbm>> -> memref<1x1x8x128xf32, #tpu.memory_space<hbm>>
    %dma_wait3A_124 = tpu.memref_squeeze %dma_wait3A_123 : memref<1x1x8x128xf32, #tpu.memory_space<hbm>> -> memref<8x128xf32, #tpu.memory_space<hbm>>
    %dma_wait3A_125 = arith.constant 384 : i32
    %dma_wait3A_126 = tpu.memref_slice %arg4[%select_n3A, %dma_wait3A_121, %add3A_120, %dma_wait3A_125] : memref<8x3x512x512xf32, #tpu.memory_space<hbm>> -> memref<1x1x8x128xf32, #tpu.memory_space<hbm>>
    %dma_wait3A_127 = tpu.memref_squeeze %dma_wait3A_126 : memref<1x1x8x128xf32, #tpu.memory_space<hbm>> -> memref<8x128xf32, #tpu.memory_space<hbm>>
    tpu.wait_dma2 semaphore(%arg21 : memref<!tpu.dma_semaphore, #tpu.memory_space<semaphore_mem>>) src(%arg15 : memref<8x128xf32, #tpu.memory_space<vmem>>) dst(%dma_wait3A_127 : memref<8x128xf32, #tpu.memory_space<hbm>>)
    %add3A_128 = arith.constant 120 : i32
    %add3A_129 = arith.addi %mul3A_32, %add3A_128 : i32
    %dma_wait3A_130 = arith.constant 1 : i32
    %dma_wait3A_131 = arith.constant 384 : i32
    %dma_wait3A_132 = tpu.memref_slice %arg4[%select_n3A, %dma_wait3A_130, %add3A_129, %dma_wait3A_131] : memref<8x3x512x512xf32, #tpu.memory_space<hbm>> -> memref<1x1x8x128xf32, #tpu.memory_space<hbm>>
    %dma_wait3A_133 = tpu.memref_squeeze %dma_wait3A_132 : memref<1x1x8x128xf32, #tpu.memory_space<hbm>> -> memref<8x128xf32, #tpu.memory_space<hbm>>
    %dma_wait3A_134 = arith.constant 384 : i32
    %dma_wait3A_135 = tpu.memref_slice %arg4[%select_n3A, %dma_wait3A_130, %add3A_129, %dma_wait3A_134] : memref<8x3x512x512xf32, #tpu.memory_space<hbm>> -> memref<1x1x8x128xf32, #tpu.memory_space<hbm>>
    %dma_wait3A_136 = tpu.memref_squeeze %dma_wait3A_135 : memref<1x1x8x128xf32, #tpu.memory_space<hbm>> -> memref<8x128xf32, #tpu.memory_space<hbm>>
    tpu.wait_dma2 semaphore(%arg21 : memref<!tpu.dma_semaphore, #tpu.memory_space<semaphore_mem>>) src(%arg16 : memref<8x128xf32, #tpu.memory_space<vmem>>) dst(%dma_wait3A_136 : memref<8x128xf32, #tpu.memory_space<hbm>>)
    %add3A_137 = arith.constant 120 : i32
    %add3A_138 = arith.addi %mul3A_32, %add3A_137 : i32
    %dma_wait3A_139 = arith.constant 2 : i32
    %dma_wait3A_140 = arith.constant 384 : i32
    %dma_wait3A_141 = tpu.memref_slice %arg4[%select_n3A, %dma_wait3A_139, %add3A_138, %dma_wait3A_140] : memref<8x3x512x512xf32, #tpu.memory_space<hbm>> -> memref<1x1x8x128xf32, #tpu.memory_space<hbm>>
    %dma_wait3A_142 = tpu.memref_squeeze %dma_wait3A_141 : memref<1x1x8x128xf32, #tpu.memory_space<hbm>> -> memref<8x128xf32, #tpu.memory_space<hbm>>
    %dma_wait3A_143 = arith.constant 384 : i32
    %dma_wait3A_144 = tpu.memref_slice %arg4[%select_n3A, %dma_wait3A_139, %add3A_138, %dma_wait3A_143] : memref<8x3x512x512xf32, #tpu.memory_space<hbm>> -> memref<1x1x8x128xf32, #tpu.memory_space<hbm>>
    %dma_wait3A_145 = tpu.memref_squeeze %dma_wait3A_144 : memref<1x1x8x128xf32, #tpu.memory_space<hbm>> -> memref<8x128xf32, #tpu.memory_space<hbm>>
    tpu.wait_dma2 semaphore(%arg21 : memref<!tpu.dma_semaphore, #tpu.memory_space<semaphore_mem>>) src(%arg17 : memref<8x128xf32, #tpu.memory_space<vmem>>) dst(%dma_wait3A_145 : memref<8x128xf32, #tpu.memory_space<hbm>>)
    return
  }
}

module attributes {stable_mosaic.version = 14 : i64} {
  func.func @_fuse_body(%arg0: i32, %arg1: memref<8x20xf32, #tpu.memory_space<vmem>>, %arg2: memref<33x20x33xf32, #tpu.memory_space<vmem>>, %arg3: memref<33x8x33xf32, #tpu.memory_space<vmem>>) attributes {dimension_semantics = [#tpu.dimension_semantics<arbitrary>], iteration_bounds = array<i64: 99>, scalar_prefetch = 0 : i64, scratch_operands = 0 : i64, tpu.core_type = #tpu.core_type<tc>, window_params = [{pipeline_mode = #tpu.pipeline_mode<synchronous>, transform_indices = @transform_0, window_bounds = array<i64: 8, 20>}, {transform_indices = @transform_1, window_bounds = array<i64: 33, 20, 33>}, {transform_indices = @transform_2, window_bounds = array<i64: 33, 8, 33>}]} {
    %get3A = arith.constant 0 : index
    %get3A_0 = arith.constant 0 : index
    %get3A_1 = vector.load %arg1[%get3A, %get3A_0] : memref<8x20xf32, #tpu.memory_space<vmem>>, vector<8x20xf32>
    %get3A_2 = arith.constant 0 : index
    %get3A_3 = arith.constant 0 : index
    %get3A_4 = arith.constant 0 : index
    %get3A_5 = vector.load %arg2[%get3A_2, %get3A_3, %get3A_4] : memref<33x20x33xf32, #tpu.memory_space<vmem>>, vector<1x20x33xf32>
    %get3A_6 = vector.shape_cast %get3A_5 : vector<1x20x33xf32> to vector<20x33xf32>
    %dot_general3A = arith.constant dense<0.000000e+00> : vector<8x33xf32>
    %dot_general3A_7 = tpu.matmul %get3A_1, %get3A_6, %dot_general3A {dimension_numbers = #tpu.dot_dimension_numbers<[1], [0], [0], [1], [0, 0, 1, 1], [], []>, transpose_lhs_hint = false} : vector<8x20xf32>, vector<20x33xf32>, vector<8x33xf32> -> vector<8x33xf32>
    %swap3A = arith.constant 0 : index
    %swap3A_8 = arith.constant 0 : index
    %swap3A_9 = arith.constant 0 : index
    %swap3A_10 = vector.load %arg3[%swap3A, %swap3A_8, %swap3A_9] : memref<33x8x33xf32, #tpu.memory_space<vmem>>, vector<1x8x33xf32>
    %swap3A_11 = vector.shape_cast %swap3A_10 : vector<1x8x33xf32> to vector<8x33xf32>
    %swap3A_12 = vector.shape_cast %dot_general3A_7 : vector<8x33xf32> to vector<1x8x33xf32>
    tpu.vector_store %arg3[%swap3A, %swap3A_8, %swap3A_9], %swap3A_12 {strides = array<i32>} : memref<33x8x33xf32, #tpu.memory_space<vmem>>, vector<1x8x33xf32>,
    %get3A_13 = arith.constant 1 : index
    %get3A_14 = arith.constant 0 : index
    %get3A_15 = arith.constant 0 : index
    %get3A_16 = vector.load %arg2[%get3A_13, %get3A_14, %get3A_15] : memref<33x20x33xf32, #tpu.memory_space<vmem>>, vector<1x20x33xf32>
    %get3A_17 = vector.shape_cast %get3A_16 : vector<1x20x33xf32> to vector<20x33xf32>
    %dot_general3A_18 = arith.constant dense<0.000000e+00> : vector<8x33xf32>
    %dot_general3A_19 = tpu.matmul %get3A_1, %get3A_17, %dot_general3A_18 {dimension_numbers = #tpu.dot_dimension_numbers<[1], [0], [0], [1], [0, 0, 1, 1], [], []>, transpose_lhs_hint = false} : vector<8x20xf32>, vector<20x33xf32>, vector<8x33xf32> -> vector<8x33xf32>
    %swap3A_20 = arith.constant 1 : index
    %swap3A_21 = arith.constant 0 : index
    %swap3A_22 = arith.constant 0 : index
    %swap3A_23 = vector.load %arg3[%swap3A_20, %swap3A_21, %swap3A_22] : memref<33x8x33xf32, #tpu.memory_space<vmem>>, vector<1x8x33xf32>
    %swap3A_24 = vector.shape_cast %swap3A_23 : vector<1x8x33xf32> to vector<8x33xf32>
    %swap3A_25 = vector.shape_cast %dot_general3A_19 : vector<8x33xf32> to vector<1x8x33xf32>
    tpu.vector_store %arg3[%swap3A_20, %swap3A_21, %swap3A_22], %swap3A_25 {strides = array<i32>} : memref<33x8x33xf32, #tpu.memory_space<vmem>>, vector<1x8x33xf32>,
    %get3A_26 = arith.constant 2 : index
    %get3A_27 = arith.constant 0 : index
    %get3A_28 = arith.constant 0 : index
    %get3A_29 = vector.load %arg2[%get3A_26, %get3A_27, %get3A_28] : memref<33x20x33xf32, #tpu.memory_space<vmem>>, vector<1x20x33xf32>
    %get3A_30 = vector.shape_cast %get3A_29 : vector<1x20x33xf32> to vector<20x33xf32>
    %dot_general3A_31 = arith.constant dense<0.000000e+00> : vector<8x33xf32>
    %dot_general3A_32 = tpu.matmul %get3A_1, %get3A_30, %dot_general3A_31 {dimension_numbers = #tpu.dot_dimension_numbers<[1], [0], [0], [1], [0, 0, 1, 1], [], []>, transpose_lhs_hint = false} : vector<8x20xf32>, vector<20x33xf32>, vector<8x33xf32> -> vector<8x33xf32>
    %swap3A_33 = arith.constant 2 : index
    %swap3A_34 = arith.constant 0 : index
    %swap3A_35 = arith.constant 0 : index
    %swap3A_36 = vector.load %arg3[%swap3A_33, %swap3A_34, %swap3A_35] : memref<33x8x33xf32, #tpu.memory_space<vmem>>, vector<1x8x33xf32>
    %swap3A_37 = vector.shape_cast %swap3A_36 : vector<1x8x33xf32> to vector<8x33xf32>
    %swap3A_38 = vector.shape_cast %dot_general3A_32 : vector<8x33xf32> to vector<1x8x33xf32>
    tpu.vector_store %arg3[%swap3A_33, %swap3A_34, %swap3A_35], %swap3A_38 {strides = array<i32>} : memref<33x8x33xf32, #tpu.memory_space<vmem>>, vector<1x8x33xf32>,
    %get3A_39 = arith.constant 3 : index
    %get3A_40 = arith.constant 0 : index
    %get3A_41 = arith.constant 0 : index
    %get3A_42 = vector.load %arg2[%get3A_39, %get3A_40, %get3A_41] : memref<33x20x33xf32, #tpu.memory_space<vmem>>, vector<1x20x33xf32>
    %get3A_43 = vector.shape_cast %get3A_42 : vector<1x20x33xf32> to vector<20x33xf32>
    %dot_general3A_44 = arith.constant dense<0.000000e+00> : vector<8x33xf32>
    %dot_general3A_45 = tpu.matmul %get3A_1, %get3A_43, %dot_general3A_44 {dimension_numbers = #tpu.dot_dimension_numbers<[1], [0], [0], [1], [0, 0, 1, 1], [], []>, transpose_lhs_hint = false} : vector<8x20xf32>, vector<20x33xf32>, vector<8x33xf32> -> vector<8x33xf32>
    %swap3A_46 = arith.constant 3 : index
    %swap3A_47 = arith.constant 0 : index
    %swap3A_48 = arith.constant 0 : index
    %swap3A_49 = vector.load %arg3[%swap3A_46, %swap3A_47, %swap3A_48] : memref<33x8x33xf32, #tpu.memory_space<vmem>>, vector<1x8x33xf32>
    %swap3A_50 = vector.shape_cast %swap3A_49 : vector<1x8x33xf32> to vector<8x33xf32>
    %swap3A_51 = vector.shape_cast %dot_general3A_45 : vector<8x33xf32> to vector<1x8x33xf32>
    tpu.vector_store %arg3[%swap3A_46, %swap3A_47, %swap3A_48], %swap3A_51 {strides = array<i32>} : memref<33x8x33xf32, #tpu.memory_space<vmem>>, vector<1x8x33xf32>,
    %get3A_52 = arith.constant 4 : index
    %get3A_53 = arith.constant 0 : index
    %get3A_54 = arith.constant 0 : index
    %get3A_55 = vector.load %arg2[%get3A_52, %get3A_53, %get3A_54] : memref<33x20x33xf32, #tpu.memory_space<vmem>>, vector<1x20x33xf32>
    %get3A_56 = vector.shape_cast %get3A_55 : vector<1x20x33xf32> to vector<20x33xf32>
    %dot_general3A_57 = arith.constant dense<0.000000e+00> : vector<8x33xf32>
    %dot_general3A_58 = tpu.matmul %get3A_1, %get3A_56, %dot_general3A_57 {dimension_numbers = #tpu.dot_dimension_numbers<[1], [0], [0], [1], [0, 0, 1, 1], [], []>, transpose_lhs_hint = false} : vector<8x20xf32>, vector<20x33xf32>, vector<8x33xf32> -> vector<8x33xf32>
    %swap3A_59 = arith.constant 4 : index
    %swap3A_60 = arith.constant 0 : index
    %swap3A_61 = arith.constant 0 : index
    %swap3A_62 = vector.load %arg3[%swap3A_59, %swap3A_60, %swap3A_61] : memref<33x8x33xf32, #tpu.memory_space<vmem>>, vector<1x8x33xf32>
    %swap3A_63 = vector.shape_cast %swap3A_62 : vector<1x8x33xf32> to vector<8x33xf32>
    %swap3A_64 = vector.shape_cast %dot_general3A_58 : vector<8x33xf32> to vector<1x8x33xf32>
    tpu.vector_store %arg3[%swap3A_59, %swap3A_60, %swap3A_61], %swap3A_64 {strides = array<i32>} : memref<33x8x33xf32, #tpu.memory_space<vmem>>, vector<1x8x33xf32>,
    %get3A_65 = arith.constant 5 : index
    %get3A_66 = arith.constant 0 : index
    %get3A_67 = arith.constant 0 : index
    %get3A_68 = vector.load %arg2[%get3A_65, %get3A_66, %get3A_67] : memref<33x20x33xf32, #tpu.memory_space<vmem>>, vector<1x20x33xf32>
    %get3A_69 = vector.shape_cast %get3A_68 : vector<1x20x33xf32> to vector<20x33xf32>
    %dot_general3A_70 = arith.constant dense<0.000000e+00> : vector<8x33xf32>
    %dot_general3A_71 = tpu.matmul %get3A_1, %get3A_69, %dot_general3A_70 {dimension_numbers = #tpu.dot_dimension_numbers<[1], [0], [0], [1], [0, 0, 1, 1], [], []>, transpose_lhs_hint = false} : vector<8x20xf32>, vector<20x33xf32>, vector<8x33xf32> -> vector<8x33xf32>
    %swap3A_72 = arith.constant 5 : index
    %swap3A_73 = arith.constant 0 : index
    %swap3A_74 = arith.constant 0 : index
    %swap3A_75 = vector.load %arg3[%swap3A_72, %swap3A_73, %swap3A_74] : memref<33x8x33xf32, #tpu.memory_space<vmem>>, vector<1x8x33xf32>
    %swap3A_76 = vector.shape_cast %swap3A_75 : vector<1x8x33xf32> to vector<8x33xf32>
    %swap3A_77 = vector.shape_cast %dot_general3A_71 : vector<8x33xf32> to vector<1x8x33xf32>
    tpu.vector_store %arg3[%swap3A_72, %swap3A_73, %swap3A_74], %swap3A_77 {strides = array<i32>} : memref<33x8x33xf32, #tpu.memory_space<vmem>>, vector<1x8x33xf32>,
    %get3A_78 = arith.constant 6 : index
    %get3A_79 = arith.constant 0 : index
    %get3A_80 = arith.constant 0 : index
    %get3A_81 = vector.load %arg2[%get3A_78, %get3A_79, %get3A_80] : memref<33x20x33xf32, #tpu.memory_space<vmem>>, vector<1x20x33xf32>
    %get3A_82 = vector.shape_cast %get3A_81 : vector<1x20x33xf32> to vector<20x33xf32>
    %dot_general3A_83 = arith.constant dense<0.000000e+00> : vector<8x33xf32>
    %dot_general3A_84 = tpu.matmul %get3A_1, %get3A_82, %dot_general3A_83 {dimension_numbers = #tpu.dot_dimension_numbers<[1], [0], [0], [1], [0, 0, 1, 1], [], []>, transpose_lhs_hint = false} : vector<8x20xf32>, vector<20x33xf32>, vector<8x33xf32> -> vector<8x33xf32>
    %swap3A_85 = arith.constant 6 : index
    %swap3A_86 = arith.constant 0 : index
    %swap3A_87 = arith.constant 0 : index
    %swap3A_88 = vector.load %arg3[%swap3A_85, %swap3A_86, %swap3A_87] : memref<33x8x33xf32, #tpu.memory_space<vmem>>, vector<1x8x33xf32>
    %swap3A_89 = vector.shape_cast %swap3A_88 : vector<1x8x33xf32> to vector<8x33xf32>
    %swap3A_90 = vector.shape_cast %dot_general3A_84 : vector<8x33xf32> to vector<1x8x33xf32>
    tpu.vector_store %arg3[%swap3A_85, %swap3A_86, %swap3A_87], %swap3A_90 {strides = array<i32>} : memref<33x8x33xf32, #tpu.memory_space<vmem>>, vector<1x8x33xf32>,
    %get3A_91 = arith.constant 7 : index
    %get3A_92 = arith.constant 0 : index
    %get3A_93 = arith.constant 0 : index
    %get3A_94 = vector.load %arg2[%get3A_91, %get3A_92, %get3A_93] : memref<33x20x33xf32, #tpu.memory_space<vmem>>, vector<1x20x33xf32>
    %get3A_95 = vector.shape_cast %get3A_94 : vector<1x20x33xf32> to vector<20x33xf32>
    %dot_general3A_96 = arith.constant dense<0.000000e+00> : vector<8x33xf32>
    %dot_general3A_97 = tpu.matmul %get3A_1, %get3A_95, %dot_general3A_96 {dimension_numbers = #tpu.dot_dimension_numbers<[1], [0], [0], [1], [0, 0, 1, 1], [], []>, transpose_lhs_hint = false} : vector<8x20xf32>, vector<20x33xf32>, vector<8x33xf32> -> vector<8x33xf32>
    %swap3A_98 = arith.constant 7 : index
    %swap3A_99 = arith.constant 0 : index
    %swap3A_100 = arith.constant 0 : index
    %swap3A_101 = vector.load %arg3[%swap3A_98, %swap3A_99, %swap3A_100] : memref<33x8x33xf32, #tpu.memory_space<vmem>>, vector<1x8x33xf32>
    %swap3A_102 = vector.shape_cast %swap3A_101 : vector<1x8x33xf32> to vector<8x33xf32>
    %swap3A_103 = vector.shape_cast %dot_general3A_97 : vector<8x33xf32> to vector<1x8x33xf32>
    tpu.vector_store %arg3[%swap3A_98, %swap3A_99, %swap3A_100], %swap3A_103 {strides = array<i32>} : memref<33x8x33xf32, #tpu.memory_space<vmem>>, vector<1x8x33xf32>,
    %get3A_104 = arith.constant 8 : index
    %get3A_105 = arith.constant 0 : index
    %get3A_106 = arith.constant 0 : index
    %get3A_107 = vector.load %arg2[%get3A_104, %get3A_105, %get3A_106] : memref<33x20x33xf32, #tpu.memory_space<vmem>>, vector<1x20x33xf32>
    %get3A_108 = vector.shape_cast %get3A_107 : vector<1x20x33xf32> to vector<20x33xf32>
    %dot_general3A_109 = arith.constant dense<0.000000e+00> : vector<8x33xf32>
    %dot_general3A_110 = tpu.matmul %get3A_1, %get3A_108, %dot_general3A_109 {dimension_numbers = #tpu.dot_dimension_numbers<[1], [0], [0], [1], [0, 0, 1, 1], [], []>, transpose_lhs_hint = false} : vector<8x20xf32>, vector<20x33xf32>, vector<8x33xf32> -> vector<8x33xf32>
    %swap3A_111 = arith.constant 8 : index
    %swap3A_112 = arith.constant 0 : index
    %swap3A_113 = arith.constant 0 : index
    %swap3A_114 = vector.load %arg3[%swap3A_111, %swap3A_112, %swap3A_113] : memref<33x8x33xf32, #tpu.memory_space<vmem>>, vector<1x8x33xf32>
    %swap3A_115 = vector.shape_cast %swap3A_114 : vector<1x8x33xf32> to vector<8x33xf32>
    %swap3A_116 = vector.shape_cast %dot_general3A_110 : vector<8x33xf32> to vector<1x8x33xf32>
    tpu.vector_store %arg3[%swap3A_111, %swap3A_112, %swap3A_113], %swap3A_116 {strides = array<i32>} : memref<33x8x33xf32, #tpu.memory_space<vmem>>, vector<1x8x33xf32>,
    %get3A_117 = arith.constant 9 : index
    %get3A_118 = arith.constant 0 : index
    %get3A_119 = arith.constant 0 : index
    %get3A_120 = vector.load %arg2[%get3A_117, %get3A_118, %get3A_119] : memref<33x20x33xf32, #tpu.memory_space<vmem>>, vector<1x20x33xf32>
    %get3A_121 = vector.shape_cast %get3A_120 : vector<1x20x33xf32> to vector<20x33xf32>
    %dot_general3A_122 = arith.constant dense<0.000000e+00> : vector<8x33xf32>
    %dot_general3A_123 = tpu.matmul %get3A_1, %get3A_121, %dot_general3A_122 {dimension_numbers = #tpu.dot_dimension_numbers<[1], [0], [0], [1], [0, 0, 1, 1], [], []>, transpose_lhs_hint = false} : vector<8x20xf32>, vector<20x33xf32>, vector<8x33xf32> -> vector<8x33xf32>
    %swap3A_124 = arith.constant 9 : index
    %swap3A_125 = arith.constant 0 : index
    %swap3A_126 = arith.constant 0 : index
    %swap3A_127 = vector.load %arg3[%swap3A_124, %swap3A_125, %swap3A_126] : memref<33x8x33xf32, #tpu.memory_space<vmem>>, vector<1x8x33xf32>
    %swap3A_128 = vector.shape_cast %swap3A_127 : vector<1x8x33xf32> to vector<8x33xf32>
    %swap3A_129 = vector.shape_cast %dot_general3A_123 : vector<8x33xf32> to vector<1x8x33xf32>
    tpu.vector_store %arg3[%swap3A_124, %swap3A_125, %swap3A_126], %swap3A_129 {strides = array<i32>} : memref<33x8x33xf32, #tpu.memory_space<vmem>>, vector<1x8x33xf32>,
    %get3A_130 = arith.constant 10 : index
    %get3A_131 = arith.constant 0 : index
    %get3A_132 = arith.constant 0 : index
    %get3A_133 = vector.load %arg2[%get3A_130, %get3A_131, %get3A_132] : memref<33x20x33xf32, #tpu.memory_space<vmem>>, vector<1x20x33xf32>
    %get3A_134 = vector.shape_cast %get3A_133 : vector<1x20x33xf32> to vector<20x33xf32>
    %dot_general3A_135 = arith.constant dense<0.000000e+00> : vector<8x33xf32>
    %dot_general3A_136 = tpu.matmul %get3A_1, %get3A_134, %dot_general3A_135 {dimension_numbers = #tpu.dot_dimension_numbers<[1], [0], [0], [1], [0, 0, 1, 1], [], []>, transpose_lhs_hint = false} : vector<8x20xf32>, vector<20x33xf32>, vector<8x33xf32> -> vector<8x33xf32>
    %swap3A_137 = arith.constant 10 : index
    %swap3A_138 = arith.constant 0 : index
    %swap3A_139 = arith.constant 0 : index
    %swap3A_140 = vector.load %arg3[%swap3A_137, %swap3A_138, %swap3A_139] : memref<33x8x33xf32, #tpu.memory_space<vmem>>, vector<1x8x33xf32>
    %swap3A_141 = vector.shape_cast %swap3A_140 : vector<1x8x33xf32> to vector<8x33xf32>
    %swap3A_142 = vector.shape_cast %dot_general3A_136 : vector<8x33xf32> to vector<1x8x33xf32>
    tpu.vector_store %arg3[%swap3A_137, %swap3A_138, %swap3A_139], %swap3A_142 {strides = array<i32>} : memref<33x8x33xf32, #tpu.memory_space<vmem>>, vector<1x8x33xf32>,
    %get3A_143 = arith.constant 11 : index
    %get3A_144 = arith.constant 0 : index
    %get3A_145 = arith.constant 0 : index
    %get3A_146 = vector.load %arg2[%get3A_143, %get3A_144, %get3A_145] : memref<33x20x33xf32, #tpu.memory_space<vmem>>, vector<1x20x33xf32>
    %get3A_147 = vector.shape_cast %get3A_146 : vector<1x20x33xf32> to vector<20x33xf32>
    %dot_general3A_148 = arith.constant dense<0.000000e+00> : vector<8x33xf32>
    %dot_general3A_149 = tpu.matmul %get3A_1, %get3A_147, %dot_general3A_148 {dimension_numbers = #tpu.dot_dimension_numbers<[1], [0], [0], [1], [0, 0, 1, 1], [], []>, transpose_lhs_hint = false} : vector<8x20xf32>, vector<20x33xf32>, vector<8x33xf32> -> vector<8x33xf32>
    %swap3A_150 = arith.constant 11 : index
    %swap3A_151 = arith.constant 0 : index
    %swap3A_152 = arith.constant 0 : index
    %swap3A_153 = vector.load %arg3[%swap3A_150, %swap3A_151, %swap3A_152] : memref<33x8x33xf32, #tpu.memory_space<vmem>>, vector<1x8x33xf32>
    %swap3A_154 = vector.shape_cast %swap3A_153 : vector<1x8x33xf32> to vector<8x33xf32>
    %swap3A_155 = vector.shape_cast %dot_general3A_149 : vector<8x33xf32> to vector<1x8x33xf32>
    tpu.vector_store %arg3[%swap3A_150, %swap3A_151, %swap3A_152], %swap3A_155 {strides = array<i32>} : memref<33x8x33xf32, #tpu.memory_space<vmem>>, vector<1x8x33xf32>,
    %get3A_156 = arith.constant 12 : index
    %get3A_157 = arith.constant 0 : index
    %get3A_158 = arith.constant 0 : index
    %get3A_159 = vector.load %arg2[%get3A_156, %get3A_157, %get3A_158] : memref<33x20x33xf32, #tpu.memory_space<vmem>>, vector<1x20x33xf32>
    %get3A_160 = vector.shape_cast %get3A_159 : vector<1x20x33xf32> to vector<20x33xf32>
    %dot_general3A_161 = arith.constant dense<0.000000e+00> : vector<8x33xf32>
    %dot_general3A_162 = tpu.matmul %get3A_1, %get3A_160, %dot_general3A_161 {dimension_numbers = #tpu.dot_dimension_numbers<[1], [0], [0], [1], [0, 0, 1, 1], [], []>, transpose_lhs_hint = false} : vector<8x20xf32>, vector<20x33xf32>, vector<8x33xf32> -> vector<8x33xf32>
    %swap3A_163 = arith.constant 12 : index
    %swap3A_164 = arith.constant 0 : index
    %swap3A_165 = arith.constant 0 : index
    %swap3A_166 = vector.load %arg3[%swap3A_163, %swap3A_164, %swap3A_165] : memref<33x8x33xf32, #tpu.memory_space<vmem>>, vector<1x8x33xf32>
    %swap3A_167 = vector.shape_cast %swap3A_166 : vector<1x8x33xf32> to vector<8x33xf32>
    %swap3A_168 = vector.shape_cast %dot_general3A_162 : vector<8x33xf32> to vector<1x8x33xf32>
    tpu.vector_store %arg3[%swap3A_163, %swap3A_164, %swap3A_165], %swap3A_168 {strides = array<i32>} : memref<33x8x33xf32, #tpu.memory_space<vmem>>, vector<1x8x33xf32>,
    %get3A_169 = arith.constant 13 : index
    %get3A_170 = arith.constant 0 : index
    %get3A_171 = arith.constant 0 : index
    %get3A_172 = vector.load %arg2[%get3A_169, %get3A_170, %get3A_171] : memref<33x20x33xf32, #tpu.memory_space<vmem>>, vector<1x20x33xf32>
    %get3A_173 = vector.shape_cast %get3A_172 : vector<1x20x33xf32> to vector<20x33xf32>
    %dot_general3A_174 = arith.constant dense<0.000000e+00> : vector<8x33xf32>
    %dot_general3A_175 = tpu.matmul %get3A_1, %get3A_173, %dot_general3A_174 {dimension_numbers = #tpu.dot_dimension_numbers<[1], [0], [0], [1], [0, 0, 1, 1], [], []>, transpose_lhs_hint = false} : vector<8x20xf32>, vector<20x33xf32>, vector<8x33xf32> -> vector<8x33xf32>
    %swap3A_176 = arith.constant 13 : index
    %swap3A_177 = arith.constant 0 : index
    %swap3A_178 = arith.constant 0 : index
    %swap3A_179 = vector.load %arg3[%swap3A_176, %swap3A_177, %swap3A_178] : memref<33x8x33xf32, #tpu.memory_space<vmem>>, vector<1x8x33xf32>
    %swap3A_180 = vector.shape_cast %swap3A_179 : vector<1x8x33xf32> to vector<8x33xf32>
    %swap3A_181 = vector.shape_cast %dot_general3A_175 : vector<8x33xf32> to vector<1x8x33xf32>
    tpu.vector_store %arg3[%swap3A_176, %swap3A_177, %swap3A_178], %swap3A_181 {strides = array<i32>} : memref<33x8x33xf32, #tpu.memory_space<vmem>>, vector<1x8x33xf32>,
    %get3A_182 = arith.constant 14 : index
    %get3A_183 = arith.constant 0 : index
    %get3A_184 = arith.constant 0 : index
    %get3A_185 = vector.load %arg2[%get3A_182, %get3A_183, %get3A_184] : memref<33x20x33xf32, #tpu.memory_space<vmem>>, vector<1x20x33xf32>
    %get3A_186 = vector.shape_cast %get3A_185 : vector<1x20x33xf32> to vector<20x33xf32>
    %dot_general3A_187 = arith.constant dense<0.000000e+00> : vector<8x33xf32>
    %dot_general3A_188 = tpu.matmul %get3A_1, %get3A_186, %dot_general3A_187 {dimension_numbers = #tpu.dot_dimension_numbers<[1], [0], [0], [1], [0, 0, 1, 1], [], []>, transpose_lhs_hint = false} : vector<8x20xf32>, vector<20x33xf32>, vector<8x33xf32> -> vector<8x33xf32>
    %swap3A_189 = arith.constant 14 : index
    %swap3A_190 = arith.constant 0 : index
    %swap3A_191 = arith.constant 0 : index
    %swap3A_192 = vector.load %arg3[%swap3A_189, %swap3A_190, %swap3A_191] : memref<33x8x33xf32, #tpu.memory_space<vmem>>, vector<1x8x33xf32>
    %swap3A_193 = vector.shape_cast %swap3A_192 : vector<1x8x33xf32> to vector<8x33xf32>
    %swap3A_194 = vector.shape_cast %dot_general3A_188 : vector<8x33xf32> to vector<1x8x33xf32>
    tpu.vector_store %arg3[%swap3A_189, %swap3A_190, %swap3A_191], %swap3A_194 {strides = array<i32>} : memref<33x8x33xf32, #tpu.memory_space<vmem>>, vector<1x8x33xf32>,
    %get3A_195 = arith.constant 15 : index
    %get3A_196 = arith.constant 0 : index
    %get3A_197 = arith.constant 0 : index
    %get3A_198 = vector.load %arg2[%get3A_195, %get3A_196, %get3A_197] : memref<33x20x33xf32, #tpu.memory_space<vmem>>, vector<1x20x33xf32>
    %get3A_199 = vector.shape_cast %get3A_198 : vector<1x20x33xf32> to vector<20x33xf32>
    %dot_general3A_200 = arith.constant dense<0.000000e+00> : vector<8x33xf32>
    %dot_general3A_201 = tpu.matmul %get3A_1, %get3A_199, %dot_general3A_200 {dimension_numbers = #tpu.dot_dimension_numbers<[1], [0], [0], [1], [0, 0, 1, 1], [], []>, transpose_lhs_hint = false} : vector<8x20xf32>, vector<20x33xf32>, vector<8x33xf32> -> vector<8x33xf32>
    %swap3A_202 = arith.constant 15 : index
    %swap3A_203 = arith.constant 0 : index
    %swap3A_204 = arith.constant 0 : index
    %swap3A_205 = vector.load %arg3[%swap3A_202, %swap3A_203, %swap3A_204] : memref<33x8x33xf32, #tpu.memory_space<vmem>>, vector<1x8x33xf32>
    %swap3A_206 = vector.shape_cast %swap3A_205 : vector<1x8x33xf32> to vector<8x33xf32>
    %swap3A_207 = vector.shape_cast %dot_general3A_201 : vector<8x33xf32> to vector<1x8x33xf32>
    tpu.vector_store %arg3[%swap3A_202, %swap3A_203, %swap3A_204], %swap3A_207 {strides = array<i32>} : memref<33x8x33xf32, #tpu.memory_space<vmem>>, vector<1x8x33xf32>,
    %get3A_208 = arith.constant 16 : index
    %get3A_209 = arith.constant 0 : index
    %get3A_210 = arith.constant 0 : index
    %get3A_211 = vector.load %arg2[%get3A_208, %get3A_209, %get3A_210] : memref<33x20x33xf32, #tpu.memory_space<vmem>>, vector<1x20x33xf32>
    %get3A_212 = vector.shape_cast %get3A_211 : vector<1x20x33xf32> to vector<20x33xf32>
    %dot_general3A_213 = arith.constant dense<0.000000e+00> : vector<8x33xf32>
    %dot_general3A_214 = tpu.matmul %get3A_1, %get3A_212, %dot_general3A_213 {dimension_numbers = #tpu.dot_dimension_numbers<[1], [0], [0], [1], [0, 0, 1, 1], [], []>, transpose_lhs_hint = false} : vector<8x20xf32>, vector<20x33xf32>, vector<8x33xf32> -> vector<8x33xf32>
    %swap3A_215 = arith.constant 16 : index
    %swap3A_216 = arith.constant 0 : index
    %swap3A_217 = arith.constant 0 : index
    %swap3A_218 = vector.load %arg3[%swap3A_215, %swap3A_216, %swap3A_217] : memref<33x8x33xf32, #tpu.memory_space<vmem>>, vector<1x8x33xf32>
    %swap3A_219 = vector.shape_cast %swap3A_218 : vector<1x8x33xf32> to vector<8x33xf32>
    %swap3A_220 = vector.shape_cast %dot_general3A_214 : vector<8x33xf32> to vector<1x8x33xf32>
    tpu.vector_store %arg3[%swap3A_215, %swap3A_216, %swap3A_217], %swap3A_220 {strides = array<i32>} : memref<33x8x33xf32, #tpu.memory_space<vmem>>, vector<1x8x33xf32>,
    %get3A_221 = arith.constant 17 : index
    %get3A_222 = arith.constant 0 : index
    %get3A_223 = arith.constant 0 : index
    %get3A_224 = vector.load %arg2[%get3A_221, %get3A_222, %get3A_223] : memref<33x20x33xf32, #tpu.memory_space<vmem>>, vector<1x20x33xf32>
    %get3A_225 = vector.shape_cast %get3A_224 : vector<1x20x33xf32> to vector<20x33xf32>
    %dot_general3A_226 = arith.constant dense<0.000000e+00> : vector<8x33xf32>
    %dot_general3A_227 = tpu.matmul %get3A_1, %get3A_225, %dot_general3A_226 {dimension_numbers = #tpu.dot_dimension_numbers<[1], [0], [0], [1], [0, 0, 1, 1], [], []>, transpose_lhs_hint = false} : vector<8x20xf32>, vector<20x33xf32>, vector<8x33xf32> -> vector<8x33xf32>
    %swap3A_228 = arith.constant 17 : index
    %swap3A_229 = arith.constant 0 : index
    %swap3A_230 = arith.constant 0 : index
    %swap3A_231 = vector.load %arg3[%swap3A_228, %swap3A_229, %swap3A_230] : memref<33x8x33xf32, #tpu.memory_space<vmem>>, vector<1x8x33xf32>
    %swap3A_232 = vector.shape_cast %swap3A_231 : vector<1x8x33xf32> to vector<8x33xf32>
    %swap3A_233 = vector.shape_cast %dot_general3A_227 : vector<8x33xf32> to vector<1x8x33xf32>
    tpu.vector_store %arg3[%swap3A_228, %swap3A_229, %swap3A_230], %swap3A_233 {strides = array<i32>} : memref<33x8x33xf32, #tpu.memory_space<vmem>>, vector<1x8x33xf32>,
    %get3A_234 = arith.constant 18 : index
    %get3A_235 = arith.constant 0 : index
    %get3A_236 = arith.constant 0 : index
    %get3A_237 = vector.load %arg2[%get3A_234, %get3A_235, %get3A_236] : memref<33x20x33xf32, #tpu.memory_space<vmem>>, vector<1x20x33xf32>
    %get3A_238 = vector.shape_cast %get3A_237 : vector<1x20x33xf32> to vector<20x33xf32>
    %dot_general3A_239 = arith.constant dense<0.000000e+00> : vector<8x33xf32>
    %dot_general3A_240 = tpu.matmul %get3A_1, %get3A_238, %dot_general3A_239 {dimension_numbers = #tpu.dot_dimension_numbers<[1], [0], [0], [1], [0, 0, 1, 1], [], []>, transpose_lhs_hint = false} : vector<8x20xf32>, vector<20x33xf32>, vector<8x33xf32> -> vector<8x33xf32>
    %swap3A_241 = arith.constant 18 : index
    %swap3A_242 = arith.constant 0 : index
    %swap3A_243 = arith.constant 0 : index
    %swap3A_244 = vector.load %arg3[%swap3A_241, %swap3A_242, %swap3A_243] : memref<33x8x33xf32, #tpu.memory_space<vmem>>, vector<1x8x33xf32>
    %swap3A_245 = vector.shape_cast %swap3A_244 : vector<1x8x33xf32> to vector<8x33xf32>
    %swap3A_246 = vector.shape_cast %dot_general3A_240 : vector<8x33xf32> to vector<1x8x33xf32>
    tpu.vector_store %arg3[%swap3A_241, %swap3A_242, %swap3A_243], %swap3A_246 {strides = array<i32>} : memref<33x8x33xf32, #tpu.memory_space<vmem>>, vector<1x8x33xf32>,
    %get3A_247 = arith.constant 19 : index
    %get3A_248 = arith.constant 0 : index
    %get3A_249 = arith.constant 0 : index
    %get3A_250 = vector.load %arg2[%get3A_247, %get3A_248, %get3A_249] : memref<33x20x33xf32, #tpu.memory_space<vmem>>, vector<1x20x33xf32>
    %get3A_251 = vector.shape_cast %get3A_250 : vector<1x20x33xf32> to vector<20x33xf32>
    %dot_general3A_252 = arith.constant dense<0.000000e+00> : vector<8x33xf32>
    %dot_general3A_253 = tpu.matmul %get3A_1, %get3A_251, %dot_general3A_252 {dimension_numbers = #tpu.dot_dimension_numbers<[1], [0], [0], [1], [0, 0, 1, 1], [], []>, transpose_lhs_hint = false} : vector<8x20xf32>, vector<20x33xf32>, vector<8x33xf32> -> vector<8x33xf32>
    %swap3A_254 = arith.constant 19 : index
    %swap3A_255 = arith.constant 0 : index
    %swap3A_256 = arith.constant 0 : index
    %swap3A_257 = vector.load %arg3[%swap3A_254, %swap3A_255, %swap3A_256] : memref<33x8x33xf32, #tpu.memory_space<vmem>>, vector<1x8x33xf32>
    %swap3A_258 = vector.shape_cast %swap3A_257 : vector<1x8x33xf32> to vector<8x33xf32>
    %swap3A_259 = vector.shape_cast %dot_general3A_253 : vector<8x33xf32> to vector<1x8x33xf32>
    tpu.vector_store %arg3[%swap3A_254, %swap3A_255, %swap3A_256], %swap3A_259 {strides = array<i32>} : memref<33x8x33xf32, #tpu.memory_space<vmem>>, vector<1x8x33xf32>,
    %get3A_260 = arith.constant 20 : index
    %get3A_261 = arith.constant 0 : index
    %get3A_262 = arith.constant 0 : index
    %get3A_263 = vector.load %arg2[%get3A_260, %get3A_261, %get3A_262] : memref<33x20x33xf32, #tpu.memory_space<vmem>>, vector<1x20x33xf32>
    %get3A_264 = vector.shape_cast %get3A_263 : vector<1x20x33xf32> to vector<20x33xf32>
    %dot_general3A_265 = arith.constant dense<0.000000e+00> : vector<8x33xf32>
    %dot_general3A_266 = tpu.matmul %get3A_1, %get3A_264, %dot_general3A_265 {dimension_numbers = #tpu.dot_dimension_numbers<[1], [0], [0], [1], [0, 0, 1, 1], [], []>, transpose_lhs_hint = false} : vector<8x20xf32>, vector<20x33xf32>, vector<8x33xf32> -> vector<8x33xf32>
    %swap3A_267 = arith.constant 20 : index
    %swap3A_268 = arith.constant 0 : index
    %swap3A_269 = arith.constant 0 : index
    %swap3A_270 = vector.load %arg3[%swap3A_267, %swap3A_268, %swap3A_269] : memref<33x8x33xf32, #tpu.memory_space<vmem>>, vector<1x8x33xf32>
    %swap3A_271 = vector.shape_cast %swap3A_270 : vector<1x8x33xf32> to vector<8x33xf32>
    %swap3A_272 = vector.shape_cast %dot_general3A_266 : vector<8x33xf32> to vector<1x8x33xf32>
    tpu.vector_store %arg3[%swap3A_267, %swap3A_268, %swap3A_269], %swap3A_272 {strides = array<i32>} : memref<33x8x33xf32, #tpu.memory_space<vmem>>, vector<1x8x33xf32>,
    %get3A_273 = arith.constant 21 : index
    %get3A_274 = arith.constant 0 : index
    %get3A_275 = arith.constant 0 : index
    %get3A_276 = vector.load %arg2[%get3A_273, %get3A_274, %get3A_275] : memref<33x20x33xf32, #tpu.memory_space<vmem>>, vector<1x20x33xf32>
    %get3A_277 = vector.shape_cast %get3A_276 : vector<1x20x33xf32> to vector<20x33xf32>
    %dot_general3A_278 = arith.constant dense<0.000000e+00> : vector<8x33xf32>
    %dot_general3A_279 = tpu.matmul %get3A_1, %get3A_277, %dot_general3A_278 {dimension_numbers = #tpu.dot_dimension_numbers<[1], [0], [0], [1], [0, 0, 1, 1], [], []>, transpose_lhs_hint = false} : vector<8x20xf32>, vector<20x33xf32>, vector<8x33xf32> -> vector<8x33xf32>
    %swap3A_280 = arith.constant 21 : index
    %swap3A_281 = arith.constant 0 : index
    %swap3A_282 = arith.constant 0 : index
    %swap3A_283 = vector.load %arg3[%swap3A_280, %swap3A_281, %swap3A_282] : memref<33x8x33xf32, #tpu.memory_space<vmem>>, vector<1x8x33xf32>
    %swap3A_284 = vector.shape_cast %swap3A_283 : vector<1x8x33xf32> to vector<8x33xf32>
    %swap3A_285 = vector.shape_cast %dot_general3A_279 : vector<8x33xf32> to vector<1x8x33xf32>
    tpu.vector_store %arg3[%swap3A_280, %swap3A_281, %swap3A_282], %swap3A_285 {strides = array<i32>} : memref<33x8x33xf32, #tpu.memory_space<vmem>>, vector<1x8x33xf32>,
    %get3A_286 = arith.constant 22 : index
    %get3A_287 = arith.constant 0 : index
    %get3A_288 = arith.constant 0 : index
    %get3A_289 = vector.load %arg2[%get3A_286, %get3A_287, %get3A_288] : memref<33x20x33xf32, #tpu.memory_space<vmem>>, vector<1x20x33xf32>
    %get3A_290 = vector.shape_cast %get3A_289 : vector<1x20x33xf32> to vector<20x33xf32>
    %dot_general3A_291 = arith.constant dense<0.000000e+00> : vector<8x33xf32>
    %dot_general3A_292 = tpu.matmul %get3A_1, %get3A_290, %dot_general3A_291 {dimension_numbers = #tpu.dot_dimension_numbers<[1], [0], [0], [1], [0, 0, 1, 1], [], []>, transpose_lhs_hint = false} : vector<8x20xf32>, vector<20x33xf32>, vector<8x33xf32> -> vector<8x33xf32>
    %swap3A_293 = arith.constant 22 : index
    %swap3A_294 = arith.constant 0 : index
    %swap3A_295 = arith.constant 0 : index
    %swap3A_296 = vector.load %arg3[%swap3A_293, %swap3A_294, %swap3A_295] : memref<33x8x33xf32, #tpu.memory_space<vmem>>, vector<1x8x33xf32>
    %swap3A_297 = vector.shape_cast %swap3A_296 : vector<1x8x33xf32> to vector<8x33xf32>
    %swap3A_298 = vector.shape_cast %dot_general3A_292 : vector<8x33xf32> to vector<1x8x33xf32>
    tpu.vector_store %arg3[%swap3A_293, %swap3A_294, %swap3A_295], %swap3A_298 {strides = array<i32>} : memref<33x8x33xf32, #tpu.memory_space<vmem>>, vector<1x8x33xf32>,
    %get3A_299 = arith.constant 23 : index
    %get3A_300 = arith.constant 0 : index
    %get3A_301 = arith.constant 0 : index
    %get3A_302 = vector.load %arg2[%get3A_299, %get3A_300, %get3A_301] : memref<33x20x33xf32, #tpu.memory_space<vmem>>, vector<1x20x33xf32>
    %get3A_303 = vector.shape_cast %get3A_302 : vector<1x20x33xf32> to vector<20x33xf32>
    %dot_general3A_304 = arith.constant dense<0.000000e+00> : vector<8x33xf32>
    %dot_general3A_305 = tpu.matmul %get3A_1, %get3A_303, %dot_general3A_304 {dimension_numbers = #tpu.dot_dimension_numbers<[1], [0], [0], [1], [0, 0, 1, 1], [], []>, transpose_lhs_hint = false} : vector<8x20xf32>, vector<20x33xf32>, vector<8x33xf32> -> vector<8x33xf32>
    %swap3A_306 = arith.constant 23 : index
    %swap3A_307 = arith.constant 0 : index
    %swap3A_308 = arith.constant 0 : index
    %swap3A_309 = vector.load %arg3[%swap3A_306, %swap3A_307, %swap3A_308] : memref<33x8x33xf32, #tpu.memory_space<vmem>>, vector<1x8x33xf32>
    %swap3A_310 = vector.shape_cast %swap3A_309 : vector<1x8x33xf32> to vector<8x33xf32>
    %swap3A_311 = vector.shape_cast %dot_general3A_305 : vector<8x33xf32> to vector<1x8x33xf32>
    tpu.vector_store %arg3[%swap3A_306, %swap3A_307, %swap3A_308], %swap3A_311 {strides = array<i32>} : memref<33x8x33xf32, #tpu.memory_space<vmem>>, vector<1x8x33xf32>,
    %get3A_312 = arith.constant 24 : index
    %get3A_313 = arith.constant 0 : index
    %get3A_314 = arith.constant 0 : index
    %get3A_315 = vector.load %arg2[%get3A_312, %get3A_313, %get3A_314] : memref<33x20x33xf32, #tpu.memory_space<vmem>>, vector<1x20x33xf32>
    %get3A_316 = vector.shape_cast %get3A_315 : vector<1x20x33xf32> to vector<20x33xf32>
    %dot_general3A_317 = arith.constant dense<0.000000e+00> : vector<8x33xf32>
    %dot_general3A_318 = tpu.matmul %get3A_1, %get3A_316, %dot_general3A_317 {dimension_numbers = #tpu.dot_dimension_numbers<[1], [0], [0], [1], [0, 0, 1, 1], [], []>, transpose_lhs_hint = false} : vector<8x20xf32>, vector<20x33xf32>, vector<8x33xf32> -> vector<8x33xf32>
    %swap3A_319 = arith.constant 24 : index
    %swap3A_320 = arith.constant 0 : index
    %swap3A_321 = arith.constant 0 : index
    %swap3A_322 = vector.load %arg3[%swap3A_319, %swap3A_320, %swap3A_321] : memref<33x8x33xf32, #tpu.memory_space<vmem>>, vector<1x8x33xf32>
    %swap3A_323 = vector.shape_cast %swap3A_322 : vector<1x8x33xf32> to vector<8x33xf32>
    %swap3A_324 = vector.shape_cast %dot_general3A_318 : vector<8x33xf32> to vector<1x8x33xf32>
    tpu.vector_store %arg3[%swap3A_319, %swap3A_320, %swap3A_321], %swap3A_324 {strides = array<i32>} : memref<33x8x33xf32, #tpu.memory_space<vmem>>, vector<1x8x33xf32>,
    %get3A_325 = arith.constant 25 : index
    %get3A_326 = arith.constant 0 : index
    %get3A_327 = arith.constant 0 : index
    %get3A_328 = vector.load %arg2[%get3A_325, %get3A_326, %get3A_327] : memref<33x20x33xf32, #tpu.memory_space<vmem>>, vector<1x20x33xf32>
    %get3A_329 = vector.shape_cast %get3A_328 : vector<1x20x33xf32> to vector<20x33xf32>
    %dot_general3A_330 = arith.constant dense<0.000000e+00> : vector<8x33xf32>
    %dot_general3A_331 = tpu.matmul %get3A_1, %get3A_329, %dot_general3A_330 {dimension_numbers = #tpu.dot_dimension_numbers<[1], [0], [0], [1], [0, 0, 1, 1], [], []>, transpose_lhs_hint = false} : vector<8x20xf32>, vector<20x33xf32>, vector<8x33xf32> -> vector<8x33xf32>
    %swap3A_332 = arith.constant 25 : index
    %swap3A_333 = arith.constant 0 : index
    %swap3A_334 = arith.constant 0 : index
    %swap3A_335 = vector.load %arg3[%swap3A_332, %swap3A_333, %swap3A_334] : memref<33x8x33xf32, #tpu.memory_space<vmem>>, vector<1x8x33xf32>
    %swap3A_336 = vector.shape_cast %swap3A_335 : vector<1x8x33xf32> to vector<8x33xf32>
    %swap3A_337 = vector.shape_cast %dot_general3A_331 : vector<8x33xf32> to vector<1x8x33xf32>
    tpu.vector_store %arg3[%swap3A_332, %swap3A_333, %swap3A_334], %swap3A_337 {strides = array<i32>} : memref<33x8x33xf32, #tpu.memory_space<vmem>>, vector<1x8x33xf32>,
    %get3A_338 = arith.constant 26 : index
    %get3A_339 = arith.constant 0 : index
    %get3A_340 = arith.constant 0 : index
    %get3A_341 = vector.load %arg2[%get3A_338, %get3A_339, %get3A_340] : memref<33x20x33xf32, #tpu.memory_space<vmem>>, vector<1x20x33xf32>
    %get3A_342 = vector.shape_cast %get3A_341 : vector<1x20x33xf32> to vector<20x33xf32>
    %dot_general3A_343 = arith.constant dense<0.000000e+00> : vector<8x33xf32>
    %dot_general3A_344 = tpu.matmul %get3A_1, %get3A_342, %dot_general3A_343 {dimension_numbers = #tpu.dot_dimension_numbers<[1], [0], [0], [1], [0, 0, 1, 1], [], []>, transpose_lhs_hint = false} : vector<8x20xf32>, vector<20x33xf32>, vector<8x33xf32> -> vector<8x33xf32>
    %swap3A_345 = arith.constant 26 : index
    %swap3A_346 = arith.constant 0 : index
    %swap3A_347 = arith.constant 0 : index
    %swap3A_348 = vector.load %arg3[%swap3A_345, %swap3A_346, %swap3A_347] : memref<33x8x33xf32, #tpu.memory_space<vmem>>, vector<1x8x33xf32>
    %swap3A_349 = vector.shape_cast %swap3A_348 : vector<1x8x33xf32> to vector<8x33xf32>
    %swap3A_350 = vector.shape_cast %dot_general3A_344 : vector<8x33xf32> to vector<1x8x33xf32>
    tpu.vector_store %arg3[%swap3A_345, %swap3A_346, %swap3A_347], %swap3A_350 {strides = array<i32>} : memref<33x8x33xf32, #tpu.memory_space<vmem>>, vector<1x8x33xf32>,
    %get3A_351 = arith.constant 27 : index
    %get3A_352 = arith.constant 0 : index
    %get3A_353 = arith.constant 0 : index
    %get3A_354 = vector.load %arg2[%get3A_351, %get3A_352, %get3A_353] : memref<33x20x33xf32, #tpu.memory_space<vmem>>, vector<1x20x33xf32>
    %get3A_355 = vector.shape_cast %get3A_354 : vector<1x20x33xf32> to vector<20x33xf32>
    %dot_general3A_356 = arith.constant dense<0.000000e+00> : vector<8x33xf32>
    %dot_general3A_357 = tpu.matmul %get3A_1, %get3A_355, %dot_general3A_356 {dimension_numbers = #tpu.dot_dimension_numbers<[1], [0], [0], [1], [0, 0, 1, 1], [], []>, transpose_lhs_hint = false} : vector<8x20xf32>, vector<20x33xf32>, vector<8x33xf32> -> vector<8x33xf32>
    %swap3A_358 = arith.constant 27 : index
    %swap3A_359 = arith.constant 0 : index
    %swap3A_360 = arith.constant 0 : index
    %swap3A_361 = vector.load %arg3[%swap3A_358, %swap3A_359, %swap3A_360] : memref<33x8x33xf32, #tpu.memory_space<vmem>>, vector<1x8x33xf32>
    %swap3A_362 = vector.shape_cast %swap3A_361 : vector<1x8x33xf32> to vector<8x33xf32>
    %swap3A_363 = vector.shape_cast %dot_general3A_357 : vector<8x33xf32> to vector<1x8x33xf32>
    tpu.vector_store %arg3[%swap3A_358, %swap3A_359, %swap3A_360], %swap3A_363 {strides = array<i32>} : memref<33x8x33xf32, #tpu.memory_space<vmem>>, vector<1x8x33xf32>,
    %get3A_364 = arith.constant 28 : index
    %get3A_365 = arith.constant 0 : index
    %get3A_366 = arith.constant 0 : index
    %get3A_367 = vector.load %arg2[%get3A_364, %get3A_365, %get3A_366] : memref<33x20x33xf32, #tpu.memory_space<vmem>>, vector<1x20x33xf32>
    %get3A_368 = vector.shape_cast %get3A_367 : vector<1x20x33xf32> to vector<20x33xf32>
    %dot_general3A_369 = arith.constant dense<0.000000e+00> : vector<8x33xf32>
    %dot_general3A_370 = tpu.matmul %get3A_1, %get3A_368, %dot_general3A_369 {dimension_numbers = #tpu.dot_dimension_numbers<[1], [0], [0], [1], [0, 0, 1, 1], [], []>, transpose_lhs_hint = false} : vector<8x20xf32>, vector<20x33xf32>, vector<8x33xf32> -> vector<8x33xf32>
    %swap3A_371 = arith.constant 28 : index
    %swap3A_372 = arith.constant 0 : index
    %swap3A_373 = arith.constant 0 : index
    %swap3A_374 = vector.load %arg3[%swap3A_371, %swap3A_372, %swap3A_373] : memref<33x8x33xf32, #tpu.memory_space<vmem>>, vector<1x8x33xf32>
    %swap3A_375 = vector.shape_cast %swap3A_374 : vector<1x8x33xf32> to vector<8x33xf32>
    %swap3A_376 = vector.shape_cast %dot_general3A_370 : vector<8x33xf32> to vector<1x8x33xf32>
    tpu.vector_store %arg3[%swap3A_371, %swap3A_372, %swap3A_373], %swap3A_376 {strides = array<i32>} : memref<33x8x33xf32, #tpu.memory_space<vmem>>, vector<1x8x33xf32>,
    %get3A_377 = arith.constant 29 : index
    %get3A_378 = arith.constant 0 : index
    %get3A_379 = arith.constant 0 : index
    %get3A_380 = vector.load %arg2[%get3A_377, %get3A_378, %get3A_379] : memref<33x20x33xf32, #tpu.memory_space<vmem>>, vector<1x20x33xf32>
    %get3A_381 = vector.shape_cast %get3A_380 : vector<1x20x33xf32> to vector<20x33xf32>
    %dot_general3A_382 = arith.constant dense<0.000000e+00> : vector<8x33xf32>
    %dot_general3A_383 = tpu.matmul %get3A_1, %get3A_381, %dot_general3A_382 {dimension_numbers = #tpu.dot_dimension_numbers<[1], [0], [0], [1], [0, 0, 1, 1], [], []>, transpose_lhs_hint = false} : vector<8x20xf32>, vector<20x33xf32>, vector<8x33xf32> -> vector<8x33xf32>
    %swap3A_384 = arith.constant 29 : index
    %swap3A_385 = arith.constant 0 : index
    %swap3A_386 = arith.constant 0 : index
    %swap3A_387 = vector.load %arg3[%swap3A_384, %swap3A_385, %swap3A_386] : memref<33x8x33xf32, #tpu.memory_space<vmem>>, vector<1x8x33xf32>
    %swap3A_388 = vector.shape_cast %swap3A_387 : vector<1x8x33xf32> to vector<8x33xf32>
    %swap3A_389 = vector.shape_cast %dot_general3A_383 : vector<8x33xf32> to vector<1x8x33xf32>
    tpu.vector_store %arg3[%swap3A_384, %swap3A_385, %swap3A_386], %swap3A_389 {strides = array<i32>} : memref<33x8x33xf32, #tpu.memory_space<vmem>>, vector<1x8x33xf32>,
    %get3A_390 = arith.constant 30 : index
    %get3A_391 = arith.constant 0 : index
    %get3A_392 = arith.constant 0 : index
    %get3A_393 = vector.load %arg2[%get3A_390, %get3A_391, %get3A_392] : memref<33x20x33xf32, #tpu.memory_space<vmem>>, vector<1x20x33xf32>
    %get3A_394 = vector.shape_cast %get3A_393 : vector<1x20x33xf32> to vector<20x33xf32>
    %dot_general3A_395 = arith.constant dense<0.000000e+00> : vector<8x33xf32>
    %dot_general3A_396 = tpu.matmul %get3A_1, %get3A_394, %dot_general3A_395 {dimension_numbers = #tpu.dot_dimension_numbers<[1], [0], [0], [1], [0, 0, 1, 1], [], []>, transpose_lhs_hint = false} : vector<8x20xf32>, vector<20x33xf32>, vector<8x33xf32> -> vector<8x33xf32>
    %swap3A_397 = arith.constant 30 : index
    %swap3A_398 = arith.constant 0 : index
    %swap3A_399 = arith.constant 0 : index
    %swap3A_400 = vector.load %arg3[%swap3A_397, %swap3A_398, %swap3A_399] : memref<33x8x33xf32, #tpu.memory_space<vmem>>, vector<1x8x33xf32>
    %swap3A_401 = vector.shape_cast %swap3A_400 : vector<1x8x33xf32> to vector<8x33xf32>
    %swap3A_402 = vector.shape_cast %dot_general3A_396 : vector<8x33xf32> to vector<1x8x33xf32>
    tpu.vector_store %arg3[%swap3A_397, %swap3A_398, %swap3A_399], %swap3A_402 {strides = array<i32>} : memref<33x8x33xf32, #tpu.memory_space<vmem>>, vector<1x8x33xf32>,
    %get3A_403 = arith.constant 31 : index
    %get3A_404 = arith.constant 0 : index
    %get3A_405 = arith.constant 0 : index
    %get3A_406 = vector.load %arg2[%get3A_403, %get3A_404, %get3A_405] : memref<33x20x33xf32, #tpu.memory_space<vmem>>, vector<1x20x33xf32>
    %get3A_407 = vector.shape_cast %get3A_406 : vector<1x20x33xf32> to vector<20x33xf32>
    %dot_general3A_408 = arith.constant dense<0.000000e+00> : vector<8x33xf32>
    %dot_general3A_409 = tpu.matmul %get3A_1, %get3A_407, %dot_general3A_408 {dimension_numbers = #tpu.dot_dimension_numbers<[1], [0], [0], [1], [0, 0, 1, 1], [], []>, transpose_lhs_hint = false} : vector<8x20xf32>, vector<20x33xf32>, vector<8x33xf32> -> vector<8x33xf32>
    %swap3A_410 = arith.constant 31 : index
    %swap3A_411 = arith.constant 0 : index
    %swap3A_412 = arith.constant 0 : index
    %swap3A_413 = vector.load %arg3[%swap3A_410, %swap3A_411, %swap3A_412] : memref<33x8x33xf32, #tpu.memory_space<vmem>>, vector<1x8x33xf32>
    %swap3A_414 = vector.shape_cast %swap3A_413 : vector<1x8x33xf32> to vector<8x33xf32>
    %swap3A_415 = vector.shape_cast %dot_general3A_409 : vector<8x33xf32> to vector<1x8x33xf32>
    tpu.vector_store %arg3[%swap3A_410, %swap3A_411, %swap3A_412], %swap3A_415 {strides = array<i32>} : memref<33x8x33xf32, #tpu.memory_space<vmem>>, vector<1x8x33xf32>,
    %get3A_416 = arith.constant 32 : index
    %get3A_417 = arith.constant 0 : index
    %get3A_418 = arith.constant 0 : index
    %get3A_419 = vector.load %arg2[%get3A_416, %get3A_417, %get3A_418] : memref<33x20x33xf32, #tpu.memory_space<vmem>>, vector<1x20x33xf32>
    %get3A_420 = vector.shape_cast %get3A_419 : vector<1x20x33xf32> to vector<20x33xf32>
    %dot_general3A_421 = arith.constant dense<0.000000e+00> : vector<8x33xf32>
    %dot_general3A_422 = tpu.matmul %get3A_1, %get3A_420, %dot_general3A_421 {dimension_numbers = #tpu.dot_dimension_numbers<[1], [0], [0], [1], [0, 0, 1, 1], [], []>, transpose_lhs_hint = false} : vector<8x20xf32>, vector<20x33xf32>, vector<8x33xf32> -> vector<8x33xf32>
    %swap3A_423 = arith.constant 32 : index
    %swap3A_424 = arith.constant 0 : index
    %swap3A_425 = arith.constant 0 : index
    %swap3A_426 = vector.load %arg3[%swap3A_423, %swap3A_424, %swap3A_425] : memref<33x8x33xf32, #tpu.memory_space<vmem>>, vector<1x8x33xf32>
    %swap3A_427 = vector.shape_cast %swap3A_426 : vector<1x8x33xf32> to vector<8x33xf32>
    %swap3A_428 = vector.shape_cast %dot_general3A_422 : vector<8x33xf32> to vector<1x8x33xf32>
    tpu.vector_store %arg3[%swap3A_423, %swap3A_424, %swap3A_425], %swap3A_428 {strides = array<i32>} : memref<33x8x33xf32, #tpu.memory_space<vmem>>, vector<1x8x33xf32>,
    return
  }
  func.func @transform_0(%arg0: i32) -> (i32, i32) {
    %c0_i32 = arith.constant 0 : i32
    %c0_i32_0 = arith.constant 0 : i32
    %c0_i32_1 = arith.constant 0 : i32
    return %c0_i32, %c0_i32_0 : i32, i32
  }
  func.func @transform_1(%arg0: i32) -> (i32, i32, i32) {
    %c0_i32 = arith.constant 0 : i32
    %c0_i32_0 = arith.constant 0 : i32
    %c0_i32_1 = arith.constant 0 : i32
    return %arg0, %c0_i32, %c0_i32_0 : i32, i32, i32
  }
  func.func @transform_2(%arg0: i32) -> (i32, i32, i32) {
    %c0_i32 = arith.constant 0 : i32
    %c0_i32_0 = arith.constant 0 : i32
    %c0_i32_1 = arith.constant 0 : i32
    return %arg0, %c0_i32, %c0_i32_0 : i32, i32, i32
  }
}

</mosaic_0001>

<sc_bundles>
// kernel: kernel.4.cloned.1.call-start
scs
__scs_entry_jumppad:
0x0: {  	(pc) =	sbr.rel $0x88, $3  }
0x1: {  	(tag) =	ssettag $0x0;
	lr =	simm.s32 $0x1  }
0x2: {  	[smem:$0x3F9E] =	sst lr;
	_ =	strace $0xD0000000  }
0x3: {  	_ = 	snop  }
0x4: {  	_ = 	snop  }
0x5: {  	_ = 	snop  }
0x6: {  	_ = 	snop  }
0x7: {  	_ = 	snop  }
__scs_overlays_trampoline_lowered:
0x8: {  	[smem:$0x3FAD] =	sst s0  }
0x9: {  	[smem:$0x3FAE] =	sst s1  }
0xa: {  	[smem:$0x3FAF] =	sst s2  }
0xb: {  	[smem:$0x3FB0] =	sst s3  }
0xc: {  	[smem:$0x3FB1] =	sst s4  }
0xd: {  	[smem:$0x3FB2] =	sst s5  }
0xe: {  	[smem:$0x3FB3] =	sst s6  }
0xf: {  	[smem:$0x3FB4] =	sst s7  }
0x10: {  	[smem:$0x3FB5] =	sst s8  }
0x11: {  	[smem:$0x3FB6] =	sst s9;
	s0 =	simm.s32 @!p0 $0x0  }
0x12: {  	s1 =	sld [smem:$0x3F9C];
	s0 =	simm.s32 @p0 $0x1  }
0x13: {  	[smem:$0x3FB7] =	sst s0;
	s0 =	simm.s32 @!p1 $0x0  }
0x14: {  	s2 =	sld [smem:$0x3F9B];
	s0 =	simm.s32 @p1 $0x1  }
0x15: {  	[smem:$0x3FB8] =	sst s0;
	s0 =	simm.s32 @!p2 $0x0  }
0x16: {  	s3 =	sld [smem:$0x3FDB];
	s0 =	simm.s32 @p2 $0x1  }
0x17: {  	s4 =	simm.s32 $0x1BF5;
	[smem:$0x3FBA] =	sst s0  }
0x18: {  	s0 =	sld [smem:$0x3F9D];
	_ =	swait.ge [sflag:s4], $0x0  }
0x19: {  	s7 =	sld [smem:$0x3F9E]  }
0x1a: {  	s8 =	sadd.s32 $0xFFFFE003, lr  }
0x1b: {  	s9 =	sadd.s32 $0xFFFFFEF7, lr;
	s5 =	simm.s32 $0xFFFFFFFF;
	p2 =	slt.u32 s8, $0xFFFFF086  }
0x1c: {  	p1 =	slt.u32 s9, $0xF7A;
	s5 =	simm.s32 @!p2 $0x0  }
0x1d: {  	s5 =	simm.s32 @p1 $0x1;
	p0 =	seq.s32 s7, s2  }
0x1e: {  	s7 =	smul.u32 @!p0 $0xF7A, s2;
	p2 =	seq.s32 @!p0 s5, $0x0  }
0x1f: {  	s9 =	smul.u32 $0xF7A, s1;
	s8 =	simm.s32 @!p0 $0x1BF5;
	p2 =	por !p2, p0  }
0x20: {  	[sflag:s8] =	ssyncset.s32 @!p0 $0xFFFFF086;
	s6 =	sadd.s32 @!p0 s3, s7;
	s7 =	simm.s32 @!p0 $0x108  }
0x21: {  	s3 =	sadd.s32 s3, s9;
	s6 =	sadd.s32 @!p0 $0x88, s6;
	s7 =	simm.s32 @p2 $0x1082  }
0x22: {  	[simem:s7], [sflag:s8] =	dma.local @!p0 [hbm:s6], $0xF7A  }
0x23: {  	s9 =	sor.u32 $0xD0000000, s2;
	s6 =	simm.s32 $0x108;
	_ =	swait.ge @!p0 [sflag:s8], $0x0  }
0x24: {  	s3 =	sadd.s32 $0x88, s3;
	s6 =	simm.s32 @!p1 $0x1082;
	[sflag:s4] =	ssyncset.s32 $0xFFFFF086  }
0x25: {  	[simem:s6], [sflag:s4] =	dma.local [hbm:s3], $0xF7A  }
0x26: {  	[smem:$0x3F9E] =	sst s1;
	(tag) =	ssettag s2;
	_ =	strace s9  }
0x27: {  	s1 =	sld [smem:$0x3FAE]  }
0x28: {  	s2 =	sld [smem:$0x3FAF]  }
0x29: {  	s4 =	sld [smem:$0x3FB1]  }
0x2a: {  	p0 =	seq.s32 s5, $0x0;
	s5 =	sld [smem:$0x3FB2]  }
0x2b: {  	s6 =	sld [smem:$0x3FB3]  }
0x2c: {  	s7 =	sld [smem:$0x3FB4]  }
0x2d: {  	s3 =	simm.s32 $0x108;
	s8 =	sld [smem:$0x3FB5]  }
0x2e: {  	s3 =	simm.s32 @!p0 $0x1082;
	s9 =	sld [smem:$0x3FB6]  }
0x2f: {  	lr =	sadd.s32 s0, s3;
	s0 =	sld [smem:$0x3FAD]  }
0x30: {  	s3 =	sld [smem:$0x3FB0]  }
0x31: {  	[smem:$0x3FB9] =	sst s10  }
0x32: {  	s10 =	sld [smem:$0x3FB7];
	_ =	sdelay $0x3  }
0x33: {  	p0 =	seq.s32 s10, $0x1;
	s10 =	sld [smem:$0x3FB9];
	_ =	sdelay $0x3  }
0x34: {  	[smem:$0x3FB9] =	sst s10  }
0x35: {  	s10 =	sld [smem:$0x3FB8];
	_ =	sdelay $0x3  }
0x36: {  	p1 =	seq.s32 s10, $0x1;
	s10 =	sld [smem:$0x3FB9];
	_ =	sdelay $0x3  }
0x37: {  	[smem:$0x3FB9] =	sst s10  }
0x38: {  	s10 =	sld [smem:$0x3FBA]  }
0x39: {  	_ = 	snop;
	(pc) =	sbr.ind lr, $3  }
0x3a: {  	_ = 	snop  }
0x3b: {  	_ = 	snop  }
0x3c: {  	p2 =	seq.s32 s10, $0x1;
	s10 =	sld [smem:$0x3FB9]  }
0x3d: {  	_ =	shalt  }
0x3e: {  	_ =	shalt  }
0x3f: {  	_ =	shalt  }
0x40: {  	_ =	shalt  }
0x41: {  	_ =	shalt  }
0x42: {  	_ =	shalt  }
0x43: {  	_ =	shalt  }
0x44: {  	_ =	shalt  }
0x45: {  	_ =	shalt  }
0x46: {  	_ =	shalt  }
0x47: {  	_ =	shalt  }
0x48: {  	_ =	shalt  }
0x49: {  	_ =	shalt  }
0x4a: {  	_ =	shalt  }
0x4b: {  	_ =	shalt  }
0x4c: {  	_ =	shalt  }
0x4d: {  	_ =	shalt  }
0x4e: {  	_ =	shalt  }
0x4f: {  	_ =	shalt  }
0x50: {  	_ =	shalt  }
0x51: {  	_ =	shalt  }
0x52: {  	_ =	shalt  }
0x53: {  	_ =	shalt  }
0x54: {  	_ =	shalt  }
0x55: {  	_ =	shalt  }
0x56: {  	_ =	shalt  }
0x57: {  	_ =	shalt  }
0x58: {  	_ =	shalt  }
0x59: {  	_ =	shalt  }
0x5a: {  	_ =	shalt  }
0x5b: {  	_ =	shalt  }
0x5c: {  	_ =	shalt  }
0x5d: {  	_ =	shalt  }
0x5e: {  	_ =	shalt  }
0x5f: {  	_ =	shalt  }
0x60: {  	_ =	shalt  }
0x61: {  	_ =	shalt  }
0x62: {  	_ =	shalt  }
0x63: {  	_ =	shalt  }
0x64: {  	_ =	shalt  }
0x65: {  	_ =	shalt  }
0x66: {  	_ =	shalt  }
0x67: {  	_ =	shalt  }
0x68: {  	_ =	shalt  }
0x69: {  	_ =	shalt  }
0x6a: {  	_ =	shalt  }
0x6b: {  	_ =	shalt  }
0x6c: {  	_ =	shalt  }
0x6d: {  	_ =	shalt  }
0x6e: {  	_ =	shalt  }
0x6f: {  	_ =	shalt  }
0x70: {  	_ =	shalt  }
0x71: {  	_ =	shalt  }
0x72: {  	_ =	shalt  }
0x73: {  	_ =	shalt  }
0x74: {  	_ =	shalt  }
0x75: {  	_ =	shalt  }
0x76: {  	_ =	shalt  }
0x77: {  	_ =	shalt  }
0x78: {  	_ =	shalt  }
0x79: {  	_ =	shalt  }
0x7a: {  	_ =	shalt  }
0x7b: {  	_ =	shalt  }
0x7c: {  	_ =	shalt  }
0x7d: {  	_ =	shalt  }
0x7e: {  	_ =	shalt  }
0x7f: {  	_ =	shalt  }
0x80: {  	_ =	shalt  }
0x81: {  	_ =	shalt  }
0x82: {  	_ =	shalt  }
0x83: {  	_ =	shalt  }
0x84: {  	_ =	shalt  }
0x85: {  	_ =	shalt  }
0x86: {  	_ =	shalt  }
0x87: {  	_ =	shalt  }
.Lfunc_end0:
.L_simem_size_0:
called_computation_lowered:
.L_overlay_start_0:
0x88: {  	s2 =	sld [smem:$0x3FD9]  }
0x89: {  	s3 =	sld [smem:$0x3FFE];
	_ =	sdelay $0x1  }
0x8a: {  	s1 =	srdreg.scid  }
0x8b: {  	s0 =	sand.u32 $0x1, s1  }
0x8c: {  	s17 =	sshll.u32 s0, $0xA;
	s2 =	sadd.s32 s3, s2  }
0x8d: {  	s2 =	sadd.s32 s2, s17  }
0x8e: {  	[smem:$0x3FC5] =	sst s2  }
0x8f: {  	_ = 	snop  }
0x90: {  	s2 =	sld [smem:$0x3FC8]  }
0x91: {  	s18 =	sld [smem:$0x3FD0];
	(tm) =	ssettm $0x1  }
0x92: {  	s4 =	sld [smem:$0x3FFB];
	_ =	sdelay $0x3  }
0x93: {  	_ =	strace s4  }
0x94: {  	s4 =	sld [smem:$0x3FFC];
	_ =	sdelay $0x3  }
0x95: {  	_ =	strace s4  }
0x96: {  	s4 =	sld [smem:$0x3FFD];
	_ =	sdelay $0x3  }
0x97: {  	_ =	strace s4  }
0x98: {  	_ =	strace $0x8FFFFFFF  }
0x99: {  	s19 =	sld [smem:$0x3FDB];
	_ =	sdelay $0x1  }
0x9a: {  	s5 =	simm.s32 $_scs_section_size  }
0x9b: {  	s6 =	simm.s32 $_size__tile_overlayer_lowered;
	s7 =	simm.s32 $_tile_overlayer_lowered  }
0x9c: {  	s22 =	simm.s32 $0x1BFF;
	s21 =	sshll.u32 s7, $0x1;
	s4 =	sadd.s32 s5, s19  }
0x9d: {  	s8 =	simm.s32 $0x0;
	s20 =	sshll.u32 s6, $0x1;
	s6 =	sadd.s32 s21, s4  }
0x9e: {  	[timem:s8], [sflag:s22] =	dma.local [hbm:s6], s20  }
0x9f: {  	_ =	swait.ge [sflag:s22], s20  }
0xa0: {  	s5 =	ssub.s32 $0x0, s20;
	[sflag:s22] =	ssyncset.done $0x0  }
0xa1: {  	[sflag:s22] =	ssyncadd.s32 s5;
	_ =	sdelay $0x1  }
0xa2: {  	s23 =	simm.s32 $0x1B8B  }
0xa3: {  	_ =	swait.ge [sflag:s23], $0x1  }
0xa4: {  	[sflag:s23] =	ssyncset.done $0x0  }
0xa5: {  	s25 =	simm.s32 $0x1B8E;
	s24 =	sld [smem:$0x3FFE];
	[sflag:s23] =	ssyncadd.s32 $0xFFFFFFFF  }
0xa6: {  	s26 =	simm.s32 $execute0_lowered;
	[smem:$0x3FD2] =	sst s25  }
0xa7: {  	s6 =	sshll.u32 s26, $0x1;
	_ =	strace $0x80000046;
	[dreg:$0x1] =	wrdreg $0xFFFFFFFF  }
0xa8: {  	s28 =	simm.s32 $_size_execute0_lowered;
	s4 =	sadd.s32 s4, s6;
	[dreg:$0x0] =	wrdreg $0x0  }
0xa9: {  	s6 =	sshll.u32 s28, $0x1;
	[dreg:$0x2] =	wrdreg s4  }
0xaa: {  	[dreg:$0x3] =	wrdreg s6  }
0xab: {  	[dreg:$0x4] =	wrdreg $0xC0  }
0xac: {  	_ =	task [dreg:s8], $0x5FFFF  }
0xad: {  	[dreg:$0x1] =	wrdreg $0xFFFFFFFF  }
0xae: {  	[dreg:$0x0] =	wrdreg $0x60  }
0xaf: {  	[dreg:$0x2] =	wrdreg s24  }
0xb0: {  	[dreg:$0x3] =	wrdreg s2  }
0xb1: {  	[dreg:$0x4] =	wrdreg s18  }
0xb2: {  	[dreg:$0x5] =	wrdreg $0x9  }
0xb3: {  	_ =	task.clear_ibuf [dreg:s8], $0x6FFFF;
	_ =	strace $0x90000046  }
0xb4: {  	s29 =	simm.s32 $0x9;
	_ =	strace $0x80000048  }
0xb5: {  	_ =	swait.ge [sflag:s29], $0x1  }
0xb6: {  	[sflag:s29] =	ssyncadd.s32 $0xFFFFFFFF  }
0xb7: {  	_ =	strace $0x90000048  }
0xb8: {  	_ =	sfence  }
0xb9: {  	s30 =	sld [smem:$0x0];
	_ =	sdelay $0x2  }
0xba: {  	s31 =	sshll.u32 s1, $0xD;
	s1 =	sshrl.u32 s1, $0x2  }
0xbb: {  	s3 =	sand.u32 $0x4000, s31;
	s1 =	sadd.s32 s1, s30  }
0xbc: {  	s0 =	sor.u32 s3, s0;
	s1 =	sshll.u32 s1, $0x11  }
0xbd: {  	s0 =	sor.u32 s1, s0  }
0xbe: {  	s0 =	sadd.s32 $0x8F2B, s0  }
0xbf: {  	[sflag:s0] =	ssyncadd.remote.s32 $0x1  }
0xc0: {  	_ =	sfence.sel $0xFFFF  }
0xc1: {  	[dreg:$0x0] =	wrdreg $0xFFFFFFFF;
	(pc) =	sbr.abs _section_cstart, $3  }
0xc2: {  	[dreg:$0x1] =	wrdreg $0xFFFFFFFF  }
0xc3: {  	_ =	task.clear_ibuf [dreg:s8], $0x2FFFF;
	_ =	strace $0x9FFFFFFF  }
0xc4: {  	(tm) =	ssettm $0x7FFFFFFF  }
0xc5: {  	_ =	shalt  }
tec
execute0_lowered:
.L_overlay_start_1:
0x0: {  	(tag) =	ssettag $0x1  }
0x1: {  	s0 =	rddreg [dreg:$0x0]  }
0x2: {  	s2 =	rddreg [dreg:$0x1]  }
0x3: {  	s3 =	rddreg [dreg:$0x2]  }
0x4: {  	s5 =	stileid.u32;
	s1 =	srdreg.scid  }
0x5: {  	s28 =	simm.s32 $0x8C80;
	s29 =	simm.s32 $0x90A0;
	s30 =	simm.s32 $0x90C0  }
0x6: {  	s31 =	simm.s32 $0x118C0;
	s16 =	simm.s32 $0x11D20;
	s9 =	simm.s32 $0x2  }
0x7: {  	s12 =	simm.s32 $0x1D180;
	s4 =	sshll.u32 s5, $0x1;
	s6 =	sshrl.u32 s5, $0x1  }
0x8: {  	s1 =	sand.u32 $0x1, s1;
	s18 =	sand.u32 $0x2, s4;
	s5 =	smul.u32 $0xC0000, s6  }
0x9: {  	s4 =	simm.s32 $0x0;
	s6 =	smul.u32 $0x34A5, s6;
	s7 =	sor.u32 s1, s18  }
0xa: {  	[smem:$0x7FF] =	sst s4;
	s1 =	ssub.s32 $0x2, s1;
	s8 =	sshll.u32 s7, $0x10  }
0xb: {  	_ =	strace $0x80000047;
	s0 =	sadd.s32 s6, s0;
	s19 =	sshrl.u32 s1, $0x1  }
0xc: {  	s8 =	sor.u32 s5, s8;
	s1 =	ssub.s32 s1, s19;
	s0 =	sadd.s32 $0x600, s0  }
0xd: {  	s8 =	sshrl.u32 s8, $0x3;
	[dreg:$0x5] =	wrdreg s0;
	s26 =	smax.u32 s1, $0x1  }
0xe: {  	s14 =	simm.s32 $0x4;
	s20 =	sadd.s32 s2, s8;
	[dreg:$0xb] =	wrdreg s26  }
0xf: {  	s6 =	sshll.u32 s7, $0x7;
	s21 =	sadd.s32 $0x8000, s20;
	[dreg:$0x4] =	wrdreg s20  }
0x10: {  	s0 =	simm.s32 $0x118E0;
	s22 =	sadd.s32 $0x10000, s20;
	[dreg:$0x6] =	wrdreg s21  }
.Ltmp0:
0x11: {  	s23 =	sadd.s32 $0x80, s20;
	[dreg:$0x7] =	wrdreg s22;
	(pc) =	sbr.rel .LBB2_1-.Ltmp0, $4  }
0x12: {  	s1 =	simm.s32 $0x11D00;
	s24 =	sadd.s32 $0x8080, s20;
	[dreg:$0x8] =	wrdreg s23  }
0x13: {  	s26 =	simm.s32 $0x8C60;
	s25 =	sadd.s32 $0x10080, s20;
	[dreg:$0x9] =	wrdreg s24  }
0x14: {  	s8 =	simm.s32 $0x0;
	[dreg:$0xa] =	wrdreg s25;
	s22 =	simm.s32 $0x1  }
0x15: {  	s23 =	simm.s32 $0x20;
	s24 =	simm.s32 $0x440;
	s25 =	simm.s32 $0x460  }
.LBB2_8:
0x16: {  	s7 =	simm.s32 $0x3  }
0x17: {  	_ =	swait.ge [sflag:s7], $0x400  }
0x18: {  	[sflag:s7] =	ssyncset.done $0x0  }
0x19: {  	[sflag:s7] =	ssyncadd.s32 $0xFFFFFC00  }
0x1a: {  	_ =	swait.ge [sflag:s7], $0x400  }
0x1b: {  	[sflag:s7] =	ssyncset.done $0x0  }
0x1c: {  	[sflag:s7] =	ssyncadd.s32 $0xFFFFFC00  }
0x1d: {  	_ =	swait.ge [sflag:s7], $0x400  }
0x1e: {  	[sflag:s7] =	ssyncset.done $0x0  }
0x1f: {  	[sflag:s7] =	ssyncadd.s32 $0xFFFFFC00  }
0x20: {  	_ =	swait.ge [sflag:s14], $0x400  }
0x21: {  	[sflag:s14] =	ssyncset.done $0x0  }
0x22: {  	[sflag:s14] =	ssyncadd.s32 $0xFFFFFC00  }
0x23: {  	_ =	swait.ge [sflag:s14], $0x400  }
0x24: {  	[sflag:s14] =	ssyncset.done $0x0  }
0x25: {  	[sflag:s14] =	ssyncadd.s32 $0xFFFFFC00  }
0x26: {  	_ =	swait.ge [sflag:s14], $0x400  }
0x27: {  	s8 =	rddreg [dreg:$0xc]  }
0x28: {  	s21 =	rddreg [dreg:$0xb];
	s8 =	sadd.s32 $0x1, s8  }
0x29: {  	p0 =	sne.s32 s8, s21  }
.Ltmp1:
0x2a: {  	_ = 	snop;
	(pc) =	sbr.rel @!p0 .LBB2_9-.Ltmp1, $3  }
0x2b: {  	_ =	sdelay $0x1  }
0x2c: {  	[sflag:s14] =	ssyncset.done $0x0  }
0x2d: {  	[sflag:s14] =	ssyncadd.s32 $0xFFFFFC00  }
.LBB2_1:
0x2e: {  	[dreg:$0xc] =	wrdreg s8  }
0x2f: {  	s7 =	rddreg [dreg:$0x5];
	s19 =	simm.s32 $0x5  }
0x30: {  	[tilespmem:s4], [sflag:$0x5] =	stream.linear.gather [hbm4b:s7+s4], $0x1A528, $0x38;
	[tilespmem:$0x1D580] =	vst v63  }
0x31: {  	_ =	swait.ge [sflag:s19], $0x1A528  }
0x32: {  	[sflag:s19] =	ssyncset.done $0x0  }
0x33: {  	s21 =	simm.s32 $0x1A580;
	s20 =	rddreg [dreg:$0x4];
	[sflag:s19] =	ssyncadd.s32 $0xFFFE5AD8  }
0x34: {  	[tilespmem:s21], [sflag:$0x1] =	stream.linear.gather [hbm4b:s20+s4], $0x400, $0x38;
	[tilespmem:$0x1D580] =	vst v63  }
0x35: {  	s10 =	simm.s32 $0x1A980;
	s8 =	rddreg [dreg:$0x6]  }
0x36: {  	[tilespmem:s10], [sflag:$0x1] =	stream.linear.gather [hbm4b:s8+s4], $0x400, $0x38;
	[tilespmem:$0x1D580] =	vst v63  }
0x37: {  	s13 =	simm.s32 $0x1AD80;
	s11 =	rddreg [dreg:$0x7]  }
0x38: {  	[tilespmem:s13], [sflag:$0x1] =	stream.linear.gather [hbm4b:s11+s4], $0x400, $0x38;
	[tilespmem:$0x1D580] =	vst v63  }
0x39: {  	s17 =	simm.s32 $0x1B180;
	s15 =	rddreg [dreg:$0x8]  }
0x3a: {  	[tilespmem:s17], [sflag:$0x2] =	stream.linear.gather [hbm4b:s15+s4], $0x400, $0x38;
	[tilespmem:$0x1D580] =	vst v63  }
0x3b: {  	s18 =	rddreg [dreg:$0x9];
	s19 =	simm.s32 $0x1B580  }
0x3c: {  	[tilespmem:s19], [sflag:$0x2] =	stream.linear.gather [hbm4b:s18+s4], $0x400, $0x38;
	[tilespmem:$0x1D580] =	vst v63  }
0x3d: {  	s20 =	rddreg [dreg:$0xa];
	s21 =	simm.s32 $0x1B980;
	s15 =	simm.s32 $0x0  }
0x3e: {  	[tilespmem:s21], [sflag:$0x2] =	stream.linear.gather [hbm4b:s20+s4], $0x400, $0x38;
	[tilespmem:$0x1D580] =	vst v63  }
.LBB2_2:
0x3f: {  	p0 =	seq.s32 s15, $0x0  }
0x40: {  	s7 =	simm.s32 @!p0 $0x3  }
0x41: {  	_ =	swait.ge @!p0 [sflag:s7], $0x400  }
0x42: {  	[sflag:s7] =	ssyncset.done @!p0 $0x0  }
0x43: {  	[sflag:s7] =	ssyncadd.s32 @!p0 $0xFFFFFC00  }
0x44: {  	_ =	swait.ge @!p0 [sflag:s7], $0x400  }
0x45: {  	[sflag:s7] =	ssyncset.done @!p0 $0x0  }
0x46: {  	[sflag:s7] =	ssyncadd.s32 @!p0 $0xFFFFFC00  }
0x47: {  	_ =	swait.ge @!p0 [sflag:s7], $0x400  }
0x48: {  	[sflag:s7] =	ssyncset.done @!p0 $0x0  }
0x49: {  	[sflag:s7] =	ssyncadd.s32 @!p0 $0xFFFFFC00  }
0x4a: {  	_ =	swait.ge [sflag:s22], $0x400  }
0x4b: {  	[sflag:s22] =	ssyncset.done $0x0  }
0x4c: {  	[sflag:s22] =	ssyncadd.s32 $0xFFFFFC00  }
0x4d: {  	_ =	swait.ge [sflag:s22], $0x400  }
0x4e: {  	[sflag:s22] =	ssyncset.done $0x0  }
0x4f: {  	s13 =	sshll.u32 s15, $0x1;
	s19 =	simm.s32 $0x1C590;
	[sflag:s22] =	ssyncadd.s32 $0xFFFFFC00  }
0x50: {  	s20 =	simm.s32 $0x1C190;
	s17 =	simm.s32 $0x1BD90;
	_ =	swait.ge [sflag:s22], $0x400  }
0x51: {  	s18 =	simm.s32 $0x1AD90;
	s8 =	simm.s32 $0x1A990;
	[sflag:s22] =	ssyncset.done $0x0  }
0x52: {  	s10 =	simm.s32 $0x1A590;
	s7 =	simm.s32 $0xFFFFFFFE;
	[sflag:s22] =	ssyncadd.s32 $0xFFFFFC00  }
.LBB2_3:
0x53: {  	v0 =	vld [tilespmem:s8+$0xFFFFFFF0]  }
0x54: {  	v1 =	vld [tilespmem:s18+$0xFFFFFFF0]  }
0x55: {  	v2 =	vld [tilespmem:s10+$0xFFFFFFF0];
	_ =	sdelay $0x2  }
0x56: {  	v0 =	vmul.f32 $3.199996760e+01, v0  }
0x57: {  	v1 =	vmul.f32 $3.199996760e+01, v1  }
0x58: {  	v2 =	vmul.f32 $3.199996760e+01, v2;
	v3 =	vtrunc.f32 v0  }
0x59: {  	v4 =	vtrunc.f32 v1;
	v3 =	vcvt.f32.s32 v3  }
0x5a: {  	v5 =	vtrunc.f32 v2;
	v4 =	vcvt.f32.s32 v4  }
0x5b: {  	v5 =	vcvt.f32.s32 v5;
	vm0 =	vlt.s32 v3, $0x1F  }
0x5c: {  	vm11 =	vlt.s32 v4, $0x1F;
	v3 =	vnsel vm0, $0x1F, v3  }
0x5d: {  	vm12 =	vlt.s32 v5, $0x1F;
	v4 =	vnsel vm11, $0x1F, v4;
	v6 =	vmul.u32 $0x21, v3  }
0x5e: {  	v5 =	vnsel vm12, $0x1F, v5;
	v7 =	vmul.u32 $0x441, v4  }
0x5f: {  	v6 =	vadd.s32 v5, v6  }
0x60: {  	v6 =	vadd.s32 v7, v6  }
0x61: {  	v7 =	vadd.s32 $0x1, v6;
	_ =	sdelay $0x1  }
0x62: {  	v8 =	vadd.s32 $0x2, v6;
	_ =	sdelay $0x1  }
0x63: {  	v9 =	vld.idx.msk [tilespmem:v6+s4+$0x0], $0xffff  }
0x64: {  	v10 =	vld.idx.msk [tilespmem:v7+s4+$0x0], $0xffff  }
0x65: {  	v3 =	vcvt.s32.f32 v3;
	v5 =	vcvt.s32.f32 v5;
	v11 =	vadd.s32 $0x3, v6;
	v12 =	vld.idx.msk [tilespmem:v7+s23+$0x0], $0xffff  }
0x66: {  	v4 =	vcvt.s32.f32 v4;
	v13 =	vld.idx.msk [tilespmem:v8+s23+$0x0], $0xffff  }
0x67: {  	v0 =	vsub.f32 v0, v3;
	v2 =	vsub.f32 v2, v5;
	v14 =	vld.idx.msk [tilespmem:v7+s24+$0x0], $0xffff  }
0x68: {  	v1 =	vsub.f32 v1, v4;
	v61 =	vld.idx.msk [tilespmem:v8+s24+$0x0], $0xffff  }
0x69: {  	v15 =	vsub.f32 $1.000000000e+00, v0;
	v5 =	vsub.f32 $1.000000000e+00, v2;
	v62 =	vld.idx.msk [tilespmem:v8+s25+$0x0], $0xffff  }
0x6a: {  	v16 =	vld.idx.msk [tilespmem:v11+s25+$0x0], $0xffff  }
0x6b: {  	v17 =	vsub.f32 $1.000000000e+00, v1;
	v18 =	vmul.f32 v15, v5;
	v7 =	vld.idx.msk [tilespmem:v7+s26+$0x0], $0xffff  }
0x6c: {  	v15 =	vmul.f32 v15, v2;
	v5 =	vmul.f32 v0, v5;
	v19 =	vld.idx.msk [tilespmem:v8+s26+$0x0], $0xffff  }
0x6d: {  	v63 =	vadd.s32 $0x4, v6;
	v0 =	vmul.f32 v0, v2;
	v20 =	vld.idx.msk [tilespmem:v8+s28+$0x0], $0xffff;
	v21 =	vmul.f32 v17, v18  }
0x6e: {  	v23 =	vld.idx.msk [tilespmem:v11+s28+$0x0], $0xffff;
	v22 =	vmul.f32 v17, v15;
	v24 =	vmul.f32 v17, v5  }
0x6f: {  	v25 =	vld.idx.msk [tilespmem:v8+s29+$0x0], $0xffff;
	v17 =	vmul.f32 v17, v0;
	v18 =	vmul.f32 v18, v1  }
0x70: {  	v26 =	vld.idx.msk [tilespmem:v11+s29+$0x0], $0xffff;
	v15 =	vmul.f32 v15, v1;
	v5 =	vmul.f32 v1, v5  }
0x71: {  	v32 =	vld.idx.msk [tilespmem:v11+s30+$0x0], $0xffff;
	v0 =	vmul.f32 v1, v0;
	v9 =	vmul.f32 v21, v9  }
0x72: {  	v27 =	vld.idx.msk [tilespmem:v63+s30+$0x0], $0xffff;
	v10 =	vmul.f32 v22, v10;
	v12 =	vmul.f32 v24, v12  }
0x73: {  	v8 =	vld.idx.msk [tilespmem:v8+s31+$0x0], $0xffff;
	v13 =	vmul.f32 v17, v13;
	v14 =	vmul.f32 v18, v14  }
0x74: {  	v28 =	vld.idx.msk [tilespmem:v11+s31+$0x0], $0xffff;
	v3 =	vmul.f32 v15, v61;
	v4 =	vmul.f32 v62, v5  }
0x75: {  	v6 =	vadd.s32 $0x5, v6;
	v29 =	vld.idx.msk [tilespmem:v11+s0+$0x0], $0xffff;
	v16 =	vmul.f32 v16, v0;
	v7 =	vmul.f32 v7, v21  }
0x76: {  	v11 =	vld.idx.msk [tilespmem:v11+s1+$0x0], $0xffff;
	v35 =	vmul.f32 v19, v22;
	v37 =	vmul.f32 v20, v24  }
0x77: {  	v2 =	vld.idx.msk [tilespmem:v63+s16+$0x0], $0xffff;
	v38 =	vmul.f32 v23, v17;
	v39 =	vmul.f32 v25, v18  }
0x78: {  	v34 =	vld.idx.msk [tilespmem:v63+s0+$0x0], $0xffff;
	v40 =	vmul.f32 v26, v15;
	v1 =	vmul.f32 v32, v5  }
0x79: {  	v36 =	vld.idx.msk [tilespmem:v63+s1+$0x0], $0xffff;
	v41 =	vmul.f32 v27, v0;
	v8 =	vmul.f32 v8, v21  }
0x7a: {  	v6 =	vld.idx.msk [tilespmem:v6+s16+$0x0], $0xffff;
	v42 =	vmul.f32 v28, v22;
	v43 =	vmul.f32 v29, v24;
	v9 =	vadd.f32 v10, v9  }
0x7b: {  	v11 =	vmul.f32 v11, v18;
	v33 =	vadd.f32 v13, v12;
	v3 =	vadd.f32 v3, v14  }
0x7c: {  	v2 =	vmul.f32 v2, v5;
	v4 =	vadd.f32 v16, v4;
	v7 =	vadd.f32 v35, v7  }
0x7d: {  	v12 =	vmul.f32 v34, v17;
	v16 =	vadd.f32 v40, v39;
	v1 =	vadd.f32 v41, v1  }
0x7e: {  	v13 =	vmul.f32 v36, v15;
	v44 =	vadd.f32 v42, v8;
	v9 =	vadd.f32 v33, v9  }
0x7f: {  	v3 =	vadd.f32 v4, v3;
	v4 =	vadd.f32 v38, v37;
	v0 =	vmul.f32 v6, v0  }
0x80: {  	v45 =	vadd.f32 v12, v43;
	v46 =	vadd.f32 v13, v11  }
0x81: {  	v1 =	vadd.f32 v1, v16;
	v0 =	vadd.f32 v0, v2  }
0x82: {  	v3 =	vadd.f32 v3, v9;
	v47 =	vadd.f32 v4, v7  }
0x83: {  	v48 =	vadd.f32 v45, v44;
	v0 =	vadd.f32 v0, v46  }
0x84: {  	v1 =	vadd.f32 v1, v47  }
0x85: {  	[tilespmem:s17+$0xFFFFFFF0] =	vst v3;
	v0 =	vadd.f32 v0, v48  }
0x86: {  	[tilespmem:s20+$0xFFFFFFF0] =	vst v1  }
0x87: {  	[tilespmem:s19+$0xFFFFFFF0] =	vst v0  }
0x88: {  	v0 =	vld [tilespmem:s8+$0x0]  }
0x89: {  	v1 =	vld [tilespmem:s18+$0x0]  }
0x8a: {  	v49 =	vld [tilespmem:s10+$0x0];
	_ =	sdelay $0x2  }
0x8b: {  	v0 =	vmul.f32 $3.199996760e+01, v0  }
0x8c: {  	v1 =	vmul.f32 $3.199996760e+01, v1  }
0x8d: {  	v2 =	vmul.f32 $3.199996760e+01, v49;
	v50 =	vtrunc.f32 v0  }
0x8e: {  	v51 =	vtrunc.f32 v1;
	v3 =	vcvt.f32.s32 v50  }
0x8f: {  	v52 =	vtrunc.f32 v2;
	v4 =	vcvt.f32.s32 v51  }
0x90: {  	v5 =	vcvt.f32.s32 v52;
	vm13 =	vlt.s32 v3, $0x1F  }
0x91: {  	vm14 =	vlt.s32 v4, $0x1F;
	v3 =	vnsel vm13, $0x1F, v3  }
0x92: {  	vm15 =	vlt.s32 v5, $0x1F;
	v4 =	vnsel vm14, $0x1F, v4;
	v53 =	vmul.u32 $0x21, v3  }
0x93: {  	v5 =	vnsel vm15, $0x1F, v5;
	v54 =	vmul.u32 $0x441, v4  }
0x94: {  	v6 =	vadd.s32 v5, v53  }
0x95: {  	v6 =	vadd.s32 v54, v6  }
0x96: {  	v7 =	vadd.s32 $0x1, v6;
	_ =	sdelay $0x1  }
0x97: {  	v55 =	vadd.s32 $0x2, v6;
	_ =	sdelay $0x1  }
0x98: {  	v56 =	vld.idx.msk [tilespmem:v6+s4+$0x0], $0xffff  }
0x99: {  	v57 =	vld.idx.msk [tilespmem:v7+s4+$0x0], $0xffff  }
0x9a: {  	v3 =	vcvt.s32.f32 v3;
	v58 =	vadd.s32 $0x3, v6;
	v59 =	vld.idx.msk [tilespmem:v7+s23+$0x0], $0xffff  }
0x9b: {  	v5 =	vcvt.s32.f32 v5;
	v60 =	vld.idx.msk [tilespmem:v55+s23+$0x0], $0xffff  }
0x9c: {  	v4 =	vcvt.s32.f32 v4;
	v0 =	vsub.f32 v0, v3;
	v61 =	vld.idx.msk [tilespmem:v7+s24+$0x0], $0xffff  }
0x9d: {  	v2 =	vsub.f32 v2, v5;
	v62 =	vld.idx.msk [tilespmem:v55+s24+$0x0], $0xffff  }
0x9e: {  	v1 =	vsub.f32 v1, v4;
	v31 =	vsub.f32 $1.000000000e+00, v0;
	v63 =	vld.idx.msk [tilespmem:v55+s25+$0x0], $0xffff  }
0x9f: {  	v5 =	vsub.f32 $1.000000000e+00, v2;
	v32 =	vld.idx.msk [tilespmem:v58+s25+$0x0], $0xffff  }
0xa0: {  	v33 =	vsub.f32 $1.000000000e+00, v1;
	v15 =	vmul.f32 v31, v2;
	v7 =	vld.idx.msk [tilespmem:v7+s26+$0x0], $0xffff  }
0xa1: {  	v34 =	vmul.f32 v31, v5;
	v5 =	vmul.f32 v0, v5;
	v35 =	vld.idx.msk [tilespmem:v55+s26+$0x0], $0xffff  }
0xa2: {  	v0 =	vmul.f32 v0, v2;
	v39 =	vmul.f32 v33, v15;
	v37 =	vld.idx.msk [tilespmem:v55+s28+$0x0], $0xffff  }
0xa3: {  	v15 =	vmul.f32 v15, v1;
	v40 =	vld.idx.msk [tilespmem:v58+s28+$0x0], $0xffff;
	v38 =	vmul.f32 v33, v34  }
0xa4: {  	v36 =	vadd.s32 $0x4, v6;
	v42 =	vld.idx.msk [tilespmem:v55+s29+$0x0], $0xffff;
	v41 =	vmul.f32 v33, v5;
	v17 =	vmul.f32 v33, v0  }
0xa5: {  	v43 =	vld.idx.msk [tilespmem:v58+s29+$0x0], $0xffff;
	v18 =	vmul.f32 v34, v1;
	v5 =	vmul.f32 v1, v5  }
0xa6: {  	v8 =	vld.idx.msk [tilespmem:v55+s31+$0x0], $0xffff;
	v0 =	vmul.f32 v1, v0;
	v9 =	vmul.f32 v38, v56  }
0xa7: {  	v46 =	vld.idx.msk [tilespmem:v58+s31+$0x0], $0xffff;
	v10 =	vmul.f32 v39, v57;
	v12 =	vmul.f32 v41, v59  }
0xa8: {  	v44 =	vld.idx.msk [tilespmem:v58+s30+$0x0], $0xffff;
	v13 =	vmul.f32 v17, v60;
	v14 =	vmul.f32 v18, v61  }
0xa9: {  	v45 =	vld.idx.msk [tilespmem:v36+s30+$0x0], $0xffff;
	v3 =	vmul.f32 v15, v62;
	v4 =	vmul.f32 v63, v5  }
0xaa: {  	v6 =	vadd.s32 $0x5, v6;
	v47 =	vld.idx.msk [tilespmem:v58+s0+$0x0], $0xffff;
	v16 =	vmul.f32 v32, v0;
	v7 =	vmul.f32 v7, v38  }
0xab: {  	v11 =	vld.idx.msk [tilespmem:v58+s1+$0x0], $0xffff;
	v8 =	vmul.f32 v8, v38;
	v51 =	vmul.f32 v35, v39  }
0xac: {  	v2 =	vld.idx.msk [tilespmem:v36+s16+$0x0], $0xffff;
	v52 =	vmul.f32 v46, v39;
	v53 =	vmul.f32 v37, v41  }
0xad: {  	v49 =	vld.idx.msk [tilespmem:v36+s0+$0x0], $0xffff;
	v54 =	vmul.f32 v40, v17;
	v55 =	vmul.f32 v42, v18  }
0xae: {  	v50 =	vld.idx.msk [tilespmem:v36+s1+$0x0], $0xffff;
	v56 =	vmul.f32 v43, v15;
	v1 =	vmul.f32 v44, v5  }
0xaf: {  	v6 =	vld.idx.msk [tilespmem:v6+s16+$0x0], $0xffff;
	v57 =	vmul.f32 v45, v0;
	v58 =	vmul.f32 v47, v41;
	v9 =	vadd.f32 v10, v9  }
0xb0: {  	v11 =	vmul.f32 v11, v18;
	v48 =	vadd.f32 v13, v12;
	v3 =	vadd.f32 v3, v14  }
0xb1: {  	v2 =	vmul.f32 v2, v5;
	v4 =	vadd.f32 v16, v4;
	v14 =	vadd.f32 v54, v53  }
0xb2: {  	v12 =	vmul.f32 v49, v17;
	v1 =	vadd.f32 v57, v1;
	v59 =	vadd.f32 v52, v8  }
0xb3: {  	v10 =	vmul.f32 v50, v15;
	v9 =	vadd.f32 v48, v9;
	v3 =	vadd.f32 v4, v3  }
0xb4: {  	v4 =	vadd.f32 v51, v7;
	v0 =	vmul.f32 v6, v0;
	v60 =	vadd.f32 v12, v58  }
0xb5: {  	v3 =	vadd.f32 v3, v9;
	v9 =	vadd.f32 v56, v55  }
0xb6: {  	s7 =	sadd.s32 $0x2, s7;
	v61 =	vadd.f32 v10, v11;
	v0 =	vadd.f32 v0, v2  }
0xb7: {  	p0 =	slt.u32 s7, $0x3E;
	v62 =	vadd.f32 v14, v4;
	v1 =	vadd.f32 v1, v9  }
.Ltmp2:
0xb8: {  	v63 =	vadd.f32 v60, v59;
	v0 =	vadd.f32 v0, v61;
	(pc) =	sbr.rel @p0 .LBB2_3-.Ltmp2, $4  }
0xb9: {  	v1 =	vadd.f32 v1, v62  }
0xba: {  	[tilespmem:s17+$0x0] =	vst v3;
	v0 =	vadd.f32 v0, v63  }
0xbb: {  	s18 =	sadd.s32 $0x20, s18;
	s8 =	sadd.s32 $0x20, s8;
	s10 =	sadd.s32 $0x20, s10;
	[tilespmem:s20+$0x0] =	vst v1  }
0xbc: {  	s17 =	sadd.s32 $0x20, s17;
	s20 =	sadd.s32 $0x20, s20;
	[tilespmem:s19+$0x0] =	vst v0;
	s19 =	sadd.s32 $0x20, s19  }
0xbd: {  	s7 =	sshll.u32 s15, $0x2  }
0xbe: {  	s7 =	sand.u32 $0x78, s7  }
0xbf: {  	s8 =	sshll.u32 s15, $0xB;
	s7 =	sor.u32 s6, s7  }
0xc0: {  	s8 =	sand.u32 $0x800, s8;
	s7 =	sshll.u32 s7, $0x9  }
0xc1: {  	s7 =	sor.u32 s7, s8  }
0xc2: {  	s7 =	sor.u32 s5, s7  }
0xc3: {  	s19 =	sshrl.u32 s7, $0x3  }
0xc4: {  	s17 =	simm.s32 $0x1BD80;
	p0 =	seq.s32 s15, $0x1F;
	s7 =	sadd.s32 s3, s19  }
0xc5: {  	[hbm4b:s7+s4] =	stream.linear.scatter [tilespmem:s17], [sflag:$0x3], $0x400, $0x38;
	[tilespmem:$0x1D580] =	vst v63  }
0xc6: {  	s10 =	simm.s32 $0x1C180;
	s8 =	sadd.s32 @!p0 $0x2, s13;
	s18 =	sadd.s32 $0x8000, s7  }
0xc7: {  	[hbm4b:s18+s4] =	stream.linear.scatter [tilespmem:s10], [sflag:$0x3], $0x400, $0x38;
	[tilespmem:$0x1D580] =	vst v63  }
0xc8: {  	s10 =	sshll.u32 @!p0 s8, $0x1  }
0xc9: {  	s21 =	simm.s32 $0x1C580;
	s20 =	sadd.s32 $0x10000, s7;
	s10 =	sand.u32 @!p0 $0xF8, s10  }
0xca: {  	[hbm4b:s20+s4] =	stream.linear.scatter [tilespmem:s21], [sflag:$0x3], $0x400, $0x38;
	[tilespmem:$0x1D580] =	vst v63  }
0xcb: {  	s10 =	sadd.s32 @!p0 s6, s10  }
0xcc: {  	s8 =	sshll.u32 @!p0 s8, $0xA;
	s10 =	sshll.u32 @!p0 s10, $0x9  }
0xcd: {  	s8 =	sand.u32 @!p0 $0x800, s8;
	s10 =	sadd.s32 @!p0 s5, s10  }
0xce: {  	s8 =	sor.u32 @!p0 s8, s10  }
0xcf: {  	s8 =	sshrl.u32 @!p0 s8, $0x3  }
0xd0: {  	s11 =	simm.s32 @!p0 $0x1A580;
	s10 =	simm.s32 @!p0 $0x0;
	s8 =	sadd.s32 @!p0 s2, s8  }
0xd1: {  	[tilespmem:s11], [sflag:$0x1] =	stream.linear.gather @!p0 [hbm4b:s8+s10], $0x400, $0x38;
	[tilespmem:$0x1D580] =	vst v63  }
0xd2: {  	p1 =	seq.s32 @!p0 s15, $0x0;
	s17 =	simm.s32 @!p0 $0x1A980;
	s11 =	sadd.s32 @!p0 $0x8000, s8  }
0xd3: {  	[tilespmem:s17], [sflag:$0x1] =	stream.linear.gather @!p0 [hbm4b:s11+s10], $0x400, $0x38;
	[tilespmem:$0x1D580] =	vst v63  }
0xd4: {  	p1 =	por p0, !p1;
	s8 =	sadd.s32 @!p0 $0x10000, s8;
	s11 =	simm.s32 @!p0 $0x1AD80  }
0xd5: {  	[tilespmem:s11], [sflag:$0x1] =	stream.linear.gather @!p0 [hbm4b:s8+s10], $0x400, $0x38;
	[tilespmem:$0x1D580] =	vst v63  }
0xd6: {  	_ =	swait.ge @p1 [sflag:s14], $0x400  }
0xd7: {  	[sflag:s14] =	ssyncset.done @p1 $0x0  }
0xd8: {  	[sflag:s14] =	ssyncadd.s32 @p1 $0xFFFFFC00  }
0xd9: {  	_ =	swait.ge @p1 [sflag:s14], $0x400  }
0xda: {  	[sflag:s14] =	ssyncset.done @p1 $0x0  }
0xdb: {  	[sflag:s14] =	ssyncadd.s32 @p1 $0xFFFFFC00  }
0xdc: {  	_ =	swait.ge @p1 [sflag:s14], $0x400  }
0xdd: {  	[sflag:s14] =	ssyncset.done @p1 $0x0  }
0xde: {  	[sflag:s14] =	ssyncadd.s32 @p1 $0xFFFFFC00  }
0xdf: {  	_ =	swait.ge [sflag:s9], $0x400  }
0xe0: {  	[sflag:s9] =	ssyncset.done $0x0  }
0xe1: {  	[sflag:s9] =	ssyncadd.s32 $0xFFFFFC00  }
0xe2: {  	_ =	swait.ge [sflag:s9], $0x400  }
0xe3: {  	[sflag:s9] =	ssyncset.done $0x0  }
0xe4: {  	s18 =	simm.s32 $0x1C990;
	[sflag:s9] =	ssyncadd.s32 $0xFFFFFC00  }
0xe5: {  	s20 =	simm.s32 $0xFFFFFFFE;
	s21 =	simm.s32 $0x1D190;
	_ =	swait.ge [sflag:s9], $0x400  }
0xe6: {  	s17 =	simm.s32 $0x1CD90;
	s8 =	simm.s32 $0x1B990;
	[sflag:s9] =	ssyncset.done $0x0  }
0xe7: {  	s10 =	simm.s32 $0x1B590;
	s11 =	simm.s32 $0x1B190;
	[sflag:s9] =	ssyncadd.s32 $0xFFFFFC00  }
.LBB2_5:
0xe8: {  	v0 =	vld [tilespmem:s10+$0xFFFFFFF0]  }
0xe9: {  	v1 =	vld [tilespmem:s8+$0xFFFFFFF0]  }
0xea: {  	v2 =	vld [tilespmem:s11+$0xFFFFFFF0];
	_ =	sdelay $0x2  }
0xeb: {  	v0 =	vmul.f32 $3.199996760e+01, v0  }
0xec: {  	v1 =	vmul.f32 $3.199996760e+01, v1  }
0xed: {  	v2 =	vmul.f32 $3.199996760e+01, v2;
	v3 =	vtrunc.f32 v0  }
0xee: {  	v4 =	vtrunc.f32 v1;
	v3 =	vcvt.f32.s32 v3  }
0xef: {  	v5 =	vtrunc.f32 v2;
	v4 =	vcvt.f32.s32 v4  }
0xf0: {  	v5 =	vcvt.f32.s32 v5;
	vm0 =	vlt.s32 v3, $0x1F  }
0xf1: {  	vm11 =	vlt.s32 v4, $0x1F;
	v3 =	vnsel vm0, $0x1F, v3  }
0xf2: {  	vm12 =	vlt.s32 v5, $0x1F;
	v4 =	vnsel vm11, $0x1F, v4;
	v6 =	vmul.u32 $0x21, v3  }
0xf3: {  	v5 =	vnsel vm12, $0x1F, v5;
	v7 =	vmul.u32 $0x441, v4  }
0xf4: {  	v6 =	vadd.s32 v5, v6  }
0xf5: {  	v6 =	vadd.s32 v7, v6  }
0xf6: {  	v7 =	vadd.s32 $0x1, v6;
	_ =	sdelay $0x1  }
0xf7: {  	v8 =	vadd.s32 $0x2, v6;
	_ =	sdelay $0x1  }
0xf8: {  	v9 =	vld.idx.msk [tilespmem:v6+s4+$0x0], $0xffff  }
0xf9: {  	v10 =	vld.idx.msk [tilespmem:v7+s4+$0x0], $0xffff  }
0xfa: {  	v3 =	vcvt.s32.f32 v3;
	v5 =	vcvt.s32.f32 v5;
	v11 =	vadd.s32 $0x3, v6;
	v12 =	vld.idx.msk [tilespmem:v7+s23+$0x0], $0xffff  }
0xfb: {  	v4 =	vcvt.s32.f32 v4;
	v13 =	vld.idx.msk [tilespmem:v8+s23+$0x0], $0xffff  }
0xfc: {  	v0 =	vsub.f32 v0, v3;
	v2 =	vsub.f32 v2, v5;
	v14 =	vld.idx.msk [tilespmem:v7+s24+$0x0], $0xffff  }
0xfd: {  	v1 =	vsub.f32 v1, v4;
	v61 =	vld.idx.msk [tilespmem:v8+s24+$0x0], $0xffff  }
0xfe: {  	v15 =	vsub.f32 $1.000000000e+00, v0;
	v5 =	vsub.f32 $1.000000000e+00, v2;
	v62 =	vld.idx.msk [tilespmem:v8+s25+$0x0], $0xffff  }
0xff: {  	v16 =	vld.idx.msk [tilespmem:v11+s25+$0x0], $0xffff  }
0x100: {  	v17 =	vsub.f32 $1.000000000e+00, v1;
	v18 =	vmul.f32 v15, v5;
	v7 =	vld.idx.msk [tilespmem:v7+s26+$0x0], $0xffff  }
0x101: {  	v15 =	vmul.f32 v15, v2;
	v5 =	vmul.f32 v0, v5;
	v19 =	vld.idx.msk [tilespmem:v8+s26+$0x0], $0xffff  }
0x102: {  	v63 =	vadd.s32 $0x4, v6;
	v0 =	vmul.f32 v0, v2;
	v20 =	vld.idx.msk [tilespmem:v8+s28+$0x0], $0xffff;
	v21 =	vmul.f32 v17, v18  }
0x103: {  	v23 =	vld.idx.msk [tilespmem:v11+s28+$0x0], $0xffff;
	v22 =	vmul.f32 v17, v15;
	v24 =	vmul.f32 v17, v5  }
0x104: {  	v25 =	vld.idx.msk [tilespmem:v8+s29+$0x0], $0xffff;
	v17 =	vmul.f32 v17, v0;
	v18 =	vmul.f32 v18, v1  }
0x105: {  	v26 =	vld.idx.msk [tilespmem:v11+s29+$0x0], $0xffff;
	v15 =	vmul.f32 v15, v1;
	v5 =	vmul.f32 v1, v5  }
0x106: {  	v32 =	vld.idx.msk [tilespmem:v11+s30+$0x0], $0xffff;
	v0 =	vmul.f32 v1, v0;
	v9 =	vmul.f32 v21, v9  }
0x107: {  	v27 =	vld.idx.msk [tilespmem:v63+s30+$0x0], $0xffff;
	v10 =	vmul.f32 v22, v10;
	v12 =	vmul.f32 v24, v12  }
0x108: {  	v8 =	vld.idx.msk [tilespmem:v8+s31+$0x0], $0xffff;
	v13 =	vmul.f32 v17, v13;
	v14 =	vmul.f32 v18, v14  }
0x109: {  	v28 =	vld.idx.msk [tilespmem:v11+s31+$0x0], $0xffff;
	v3 =	vmul.f32 v15, v61;
	v4 =	vmul.f32 v62, v5  }
0x10a: {  	v6 =	vadd.s32 $0x5, v6;
	v29 =	vld.idx.msk [tilespmem:v11+s0+$0x0], $0xffff;
	v16 =	vmul.f32 v16, v0;
	v7 =	vmul.f32 v7, v21  }
0x10b: {  	v11 =	vld.idx.msk [tilespmem:v11+s1+$0x0], $0xffff;
	v35 =	vmul.f32 v19, v22;
	v37 =	vmul.f32 v20, v24  }
0x10c: {  	v2 =	vld.idx.msk [tilespmem:v63+s16+$0x0], $0xffff;
	v38 =	vmul.f32 v23, v17;
	v39 =	vmul.f32 v25, v18  }
0x10d: {  	v34 =	vld.idx.msk [tilespmem:v63+s0+$0x0], $0xffff;
	v40 =	vmul.f32 v26, v15;
	v1 =	vmul.f32 v32, v5  }
0x10e: {  	v36 =	vld.idx.msk [tilespmem:v63+s1+$0x0], $0xffff;
	v41 =	vmul.f32 v27, v0;
	v8 =	vmul.f32 v8, v21  }
0x10f: {  	v6 =	vld.idx.msk [tilespmem:v6+s16+$0x0], $0xffff;
	v42 =	vmul.f32 v28, v22;
	v43 =	vmul.f32 v29, v24;
	v9 =	vadd.f32 v10, v9  }
0x110: {  	v11 =	vmul.f32 v11, v18;
	v33 =	vadd.f32 v13, v12;
	v3 =	vadd.f32 v3, v14  }
0x111: {  	v2 =	vmul.f32 v2, v5;
	v4 =	vadd.f32 v16, v4;
	v7 =	vadd.f32 v35, v7  }
0x112: {  	v12 =	vmul.f32 v34, v17;
	v16 =	vadd.f32 v40, v39;
	v1 =	vadd.f32 v41, v1  }
0x113: {  	v13 =	vmul.f32 v36, v15;
	v44 =	vadd.f32 v42, v8;
	v9 =	vadd.f32 v33, v9  }
0x114: {  	v3 =	vadd.f32 v4, v3;
	v4 =	vadd.f32 v38, v37;
	v0 =	vmul.f32 v6, v0  }
0x115: {  	v45 =	vadd.f32 v12, v43;
	v46 =	vadd.f32 v13, v11  }
0x116: {  	v1 =	vadd.f32 v1, v16;
	v0 =	vadd.f32 v0, v2  }
0x117: {  	v3 =	vadd.f32 v3, v9;
	v47 =	vadd.f32 v4, v7  }
0x118: {  	v48 =	vadd.f32 v45, v44;
	v0 =	vadd.f32 v0, v46  }
0x119: {  	v1 =	vadd.f32 v1, v47  }
0x11a: {  	[tilespmem:s18+$0xFFFFFFF0] =	vst v3;
	v0 =	vadd.f32 v0, v48  }
0x11b: {  	[tilespmem:s17+$0xFFFFFFF0] =	vst v1  }
0x11c: {  	[tilespmem:s21+$0xFFFFFFF0] =	vst v0  }
0x11d: {  	v0 =	vld [tilespmem:s10+$0x0]  }
0x11e: {  	v1 =	vld [tilespmem:s8+$0x0]  }
0x11f: {  	v49 =	vld [tilespmem:s11+$0x0];
	_ =	sdelay $0x2  }
0x120: {  	v0 =	vmul.f32 $3.199996760e+01, v0  }
0x121: {  	v1 =	vmul.f32 $3.199996760e+01, v1  }
0x122: {  	v2 =	vmul.f32 $3.199996760e+01, v49;
	v50 =	vtrunc.f32 v0  }
0x123: {  	v51 =	vtrunc.f32 v1;
	v3 =	vcvt.f32.s32 v50  }
0x124: {  	v52 =	vtrunc.f32 v2;
	v4 =	vcvt.f32.s32 v51  }
0x125: {  	v5 =	vcvt.f32.s32 v52;
	vm13 =	vlt.s32 v3, $0x1F  }
0x126: {  	vm14 =	vlt.s32 v4, $0x1F;
	v3 =	vnsel vm13, $0x1F, v3  }
0x127: {  	vm15 =	vlt.s32 v5, $0x1F;
	v4 =	vnsel vm14, $0x1F, v4;
	v53 =	vmul.u32 $0x21, v3  }
0x128: {  	v5 =	vnsel vm15, $0x1F, v5;
	v54 =	vmul.u32 $0x441, v4  }
0x129: {  	v6 =	vadd.s32 v5, v53  }
0x12a: {  	v6 =	vadd.s32 v54, v6  }
0x12b: {  	v7 =	vadd.s32 $0x1, v6;
	_ =	sdelay $0x1  }
0x12c: {  	v55 =	vadd.s32 $0x2, v6;
	_ =	sdelay $0x1  }
0x12d: {  	v56 =	vld.idx.msk [tilespmem:v6+s4+$0x0], $0xffff  }
0x12e: {  	v57 =	vld.idx.msk [tilespmem:v7+s4+$0x0], $0xffff  }
0x12f: {  	v3 =	vcvt.s32.f32 v3;
	v58 =	vadd.s32 $0x3, v6;
	v59 =	vld.idx.msk [tilespmem:v7+s23+$0x0], $0xffff  }
0x130: {  	v5 =	vcvt.s32.f32 v5;
	v60 =	vld.idx.msk [tilespmem:v55+s23+$0x0], $0xffff  }
0x131: {  	v4 =	vcvt.s32.f32 v4;
	v0 =	vsub.f32 v0, v3;
	v61 =	vld.idx.msk [tilespmem:v7+s24+$0x0], $0xffff  }
0x132: {  	v2 =	vsub.f32 v2, v5;
	v62 =	vld.idx.msk [tilespmem:v55+s24+$0x0], $0xffff  }
0x133: {  	v1 =	vsub.f32 v1, v4;
	v31 =	vsub.f32 $1.000000000e+00, v0;
	v63 =	vld.idx.msk [tilespmem:v55+s25+$0x0], $0xffff  }
0x134: {  	v5 =	vsub.f32 $1.000000000e+00, v2;
	v32 =	vld.idx.msk [tilespmem:v58+s25+$0x0], $0xffff  }
0x135: {  	v33 =	vsub.f32 $1.000000000e+00, v1;
	v15 =	vmul.f32 v31, v2;
	v7 =	vld.idx.msk [tilespmem:v7+s26+$0x0], $0xffff  }
0x136: {  	v34 =	vmul.f32 v31, v5;
	v5 =	vmul.f32 v0, v5;
	v35 =	vld.idx.msk [tilespmem:v55+s26+$0x0], $0xffff  }
0x137: {  	v0 =	vmul.f32 v0, v2;
	v39 =	vmul.f32 v33, v15;
	v37 =	vld.idx.msk [tilespmem:v55+s28+$0x0], $0xffff  }
0x138: {  	v15 =	vmul.f32 v15, v1;
	v40 =	vld.idx.msk [tilespmem:v58+s28+$0x0], $0xffff;
	v38 =	vmul.f32 v33, v34  }
0x139: {  	v36 =	vadd.s32 $0x4, v6;
	v42 =	vld.idx.msk [tilespmem:v55+s29+$0x0], $0xffff;
	v41 =	vmul.f32 v33, v5;
	v17 =	vmul.f32 v33, v0  }
0x13a: {  	v43 =	vld.idx.msk [tilespmem:v58+s29+$0x0], $0xffff;
	v18 =	vmul.f32 v34, v1;
	v5 =	vmul.f32 v1, v5  }
0x13b: {  	v8 =	vld.idx.msk [tilespmem:v55+s31+$0x0], $0xffff;
	v0 =	vmul.f32 v1, v0;
	v9 =	vmul.f32 v38, v56  }
0x13c: {  	v46 =	vld.idx.msk [tilespmem:v58+s31+$0x0], $0xffff;
	v10 =	vmul.f32 v39, v57;
	v12 =	vmul.f32 v41, v59  }
0x13d: {  	v44 =	vld.idx.msk [tilespmem:v58+s30+$0x0], $0xffff;
	v13 =	vmul.f32 v17, v60;
	v14 =	vmul.f32 v18, v61  }
0x13e: {  	v45 =	vld.idx.msk [tilespmem:v36+s30+$0x0], $0xffff;
	v3 =	vmul.f32 v15, v62;
	v4 =	vmul.f32 v63, v5  }
0x13f: {  	v6 =	vadd.s32 $0x5, v6;
	v47 =	vld.idx.msk [tilespmem:v58+s0+$0x0], $0xffff;
	v16 =	vmul.f32 v32, v0;
	v7 =	vmul.f32 v7, v38  }
0x140: {  	v11 =	vld.idx.msk [tilespmem:v58+s1+$0x0], $0xffff;
	v8 =	vmul.f32 v8, v38;
	v51 =	vmul.f32 v35, v39  }
0x141: {  	v2 =	vld.idx.msk [tilespmem:v36+s16+$0x0], $0xffff;
	v52 =	vmul.f32 v46, v39;
	v53 =	vmul.f32 v37, v41  }
0x142: {  	v49 =	vld.idx.msk [tilespmem:v36+s0+$0x0], $0xffff;
	v54 =	vmul.f32 v40, v17;
	v55 =	vmul.f32 v42, v18  }
0x143: {  	v50 =	vld.idx.msk [tilespmem:v36+s1+$0x0], $0xffff;
	v56 =	vmul.f32 v43, v15;
	v1 =	vmul.f32 v44, v5  }
0x144: {  	v6 =	vld.idx.msk [tilespmem:v6+s16+$0x0], $0xffff;
	v57 =	vmul.f32 v45, v0;
	v58 =	vmul.f32 v47, v41;
	v9 =	vadd.f32 v10, v9  }
0x145: {  	v11 =	vmul.f32 v11, v18;
	v48 =	vadd.f32 v13, v12;
	v3 =	vadd.f32 v3, v14  }
0x146: {  	v2 =	vmul.f32 v2, v5;
	v4 =	vadd.f32 v16, v4;
	v14 =	vadd.f32 v54, v53  }
0x147: {  	v12 =	vmul.f32 v49, v17;
	v1 =	vadd.f32 v57, v1;
	v59 =	vadd.f32 v52, v8  }
0x148: {  	v10 =	vmul.f32 v50, v15;
	v9 =	vadd.f32 v48, v9;
	v3 =	vadd.f32 v4, v3  }
0x149: {  	v4 =	vadd.f32 v51, v7;
	v0 =	vmul.f32 v6, v0;
	v60 =	vadd.f32 v12, v58  }
0x14a: {  	v3 =	vadd.f32 v3, v9;
	v9 =	vadd.f32 v56, v55  }
0x14b: {  	s20 =	sadd.s32 $0x2, s20;
	v61 =	vadd.f32 v10, v11;
	v0 =	vadd.f32 v0, v2  }
0x14c: {  	p1 =	slt.u32 s20, $0x3E;
	v62 =	vadd.f32 v14, v4;
	v1 =	vadd.f32 v1, v9  }
.Ltmp3:
0x14d: {  	v63 =	vadd.f32 v60, v59;
	v0 =	vadd.f32 v0, v61;
	(pc) =	sbr.rel @p1 .LBB2_5-.Ltmp3, $4  }
0x14e: {  	v1 =	vadd.f32 v1, v62  }
0x14f: {  	[tilespmem:s18+$0x0] =	vst v3;
	v0 =	vadd.f32 v0, v63  }
0x150: {  	s8 =	sadd.s32 $0x20, s8;
	s10 =	sadd.s32 $0x20, s10;
	s11 =	sadd.s32 $0x20, s11;
	[tilespmem:s17+$0x0] =	vst v1  }
0x151: {  	s18 =	sadd.s32 $0x20, s18;
	s17 =	sadd.s32 $0x20, s17;
	[tilespmem:s21+$0x0] =	vst v0;
	s21 =	sadd.s32 $0x20, s21  }
0x152: {  	s8 =	sadd.s32 s19, s3  }
0x153: {  	s10 =	simm.s32 $0x1C980;
	s8 =	sadd.s32 $0x80, s8  }
0x154: {  	[hbm4b:s8+s4] =	stream.linear.scatter [tilespmem:s10], [sflag:$0x4], $0x400, $0x38;
	[tilespmem:$0x1D580] =	vst v63  }
.Ltmp4:
0x155: {  	_ = 	snop;
	(pc) =	sbr.rel @p0 .LBB2_8-.Ltmp4, $4  }
0x156: {  	s19 =	sadd.s32 $0x8080, s7;
	s20 =	simm.s32 $0x1CD80  }
0x157: {  	[hbm4b:s19+s4] =	stream.linear.scatter [tilespmem:s20], [sflag:$0x4], $0x400, $0x38;
	[tilespmem:$0x1D580] =	vst v63  }
0x158: {  	s21 =	sadd.s32 $0x10080, s7  }
0x159: {  	[hbm4b:s21+s4] =	stream.linear.scatter [tilespmem:s12], [sflag:$0x4], $0x400, $0x38;
	[tilespmem:$0x1D580] =	vst v63  }
0x15a: {  	s7 =	sadd.s32 $0x3, s13  }
0x15b: {  	s8 =	sshll.u32 s7, $0x1  }
0x15c: {  	s8 =	sand.u32 $0xF8, s8  }
0x15d: {  	s8 =	sadd.s32 s6, s8  }
0x15e: {  	s7 =	sshll.u32 s7, $0xA;
	s8 =	sshll.u32 s8, $0x9  }
0x15f: {  	s7 =	sand.u32 $0xC00, s7;
	s8 =	sadd.s32 s5, s8  }
0x160: {  	s7 =	sor.u32 s7, s8  }
0x161: {  	s7 =	sshrl.u32 s7, $0x3  }
0x162: {  	s19 =	simm.s32 $0x1B180;
	s7 =	sadd.s32 s2, s7  }
0x163: {  	[tilespmem:s19], [sflag:$0x2] =	stream.linear.gather [hbm4b:s7+s4], $0x400, $0x38;
	[tilespmem:$0x1D580] =	vst v63  }
.Ltmp5:
0x164: {  	_ = 	snop;
	(pc) =	sbr.rel .LBB2_2-.Ltmp5, $4  }
0x165: {  	s10 =	simm.s32 $0x1B580;
	s20 =	sadd.s32 $0x8000, s7  }
0x166: {  	[tilespmem:s10], [sflag:$0x2] =	stream.linear.gather [hbm4b:s20+s4], $0x400, $0x38;
	[tilespmem:$0x1D580] =	vst v63  }
0x167: {  	s21 =	simm.s32 $0x1B980;
	s15 =	sadd.s32 $0x1, s15;
	s7 =	sadd.s32 $0x10000, s7  }
0x168: {  	[tilespmem:s21], [sflag:$0x2] =	stream.linear.gather [hbm4b:s7+s4], $0x400, $0x38;
	[tilespmem:$0x1D580] =	vst v63  }
.LBB2_9:
0x169: {  	_ =	sfence.sel $0x180000  }
0x16a: {  	[bflag:$0x0] =	sbarrier.arrive $0xFFFF  }
0x16b: {  	_ =	strace $0x90000047  }
0x16c: {  	s0 =	stileid.u32;
	[bflag:$0x2] =	sbarrier.arrive $0xFFFF  }
0x16d: {  	p0 =	sne.s32 s0, $0x0;
	s0 =	rddreg [dreg:$0x3]  }
0x16e: {  	s0 =	sadd.s32 @!p0 $0x100000, s0  }
0x16f: {  	[sflag:s0] =	ssyncadd.tile.s32 @!p0 $0x1;
	_ =	shalt  }
.Lfunc_end2:
_tile_overlayer_lowered:
.L_overlay_start_2:
0x170: {  	(tag) =	ssettag $0x2  }
0x171: {  	s0 =	rddreg [dreg:$0x0];
	s2 =	stileid.u32  }
0x172: {  	s1 =	rddreg [dreg:$0x1];
	p0 =	sne.s32 s2, $0x0  }
0x173: {  	s3 =	rddreg [dreg:$0x2];
	[bflag:$0x3] =	sbarrier.arrive $0xFFFF;
	s2 =	simm.s32 @!p0 $0x1C05  }
0x174: {  	[timem:s3], [sflag:s2] =	dma.local @!p0 [hbm:s0], s1  }
0x175: {  	s0 =	simm.s32 @!p0 $0x5  }
0x176: {  	_ =	swait.ge @!p0 [sflag:s0], s1  }
0x177: {  	s1 =	ssub.s32 @!p0 $0x0, s1;
	[sflag:s0] =	ssyncset.done @!p0 $0x0  }
0x178: {  	[sflag:s0] =	ssyncadd.s32 @!p0 s1  }
0x179: {  	[bflag:$0x3] =	sbarrier.arrive $0xFFFF  }
0x17a: {  	_ =	shalt  }

</sc_bundles>
